<compile_context>
chip_gen: v7x
topology: tpu7x:2x2x1
jax: 0.10.2.dev20260603
libtpu: 0.0.44.dev20260713+nightly
codegen_flags: <defaults>
</compile_context>

<pallas_src>
import functools

import jax
import jax.numpy as jnp
from jax import lax
from jax.experimental import pallas as pl
from jax.experimental.pallas import tpu as pltpu
from jax.experimental.pallas import tpu_sc as plsc

B, D = 128, 8192
H = D // 4
MIN_S, MAX_S = 0.05, 0.3
KBLK = 1024
NSTEPS = D // KBLK

NC, NS, L = 2, 16, 16
NW = NC * NS
RPW = B // NW



def _head_kernel(x_ref, w1_ref, b1_ref, w2_ref, b2_ref,
                 s_ref, kexp_ref, acc_ref):
    j = pl.program_id(0)

    @pl.when(j == 0)
    def _init():
        acc_ref[...] = jnp.zeros_like(acc_ref)

    acc_ref[...] += jnp.dot(x_ref[...], w1_ref[...],
                            preferred_element_type=jnp.float32)

    @pl.when(j == NSTEPS - 1)
    def _finish():
        h = jnp.maximum(acc_ref[...] + b1_ref[...], 0.0)
        t = jnp.dot(h, w2_ref[...], preferred_element_type=jnp.float32)
        s = jax.nn.sigmoid(t + b2_ref[...])
        sparsity = MIN_S + (MAX_S - MIN_S) * s
        k = jnp.clip(jnp.round(D * (1.0 - sparsity)), 1.0, float(D))
        s_ref[...] = sparsity
        kexp_ref[...] = jnp.broadcast_to(k, (B, L))


def _head(x, W1, b1, W2, b2):
    return pl.pallas_call(
        _head_kernel,
        grid=(NSTEPS,),
        in_specs=[
            pl.BlockSpec((B, KBLK), lambda j: (0, j)),
            pl.BlockSpec((KBLK, H), lambda j: (j, 0)),
            pl.BlockSpec((1, H), lambda j: (0, 0)),
            pl.BlockSpec((H, 1), lambda j: (0, 0)),
            pl.BlockSpec((1, 1), lambda j: (0, 0)),
        ],
        out_specs=(
            pl.BlockSpec((B, 1), lambda j: (0, 0)),
            pl.BlockSpec((B, L), lambda j: (0, 0)),
        ),
        out_shape=(
            jax.ShapeDtypeStruct((B, 1), jnp.float32),
            jax.ShapeDtypeStruct((B, L), jnp.float32),
        ),
        scratch_shapes=[pltpu.VMEM((B, H), jnp.float32)],
    )(x, W1, b1.reshape(1, H), W2, b2.reshape(1, 1))



_mesh = plsc.VectorSubcoreMesh(core_axis_name="c", subcore_axis_name="s")


@functools.partial(
    pl.kernel,
    mesh=_mesh,
    out_type=(
        jax.ShapeDtypeStruct((B, D), jnp.float32),
        jax.ShapeDtypeStruct((B, D), jnp.float32),
        jax.ShapeDtypeStruct((B * L,), jnp.float32),
        jax.ShapeDtypeStruct((NW * L,), jnp.float32),
    ),
    scratch_types=[
        pltpu.VMEM((RPW * D,), jnp.float32),
        pltpu.VMEM((RPW * D,), jnp.float32),
        pltpu.VMEM((RPW * D,), jnp.int32),
        pltpu.VMEM((RPW * L,), jnp.float32),
        pltpu.VMEM((RPW * L,), jnp.float32),
        pltpu.VMEM((L,), jnp.float32),
        pltpu.SemaphoreType.DMA,
    ],
)
def _sc_select(x_hbm, kexp_hbm, sparse_hbm, mask_hbm, nnz_hbm, l1_hbm,
               xv, mv, bv, kv, nnzv, l1v, sem):
    wid = lax.axis_index("s") * NC + lax.axis_index("c")
    base = wid * RPW

    copies = []
    for r in range(RPW):
        copies.append(pltpu.async_copy(
            x_hbm.at[base + r], xv.at[pl.ds(r * D, D)], sem))
        copies.append(pltpu.async_copy(
            kexp_hbm.at[pl.ds((base + r) * L, L)], kv.at[pl.ds(r * L, L)], sem))
    for c in copies:
        c.wait()

    iota = lax.iota(jnp.int32, L)
    dnums = lax.GatherDimensionNumbers(
        offset_dims=(), collapsed_slice_dims=(0,), start_index_map=(0,))

    def lane_sum(v):
        for sh in (8, 4, 2, 1):
            v = v + lax.gather(v, (iota ^ sh)[:, None], dnums,
                               slice_sizes=(1,),
                               mode=lax.GatherScatterMode.PROMISE_IN_BOUNDS)
        return v

    ones = jnp.ones((L,), jnp.float32)
    zero_f = jnp.zeros((L,), jnp.float32)
    signmask = jnp.full((L,), 0x7FFFFFFF, jnp.int32)

    NACC = 8
    UNR = 16
    zero_i = jnp.zeros((L,), jnp.int32)

    def bpass(j, _):
        for t in range(UNR):
            off = j * UNR * L + t * L
            v = xv[pl.ds(off, L)]
            bv[pl.ds(off, L)] = (
                lax.bitcast_convert_type(v, jnp.int32) & signmask)
        return 0

    lax.fori_loop(0, RPW * D // (UNR * L), bpass, 0)

    l1_acc = zero_f
    outs = []
    for r in range(RPW):
        rb = r * D
        k_vec = kv[pl.ds(r * L, L)]

        def step(i, p, rb=rb):
            bitval = lax.shift_left(jnp.int32(1), jnp.int32(30) - i)
            c = p | jnp.broadcast_to(bitval, (L,))

            def inner(j, accs, rb=rb, c=c):
                accs = list(accs)
                for t in range(UNR):
                    b = bv[pl.ds(rb + j * UNR * L + t * L, L)]
                    accs[t % NACC] = accs[t % NACC] + lax.shift_right_arithmetic(b - c, 31)
                return tuple(accs)

            accs = lax.fori_loop(0, D // (UNR * L), inner, (zero_i,) * NACC)
            neg = accs[0]
            for t in range(1, NACC):
                neg = neg + accs[t]
            cnt = (-neg).astype(jnp.float32)
            return jnp.where(lane_sum(cnt) < k_vec, c, p)

        p = lax.fori_loop(0, 31, step, jnp.zeros((L,), jnp.int32))

        def mpass(j, carry, rb=rb, p=p):
            nnz0, nnz1, l10, l11 = carry
            for t in range(4):
                off = rb + j * 4 * L + t * L
                v = xv[pl.ds(off, L)]
                b = bv[pl.ds(off, L)]
                mf = jnp.where(b > p, 1.0, 0.0)
                sx = v * mf
                xv[pl.ds(off, L)] = sx
                mv[pl.ds(off, L)] = mf
                ax = jnp.abs(sx)
                if t % 2 == 0:
                    nnz0 = nnz0 + mf
                    l10 = l10 + ax
                else:
                    nnz1 = nnz1 + mf
                    l11 = l11 + ax
            return (nnz0, nnz1, l10, l11)

        nnz0, nnz1, l10, l11 = lax.fori_loop(
            0, D // (4 * L), mpass, (zero_f,) * 4)
        nnzv[pl.ds(r * L, L)] = lane_sum(nnz0 + nnz1) * (1.0 / D)
        l1_acc = l1_acc + l10 + l11

        outs.append(pltpu.async_copy(
            xv.at[pl.ds(rb, D)], sparse_hbm.at[base + r], sem))
        outs.append(pltpu.async_copy(
            mv.at[pl.ds(rb, D)], mask_hbm.at[base + r], sem))

    l1v[...] = lane_sum(l1_acc)

    outs.append(pltpu.async_copy(
        nnzv, nnz_hbm.at[pl.ds(base * L, RPW * L)], sem))
    outs.append(pltpu.async_copy(
        l1v, l1_hbm.at[pl.ds(wid * L, L)], sem))
    for c in outs:
        c.wait()


@jax.jit
def kernel(x, W1, b1, W2, b2):
    sparsity, kexp = _head(x, W1, b1, W2, b2)
    sparse_x, mask, nnz, l1p = _sc_select(x, kexp.reshape(B * L))
    actual_sparsity = nnz.reshape(B, L)[:, 0]
    l1_reg = l1p.reshape(NW, L)[:, 0].sum() * (1.0 / B)
    return (sparse_x, mask, sparsity, actual_sparsity, l1_reg)

# --- scband reference (transcript-rebuilt; emitter-appended) ---
"""Pipeline reference for scband-adaptive-sparse-encoder-14001593385710 (READ-ONLY COPY).

The authoritative reference and input builder live on the scoring server;
editing this copy changes nothing except your own understanding.
"""

import jax, jax.numpy as jnp
import numpy as np

B, D = 128, 8192
H = D // 4
MIN_S, MAX_S = 0.05, 0.3

def setup_inputs(seed: int = 0) -> dict:
    key = jax.random.key(seed)
    ks = jax.random.split(key, 5)
    x = jax.random.normal(ks[0], (B, D), dtype=jnp.float32)
    # sparsity predictor params: Linear(D, D//4) -> ReLU -> Linear(D//4, 1) -> Sigmoid
    W1 = jax.random.normal(ks[1], (D, H), dtype=jnp.float32) * (1.0 / np.sqrt(D))
    b1 = jnp.zeros((H,), dtype=jnp.float32)
    W2 = jax.random.normal(ks[2], (H, 1), dtype=jnp.float32) * (1.0 / np.sqrt(H))
    b2 = jnp.zeros((1,), dtype=jnp.float32)
    return {"x": x, "W1": W1, "b1": b1, "W2": W2, "b2": b2}

def reference(x, W1, b1, W2, b2):
    d = x.shape[1]
    # get_sparsity: learned predictor, rescaled into [min_sparsity, max_sparsity]
    h = jax.nn.relu(x @ W1 + b1)
    s = jax.nn.sigmoid(h @ W2 + b2)              # [B, 1]
    sparsity = MIN_S + (MAX_S - MIN_S) * s       # [B, 1]
    # get_threshold: per-row kthvalue of |x| with k = max(1, round(D*(1-sparsity)))
    abs_x = jnp.abs(x)
    sorted_abs = jnp.sort(abs_x, axis=1)         # ascending, kthvalue semantics
    k = jnp.clip(jnp.round(d * (1.0 - sparsity)).astype(jnp.int32), 1, d)  # [B, 1]
    threshold = jnp.take_along_axis(sorted_abs, k - 1, axis=1)             # [B, 1]
    # masking
    mask = (abs_x > threshold).astype(jnp.float32)
    sparse_x = x * mask
    actual_sparsity = mask.sum(axis=1) / mask.shape[1]
    l1_reg = jnp.abs(sparse_x).sum(axis=1).mean()
    return (sparse_x, mask, sparsity, actual_sparsity, l1_reg)

if __name__ == "__main__":
    import jax
    _d = setup_inputs()
    print(jax.jit(kernel)(*tuple(_d.values())))

</pallas_src>

<mosaic_0001>
#map = affine_map<(d0, d1) -> (0, 0)>
#map1 = affine_map<(d0, d1) -> (0)>
module attributes {stable_mosaic.version = 14 : i64} {
  func.func @_sc_select(%arg0: i32, %arg1: i32, %arg2: memref<128x8192xf32, #tpu.memory_space<hbm>>, %arg3: memref<2048xf32, #tpu.memory_space<hbm>>, %arg4: memref<128x8192xf32, #tpu.memory_space<hbm>>, %arg5: memref<128x8192xf32, #tpu.memory_space<hbm>>, %arg6: memref<2048xf32, #tpu.memory_space<hbm>>, %arg7: memref<512xf32, #tpu.memory_space<hbm>>, %arg8: memref<32768xf32, #tpu.memory_space<vmem>>, %arg9: memref<32768xf32, #tpu.memory_space<vmem>>, %arg10: memref<32768xi32, #tpu.memory_space<vmem>>, %arg11: memref<64xf32, #tpu.memory_space<vmem>>, %arg12: memref<64xf32, #tpu.memory_space<vmem>>, %arg13: memref<16xf32, #tpu.memory_space<vmem>>, %arg14: memref<!tpu.dma_semaphore, #tpu.memory_space<semaphore_mem>>) attributes {dimension_semantics = [#tpu.dimension_semantics<core_parallel>, #tpu.dimension_semantics<subcore_parallel>], iteration_bounds = array<i64: 2, 16>, scalar_prefetch = 0 : i64, scratch_operands = 7 : i64, tpu.core_type = #tpu.core_type<sc_vector_subcore>, window_params = [{transform_indices = #map}, {transform_indices = #map1}, {transform_indices = #map}, {transform_indices = #map}, {transform_indices = #map1}, {transform_indices = #map1}]} {
    %mul3A = arith.constant 2 : i32
    %mul3A_0 = arith.muli %arg1, %mul3A : i32
    %add3A = arith.addi %mul3A_0, %arg0 : i32
    %mul3A_1 = arith.constant 4 : i32
    %mul3A_2 = arith.muli %add3A, %mul3A_1 : i32
    %add3A_3 = arith.constant 0 : i32
    %add3A_4 = arith.addi %mul3A_2, %add3A_3 : i32
    %dma_start3A = arith.constant 0 : i32
    %dma_start3A_5 = tpu.memref_slice %arg8[%dma_start3A] : memref<32768xf32, #tpu.memory_space<vmem>> -> memref<8192xf32, #tpu.memory_space<vmem>>
    %dma_start3A_6 = arith.constant 0 : i32
    %dma_start3A_7 = tpu.memref_slice %arg2[%add3A_4, %dma_start3A_6] : memref<128x8192xf32, #tpu.memory_space<hbm>> -> memref<1x8192xf32, #tpu.memory_space<hbm>>
    %dma_start3A_8 = tpu.memref_squeeze %dma_start3A_7 : memref<1x8192xf32, #tpu.memory_space<hbm>> -> memref<8192xf32, #tpu.memory_space<hbm>>
    %dma_start3A_9 = arith.constant 0 : i32
    %dma_start3A_10 = tpu.memref_slice %arg8[%dma_start3A_9] : memref<32768xf32, #tpu.memory_space<vmem>> -> memref<8192xf32, #tpu.memory_space<vmem>>
    %dma_start3A_11 = arith.constant 0 : i32
    %dma_start3A_12 = tpu.memref_slice %arg2[%add3A_4, %dma_start3A_11] : memref<128x8192xf32, #tpu.memory_space<hbm>> -> memref<1x8192xf32, #tpu.memory_space<hbm>>
    %dma_start3A_13 = tpu.memref_squeeze %dma_start3A_12 : memref<1x8192xf32, #tpu.memory_space<hbm>> -> memref<8192xf32, #tpu.memory_space<hbm>>
    tpu.enqueue_dma source(%dma_start3A_13 : memref<8192xf32, #tpu.memory_space<hbm>>) target(%dma_start3A_10 : memref<8192xf32, #tpu.memory_space<vmem>>) target_semaphore(%arg14 : memref<!tpu.dma_semaphore, #tpu.memory_space<semaphore_mem>>)
    %add3A_14 = arith.constant 0 : i32
    %add3A_15 = arith.addi %mul3A_2, %add3A_14 : i32
    %mul3A_16 = arith.constant 16 : i32
    %mul3A_17 = arith.muli %add3A_15, %mul3A_16 : i32
    %dma_start3A_18 = arith.constant 0 : i32
    %dma_start3A_19 = tpu.memref_slice %arg11[%dma_start3A_18] : memref<64xf32, #tpu.memory_space<vmem>> -> memref<16xf32, #tpu.memory_space<vmem>>
    %dma_start3A_20 = tpu.memref_slice %arg3[%mul3A_17] : memref<2048xf32, #tpu.memory_space<hbm>> -> memref<16xf32, #tpu.memory_space<hbm>>
    %dma_start3A_21 = arith.constant 0 : i32
    %dma_start3A_22 = tpu.memref_slice %arg11[%dma_start3A_21] : memref<64xf32, #tpu.memory_space<vmem>> -> memref<16xf32, #tpu.memory_space<vmem>>
    %dma_start3A_23 = tpu.memref_slice %arg3[%mul3A_17] : memref<2048xf32, #tpu.memory_space<hbm>> -> memref<16xf32, #tpu.memory_space<hbm>>
    tpu.enqueue_dma source(%dma_start3A_23 : memref<16xf32, #tpu.memory_space<hbm>>) target(%dma_start3A_22 : memref<16xf32, #tpu.memory_space<vmem>>) target_semaphore(%arg14 : memref<!tpu.dma_semaphore, #tpu.memory_space<semaphore_mem>>)
    %add3A_24 = arith.constant 1 : i32
    %add3A_25 = arith.addi %mul3A_2, %add3A_24 : i32
    %dma_start3A_26 = arith.constant 8192 : i32
    %dma_start3A_27 = tpu.memref_slice %arg8[%dma_start3A_26] : memref<32768xf32, #tpu.memory_space<vmem>> -> memref<8192xf32, #tpu.memory_space<vmem>>
    %dma_start3A_28 = arith.constant 0 : i32
    %dma_start3A_29 = tpu.memref_slice %arg2[%add3A_25, %dma_start3A_28] : memref<128x8192xf32, #tpu.memory_space<hbm>> -> memref<1x8192xf32, #tpu.memory_space<hbm>>
    %dma_start3A_30 = tpu.memref_squeeze %dma_start3A_29 : memref<1x8192xf32, #tpu.memory_space<hbm>> -> memref<8192xf32, #tpu.memory_space<hbm>>
    %dma_start3A_31 = arith.constant 8192 : i32
    %dma_start3A_32 = tpu.memref_slice %arg8[%dma_start3A_31] : memref<32768xf32, #tpu.memory_space<vmem>> -> memref<8192xf32, #tpu.memory_space<vmem>>
    %dma_start3A_33 = arith.constant 0 : i32
    %dma_start3A_34 = tpu.memref_slice %arg2[%add3A_25, %dma_start3A_33] : memref<128x8192xf32, #tpu.memory_space<hbm>> -> memref<1x8192xf32, #tpu.memory_space<hbm>>
    %dma_start3A_35 = tpu.memref_squeeze %dma_start3A_34 : memref<1x8192xf32, #tpu.memory_space<hbm>> -> memref<8192xf32, #tpu.memory_space<hbm>>
    tpu.enqueue_dma source(%dma_start3A_35 : memref<8192xf32, #tpu.memory_space<hbm>>) target(%dma_start3A_32 : memref<8192xf32, #tpu.memory_space<vmem>>) target_semaphore(%arg14 : memref<!tpu.dma_semaphore, #tpu.memory_space<semaphore_mem>>)
    %add3A_36 = arith.constant 1 : i32
    %add3A_37 = arith.addi %mul3A_2, %add3A_36 : i32
    %mul3A_38 = arith.constant 16 : i32
    %mul3A_39 = arith.muli %add3A_37, %mul3A_38 : i32
    %dma_start3A_40 = arith.constant 16 : i32
    %dma_start3A_41 = tpu.memref_slice %arg11[%dma_start3A_40] : memref<64xf32, #tpu.memory_space<vmem>> -> memref<16xf32, #tpu.memory_space<vmem>>
    %dma_start3A_42 = tpu.memref_slice %arg3[%mul3A_39] : memref<2048xf32, #tpu.memory_space<hbm>> -> memref<16xf32, #tpu.memory_space<hbm>>
    %dma_start3A_43 = arith.constant 16 : i32
    %dma_start3A_44 = tpu.memref_slice %arg11[%dma_start3A_43] : memref<64xf32, #tpu.memory_space<vmem>> -> memref<16xf32, #tpu.memory_space<vmem>>
    %dma_start3A_45 = tpu.memref_slice %arg3[%mul3A_39] : memref<2048xf32, #tpu.memory_space<hbm>> -> memref<16xf32, #tpu.memory_space<hbm>>
    tpu.enqueue_dma source(%dma_start3A_45 : memref<16xf32, #tpu.memory_space<hbm>>) target(%dma_start3A_44 : memref<16xf32, #tpu.memory_space<vmem>>) target_semaphore(%arg14 : memref<!tpu.dma_semaphore, #tpu.memory_space<semaphore_mem>>)
    %add3A_46 = arith.constant 2 : i32
    %add3A_47 = arith.addi %mul3A_2, %add3A_46 : i32
    %dma_start3A_48 = arith.constant 16384 : i32
    %dma_start3A_49 = tpu.memref_slice %arg8[%dma_start3A_48] : memref<32768xf32, #tpu.memory_space<vmem>> -> memref<8192xf32, #tpu.memory_space<vmem>>
    %dma_start3A_50 = arith.constant 0 : i32
    %dma_start3A_51 = tpu.memref_slice %arg2[%add3A_47, %dma_start3A_50] : memref<128x8192xf32, #tpu.memory_space<hbm>> -> memref<1x8192xf32, #tpu.memory_space<hbm>>
    %dma_start3A_52 = tpu.memref_squeeze %dma_start3A_51 : memref<1x8192xf32, #tpu.memory_space<hbm>> -> memref<8192xf32, #tpu.memory_space<hbm>>
    %dma_start3A_53 = arith.constant 16384 : i32
    %dma_start3A_54 = tpu.memref_slice %arg8[%dma_start3A_53] : memref<32768xf32, #tpu.memory_space<vmem>> -> memref<8192xf32, #tpu.memory_space<vmem>>
    %dma_start3A_55 = arith.constant 0 : i32
    %dma_start3A_56 = tpu.memref_slice %arg2[%add3A_47, %dma_start3A_55] : memref<128x8192xf32, #tpu.memory_space<hbm>> -> memref<1x8192xf32, #tpu.memory_space<hbm>>
    %dma_start3A_57 = tpu.memref_squeeze %dma_start3A_56 : memref<1x8192xf32, #tpu.memory_space<hbm>> -> memref<8192xf32, #tpu.memory_space<hbm>>
    tpu.enqueue_dma source(%dma_start3A_57 : memref<8192xf32, #tpu.memory_space<hbm>>) target(%dma_start3A_54 : memref<8192xf32, #tpu.memory_space<vmem>>) target_semaphore(%arg14 : memref<!tpu.dma_semaphore, #tpu.memory_space<semaphore_mem>>)
    %add3A_58 = arith.constant 2 : i32
    %add3A_59 = arith.addi %mul3A_2, %add3A_58 : i32
    %mul3A_60 = arith.constant 16 : i32
    %mul3A_61 = arith.muli %add3A_59, %mul3A_60 : i32
    %dma_start3A_62 = arith.constant 32 : i32
    %dma_start3A_63 = tpu.memref_slice %arg11[%dma_start3A_62] : memref<64xf32, #tpu.memory_space<vmem>> -> memref<16xf32, #tpu.memory_space<vmem>>
    %dma_start3A_64 = tpu.memref_slice %arg3[%mul3A_61] : memref<2048xf32, #tpu.memory_space<hbm>> -> memref<16xf32, #tpu.memory_space<hbm>>
    %dma_start3A_65 = arith.constant 32 : i32
    %dma_start3A_66 = tpu.memref_slice %arg11[%dma_start3A_65] : memref<64xf32, #tpu.memory_space<vmem>> -> memref<16xf32, #tpu.memory_space<vmem>>
    %dma_start3A_67 = tpu.memref_slice %arg3[%mul3A_61] : memref<2048xf32, #tpu.memory_space<hbm>> -> memref<16xf32, #tpu.memory_space<hbm>>
    tpu.enqueue_dma source(%dma_start3A_67 : memref<16xf32, #tpu.memory_space<hbm>>) target(%dma_start3A_66 : memref<16xf32, #tpu.memory_space<vmem>>) target_semaphore(%arg14 : memref<!tpu.dma_semaphore, #tpu.memory_space<semaphore_mem>>)
    %add3A_68 = arith.constant 3 : i32
    %add3A_69 = arith.addi %mul3A_2, %add3A_68 : i32
    %dma_start3A_70 = arith.constant 24576 : i32
    %dma_start3A_71 = tpu.memref_slice %arg8[%dma_start3A_70] : memref<32768xf32, #tpu.memory_space<vmem>> -> memref<8192xf32, #tpu.memory_space<vmem>>
    %dma_start3A_72 = arith.constant 0 : i32
    %dma_start3A_73 = tpu.memref_slice %arg2[%add3A_69, %dma_start3A_72] : memref<128x8192xf32, #tpu.memory_space<hbm>> -> memref<1x8192xf32, #tpu.memory_space<hbm>>
    %dma_start3A_74 = tpu.memref_squeeze %dma_start3A_73 : memref<1x8192xf32, #tpu.memory_space<hbm>> -> memref<8192xf32, #tpu.memory_space<hbm>>
    %dma_start3A_75 = arith.constant 24576 : i32
    %dma_start3A_76 = tpu.memref_slice %arg8[%dma_start3A_75] : memref<32768xf32, #tpu.memory_space<vmem>> -> memref<8192xf32, #tpu.memory_space<vmem>>
    %dma_start3A_77 = arith.constant 0 : i32
    %dma_start3A_78 = tpu.memref_slice %arg2[%add3A_69, %dma_start3A_77] : memref<128x8192xf32, #tpu.memory_space<hbm>> -> memref<1x8192xf32, #tpu.memory_space<hbm>>
    %dma_start3A_79 = tpu.memref_squeeze %dma_start3A_78 : memref<1x8192xf32, #tpu.memory_space<hbm>> -> memref<8192xf32, #tpu.memory_space<hbm>>
    tpu.enqueue_dma source(%dma_start3A_79 : memref<8192xf32, #tpu.memory_space<hbm>>) target(%dma_start3A_76 : memref<8192xf32, #tpu.memory_space<vmem>>) target_semaphore(%arg14 : memref<!tpu.dma_semaphore, #tpu.memory_space<semaphore_mem>>)
    %add3A_80 = arith.constant 3 : i32
    %add3A_81 = arith.addi %mul3A_2, %add3A_80 : i32
    %mul3A_82 = arith.constant 16 : i32
    %mul3A_83 = arith.muli %add3A_81, %mul3A_82 : i32
    %dma_start3A_84 = arith.constant 48 : i32
    %dma_start3A_85 = tpu.memref_slice %arg11[%dma_start3A_84] : memref<64xf32, #tpu.memory_space<vmem>> -> memref<16xf32, #tpu.memory_space<vmem>>
    %dma_start3A_86 = tpu.memref_slice %arg3[%mul3A_83] : memref<2048xf32, #tpu.memory_space<hbm>> -> memref<16xf32, #tpu.memory_space<hbm>>
    %dma_start3A_87 = arith.constant 48 : i32
    %dma_start3A_88 = tpu.memref_slice %arg11[%dma_start3A_87] : memref<64xf32, #tpu.memory_space<vmem>> -> memref<16xf32, #tpu.memory_space<vmem>>
    %dma_start3A_89 = tpu.memref_slice %arg3[%mul3A_83] : memref<2048xf32, #tpu.memory_space<hbm>> -> memref<16xf32, #tpu.memory_space<hbm>>
    tpu.enqueue_dma source(%dma_start3A_89 : memref<16xf32, #tpu.memory_space<hbm>>) target(%dma_start3A_88 : memref<16xf32, #tpu.memory_space<vmem>>) target_semaphore(%arg14 : memref<!tpu.dma_semaphore, #tpu.memory_space<semaphore_mem>>)
    %dma_wait3A = arith.constant 0 : i32
    %dma_wait3A_90 = tpu.memref_slice %arg8[%dma_wait3A] : memref<32768xf32, #tpu.memory_space<vmem>> -> memref<8192xf32, #tpu.memory_space<vmem>>
    %dma_wait3A_91 = arith.constant 0 : i32
    %dma_wait3A_92 = tpu.memref_slice %arg2[%add3A_4, %dma_wait3A_91] : memref<128x8192xf32, #tpu.memory_space<hbm>> -> memref<1x8192xf32, #tpu.memory_space<hbm>>
    %dma_wait3A_93 = tpu.memref_squeeze %dma_wait3A_92 : memref<1x8192xf32, #tpu.memory_space<hbm>> -> memref<8192xf32, #tpu.memory_space<hbm>>
    %dma_wait3A_94 = arith.constant 0 : i32
    %dma_wait3A_95 = tpu.memref_slice %arg8[%dma_wait3A_94] : memref<32768xf32, #tpu.memory_space<vmem>> -> memref<8192xf32, #tpu.memory_space<vmem>>
    %dma_wait3A_96 = arith.constant 0 : i32
    %dma_wait3A_97 = tpu.memref_slice %arg2[%add3A_4, %dma_wait3A_96] : memref<128x8192xf32, #tpu.memory_space<hbm>> -> memref<1x8192xf32, #tpu.memory_space<hbm>>
    %dma_wait3A_98 = tpu.memref_squeeze %dma_wait3A_97 : memref<1x8192xf32, #tpu.memory_space<hbm>> -> memref<8192xf32, #tpu.memory_space<hbm>>
    tpu.wait_dma2 semaphore(%arg14 : memref<!tpu.dma_semaphore, #tpu.memory_space<semaphore_mem>>) src(%dma_wait3A_98 : memref<8192xf32, #tpu.memory_space<hbm>>) dst(%dma_wait3A_95 : memref<8192xf32, #tpu.memory_space<vmem>>)
    %dma_wait3A_99 = arith.constant 0 : i32
    %dma_wait3A_100 = tpu.memref_slice %arg11[%dma_wait3A_99] : memref<64xf32, #tpu.memory_space<vmem>> -> memref<16xf32, #tpu.memory_space<vmem>>
    %dma_wait3A_101 = tpu.memref_slice %arg3[%mul3A_17] : memref<2048xf32, #tpu.memory_space<hbm>> -> memref<16xf32, #tpu.memory_space<hbm>>
    %dma_wait3A_102 = arith.constant 0 : i32
    %dma_wait3A_103 = tpu.memref_slice %arg11[%dma_wait3A_102] : memref<64xf32, #tpu.memory_space<vmem>> -> memref<16xf32, #tpu.memory_space<vmem>>
    %dma_wait3A_104 = tpu.memref_slice %arg3[%mul3A_17] : memref<2048xf32, #tpu.memory_space<hbm>> -> memref<16xf32, #tpu.memory_space<hbm>>
    tpu.wait_dma2 semaphore(%arg14 : memref<!tpu.dma_semaphore, #tpu.memory_space<semaphore_mem>>) src(%dma_wait3A_104 : memref<16xf32, #tpu.memory_space<hbm>>) dst(%dma_wait3A_103 : memref<16xf32, #tpu.memory_space<vmem>>)
    %dma_wait3A_105 = arith.constant 8192 : i32
    %dma_wait3A_106 = tpu.memref_slice %arg8[%dma_wait3A_105] : memref<32768xf32, #tpu.memory_space<vmem>> -> memref<8192xf32, #tpu.memory_space<vmem>>
    %dma_wait3A_107 = arith.constant 0 : i32
    %dma_wait3A_108 = tpu.memref_slice %arg2[%add3A_25, %dma_wait3A_107] : memref<128x8192xf32, #tpu.memory_space<hbm>> -> memref<1x8192xf32, #tpu.memory_space<hbm>>
    %dma_wait3A_109 = tpu.memref_squeeze %dma_wait3A_108 : memref<1x8192xf32, #tpu.memory_space<hbm>> -> memref<8192xf32, #tpu.memory_space<hbm>>
    %dma_wait3A_110 = arith.constant 8192 : i32
    %dma_wait3A_111 = tpu.memref_slice %arg8[%dma_wait3A_110] : memref<32768xf32, #tpu.memory_space<vmem>> -> memref<8192xf32, #tpu.memory_space<vmem>>
    %dma_wait3A_112 = arith.constant 0 : i32
    %dma_wait3A_113 = tpu.memref_slice %arg2[%add3A_25, %dma_wait3A_112] : memref<128x8192xf32, #tpu.memory_space<hbm>> -> memref<1x8192xf32, #tpu.memory_space<hbm>>
    %dma_wait3A_114 = tpu.memref_squeeze %dma_wait3A_113 : memref<1x8192xf32, #tpu.memory_space<hbm>> -> memref<8192xf32, #tpu.memory_space<hbm>>
    tpu.wait_dma2 semaphore(%arg14 : memref<!tpu.dma_semaphore, #tpu.memory_space<semaphore_mem>>) src(%dma_wait3A_114 : memref<8192xf32, #tpu.memory_space<hbm>>) dst(%dma_wait3A_111 : memref<8192xf32, #tpu.memory_space<vmem>>)
    %dma_wait3A_115 = arith.constant 16 : i32
    %dma_wait3A_116 = tpu.memref_slice %arg11[%dma_wait3A_115] : memref<64xf32, #tpu.memory_space<vmem>> -> memref<16xf32, #tpu.memory_space<vmem>>
    %dma_wait3A_117 = tpu.memref_slice %arg3[%mul3A_39] : memref<2048xf32, #tpu.memory_space<hbm>> -> memref<16xf32, #tpu.memory_space<hbm>>
    %dma_wait3A_118 = arith.constant 16 : i32
    %dma_wait3A_119 = tpu.memref_slice %arg11[%dma_wait3A_118] : memref<64xf32, #tpu.memory_space<vmem>> -> memref<16xf32, #tpu.memory_space<vmem>>
    %dma_wait3A_120 = tpu.memref_slice %arg3[%mul3A_39] : memref<2048xf32, #tpu.memory_space<hbm>> -> memref<16xf32, #tpu.memory_space<hbm>>
    tpu.wait_dma2 semaphore(%arg14 : memref<!tpu.dma_semaphore, #tpu.memory_space<semaphore_mem>>) src(%dma_wait3A_120 : memref<16xf32, #tpu.memory_space<hbm>>) dst(%dma_wait3A_119 : memref<16xf32, #tpu.memory_space<vmem>>)
    %dma_wait3A_121 = arith.constant 16384 : i32
    %dma_wait3A_122 = tpu.memref_slice %arg8[%dma_wait3A_121] : memref<32768xf32, #tpu.memory_space<vmem>> -> memref<8192xf32, #tpu.memory_space<vmem>>
    %dma_wait3A_123 = arith.constant 0 : i32
    %dma_wait3A_124 = tpu.memref_slice %arg2[%add3A_47, %dma_wait3A_123] : memref<128x8192xf32, #tpu.memory_space<hbm>> -> memref<1x8192xf32, #tpu.memory_space<hbm>>
    %dma_wait3A_125 = tpu.memref_squeeze %dma_wait3A_124 : memref<1x8192xf32, #tpu.memory_space<hbm>> -> memref<8192xf32, #tpu.memory_space<hbm>>
    %dma_wait3A_126 = arith.constant 16384 : i32
    %dma_wait3A_127 = tpu.memref_slice %arg8[%dma_wait3A_126] : memref<32768xf32, #tpu.memory_space<vmem>> -> memref<8192xf32, #tpu.memory_space<vmem>>
    %dma_wait3A_128 = arith.constant 0 : i32
    %dma_wait3A_129 = tpu.memref_slice %arg2[%add3A_47, %dma_wait3A_128] : memref<128x8192xf32, #tpu.memory_space<hbm>> -> memref<1x8192xf32, #tpu.memory_space<hbm>>
    %dma_wait3A_130 = tpu.memref_squeeze %dma_wait3A_129 : memref<1x8192xf32, #tpu.memory_space<hbm>> -> memref<8192xf32, #tpu.memory_space<hbm>>
    tpu.wait_dma2 semaphore(%arg14 : memref<!tpu.dma_semaphore, #tpu.memory_space<semaphore_mem>>) src(%dma_wait3A_130 : memref<8192xf32, #tpu.memory_space<hbm>>) dst(%dma_wait3A_127 : memref<8192xf32, #tpu.memory_space<vmem>>)
    %dma_wait3A_131 = arith.constant 32 : i32
    %dma_wait3A_132 = tpu.memref_slice %arg11[%dma_wait3A_131] : memref<64xf32, #tpu.memory_space<vmem>> -> memref<16xf32, #tpu.memory_space<vmem>>
    %dma_wait3A_133 = tpu.memref_slice %arg3[%mul3A_61] : memref<2048xf32, #tpu.memory_space<hbm>> -> memref<16xf32, #tpu.memory_space<hbm>>
    %dma_wait3A_134 = arith.constant 32 : i32
    %dma_wait3A_135 = tpu.memref_slice %arg11[%dma_wait3A_134] : memref<64xf32, #tpu.memory_space<vmem>> -> memref<16xf32, #tpu.memory_space<vmem>>
    %dma_wait3A_136 = tpu.memref_slice %arg3[%mul3A_61] : memref<2048xf32, #tpu.memory_space<hbm>> -> memref<16xf32, #tpu.memory_space<hbm>>
    tpu.wait_dma2 semaphore(%arg14 : memref<!tpu.dma_semaphore, #tpu.memory_space<semaphore_mem>>) src(%dma_wait3A_136 : memref<16xf32, #tpu.memory_space<hbm>>) dst(%dma_wait3A_135 : memref<16xf32, #tpu.memory_space<vmem>>)
    %dma_wait3A_137 = arith.constant 24576 : i32
    %dma_wait3A_138 = tpu.memref_slice %arg8[%dma_wait3A_137] : memref<32768xf32, #tpu.memory_space<vmem>> -> memref<8192xf32, #tpu.memory_space<vmem>>
    %dma_wait3A_139 = arith.constant 0 : i32
    %dma_wait3A_140 = tpu.memref_slice %arg2[%add3A_69, %dma_wait3A_139] : memref<128x8192xf32, #tpu.memory_space<hbm>> -> memref<1x8192xf32, #tpu.memory_space<hbm>>
    %dma_wait3A_141 = tpu.memref_squeeze %dma_wait3A_140 : memref<1x8192xf32, #tpu.memory_space<hbm>> -> memref<8192xf32, #tpu.memory_space<hbm>>
    %dma_wait3A_142 = arith.constant 24576 : i32
    %dma_wait3A_143 = tpu.memref_slice %arg8[%dma_wait3A_142] : memref<32768xf32, #tpu.memory_space<vmem>> -> memref<8192xf32, #tpu.memory_space<vmem>>
    %dma_wait3A_144 = arith.constant 0 : i32
    %dma_wait3A_145 = tpu.memref_slice %arg2[%add3A_69, %dma_wait3A_144] : memref<128x8192xf32, #tpu.memory_space<hbm>> -> memref<1x8192xf32, #tpu.memory_space<hbm>>
    %dma_wait3A_146 = tpu.memref_squeeze %dma_wait3A_145 : memref<1x8192xf32, #tpu.memory_space<hbm>> -> memref<8192xf32, #tpu.memory_space<hbm>>
    tpu.wait_dma2 semaphore(%arg14 : memref<!tpu.dma_semaphore, #tpu.memory_space<semaphore_mem>>) src(%dma_wait3A_146 : memref<8192xf32, #tpu.memory_space<hbm>>) dst(%dma_wait3A_143 : memref<8192xf32, #tpu.memory_space<vmem>>)
    %dma_wait3A_147 = arith.constant 48 : i32
    %dma_wait3A_148 = tpu.memref_slice %arg11[%dma_wait3A_147] : memref<64xf32, #tpu.memory_space<vmem>> -> memref<16xf32, #tpu.memory_space<vmem>>
    %dma_wait3A_149 = tpu.memref_slice %arg3[%mul3A_83] : memref<2048xf32, #tpu.memory_space<hbm>> -> memref<16xf32, #tpu.memory_space<hbm>>
    %dma_wait3A_150 = arith.constant 48 : i32
    %dma_wait3A_151 = tpu.memref_slice %arg11[%dma_wait3A_150] : memref<64xf32, #tpu.memory_space<vmem>> -> memref<16xf32, #tpu.memory_space<vmem>>
    %dma_wait3A_152 = tpu.memref_slice %arg3[%mul3A_83] : memref<2048xf32, #tpu.memory_space<hbm>> -> memref<16xf32, #tpu.memory_space<hbm>>
    tpu.wait_dma2 semaphore(%arg14 : memref<!tpu.dma_semaphore, #tpu.memory_space<semaphore_mem>>) src(%dma_wait3A_152 : memref<16xf32, #tpu.memory_space<hbm>>) dst(%dma_wait3A_151 : memref<16xf32, #tpu.memory_space<vmem>>)
    %iota3A = tpu.iota {dimensions = array<i32: 0>} : vector<16xi32>
    %broadcast_in_dim3A = arith.constant 1.000000e+00 : f32
    %broadcast_in_dim3A_153 = vector.broadcast %broadcast_in_dim3A : f32 to vector<16xf32>
    %broadcast_in_dim3A_154 = arith.constant 0.000000e+00 : f32
    %broadcast_in_dim3A_155 = vector.broadcast %broadcast_in_dim3A_154 : f32 to vector<16xf32>
    %broadcast_in_dim3A_156 = arith.constant 2147483647 : i32
    %broadcast_in_dim3A_157 = vector.broadcast %broadcast_in_dim3A_156 : i32 to vector<16xi32>
    %broadcast_in_dim3A_158 = arith.constant 0 : i32
    %broadcast_in_dim3A_159 = vector.broadcast %broadcast_in_dim3A_158 : i32 to vector<16xi32>
    %scan3A = arith.constant 0 : i32
    %scan3A_160 = arith.constant 0 : i32
    %scan3A_161 = arith.constant 128 : i32
    %scan3A_162 = arith.addi %scan3A_160, %scan3A_161 : i32
    %scan3A_163 = arith.constant 1 : i32
    %scan3A_164 = scf.for %scan3A_602 = %scan3A_160 to %scan3A_162 step %scan3A_163 iter_args(%scan3A_603 = %scan3A) -> (i32)  : i32 {
      %mul3A_604 = arith.constant 16 : i32
      %mul3A_605 = arith.muli %scan3A_602, %mul3A_604 : i32
      %mul3A_606 = arith.constant 16 : i32
      %mul3A_607 = arith.muli %mul3A_605, %mul3A_606 : i32
      %add3A_608 = arith.constant 0 : i32
      %add3A_609 = arith.addi %mul3A_607, %add3A_608 : i32
      %get3A_610 = arith.index_cast %add3A_609 : i32 to index
      %get3A_611 = tpu.vector_load %arg8[%get3A_610] {strides = array<i32>} : memref<32768xf32, #tpu.memory_space<vmem>>, vector<16xf32>,
      %get3A_612 = vector.shape_cast %get3A_611 : vector<16xf32> to vector<16xf32>
      %bitcast_convert_type3A = tpu.bitcast %get3A_612 : vector<16xf32> -> vector<16xi32>
      %and3A = arith.andi %bitcast_convert_type3A, %broadcast_in_dim3A_157 : vector<16xi32>
      %swap3A_613 = arith.index_cast %add3A_609 : i32 to index
      %swap3A_614 = tpu.vector_load %arg10[%swap3A_613] {strides = array<i32>} : memref<32768xi32, #tpu.memory_space<vmem>>, vector<16xi32>,
      %swap3A_615 = vector.shape_cast %swap3A_614 : vector<16xi32> to vector<16xi32>
      %swap3A_616 = vector.shape_cast %and3A : vector<16xi32> to vector<16xi32>
      tpu.vector_store %arg10[%swap3A_613], %swap3A_616 {strides = array<i32>} : memref<32768xi32, #tpu.memory_space<vmem>>, vector<16xi32>,
      %mul3A_617 = arith.constant 16 : i32
      %mul3A_618 = arith.muli %scan3A_602, %mul3A_617 : i32
      %mul3A_619 = arith.constant 16 : i32
      %mul3A_620 = arith.muli %mul3A_618, %mul3A_619 : i32
      %add3A_621 = arith.constant 16 : i32
      %add3A_622 = arith.addi %mul3A_620, %add3A_621 : i32
      %get3A_623 = arith.index_cast %add3A_622 : i32 to index
      %get3A_624 = tpu.vector_load %arg8[%get3A_623] {strides = array<i32>} : memref<32768xf32, #tpu.memory_space<vmem>>, vector<16xf32>,
      %get3A_625 = vector.shape_cast %get3A_624 : vector<16xf32> to vector<16xf32>
      %bitcast_convert_type3A_626 = tpu.bitcast %get3A_625 : vector<16xf32> -> vector<16xi32>
      %and3A_627 = arith.andi %bitcast_convert_type3A_626, %broadcast_in_dim3A_157 : vector<16xi32>
      %swap3A_628 = arith.index_cast %add3A_622 : i32 to index
      %swap3A_629 = tpu.vector_load %arg10[%swap3A_628] {strides = array<i32>} : memref<32768xi32, #tpu.memory_space<vmem>>, vector<16xi32>,
      %swap3A_630 = vector.shape_cast %swap3A_629 : vector<16xi32> to vector<16xi32>
      %swap3A_631 = vector.shape_cast %and3A_627 : vector<16xi32> to vector<16xi32>
      tpu.vector_store %arg10[%swap3A_628], %swap3A_631 {strides = array<i32>} : memref<32768xi32, #tpu.memory_space<vmem>>, vector<16xi32>,
      %mul3A_632 = arith.constant 16 : i32
      %mul3A_633 = arith.muli %scan3A_602, %mul3A_632 : i32
      %mul3A_634 = arith.constant 16 : i32
      %mul3A_635 = arith.muli %mul3A_633, %mul3A_634 : i32
      %add3A_636 = arith.constant 32 : i32
      %add3A_637 = arith.addi %mul3A_635, %add3A_636 : i32
      %get3A_638 = arith.index_cast %add3A_637 : i32 to index
      %get3A_639 = tpu.vector_load %arg8[%get3A_638] {strides = array<i32>} : memref<32768xf32, #tpu.memory_space<vmem>>, vector<16xf32>,
      %get3A_640 = vector.shape_cast %get3A_639 : vector<16xf32> to vector<16xf32>
      %bitcast_convert_type3A_641 = tpu.bitcast %get3A_640 : vector<16xf32> -> vector<16xi32>
      %and3A_642 = arith.andi %bitcast_convert_type3A_641, %broadcast_in_dim3A_157 : vector<16xi32>
      %swap3A_643 = arith.index_cast %add3A_637 : i32 to index
      %swap3A_644 = tpu.vector_load %arg10[%swap3A_643] {strides = array<i32>} : memref<32768xi32, #tpu.memory_space<vmem>>, vector<16xi32>,
      %swap3A_645 = vector.shape_cast %swap3A_644 : vector<16xi32> to vector<16xi32>
      %swap3A_646 = vector.shape_cast %and3A_642 : vector<16xi32> to vector<16xi32>
      tpu.vector_store %arg10[%swap3A_643], %swap3A_646 {strides = array<i32>} : memref<32768xi32, #tpu.memory_space<vmem>>, vector<16xi32>,
      %mul3A_647 = arith.constant 16 : i32
      %mul3A_648 = arith.muli %scan3A_602, %mul3A_647 : i32
      %mul3A_649 = arith.constant 16 : i32
      %mul3A_650 = arith.muli %mul3A_648, %mul3A_649 : i32
      %add3A_651 = arith.constant 48 : i32
      %add3A_652 = arith.addi %mul3A_650, %add3A_651 : i32
      %get3A_653 = arith.index_cast %add3A_652 : i32 to index
      %get3A_654 = tpu.vector_load %arg8[%get3A_653] {strides = array<i32>} : memref<32768xf32, #tpu.memory_space<vmem>>, vector<16xf32>,
      %get3A_655 = vector.shape_cast %get3A_654 : vector<16xf32> to vector<16xf32>
      %bitcast_convert_type3A_656 = tpu.bitcast %get3A_655 : vector<16xf32> -> vector<16xi32>
      %and3A_657 = arith.andi %bitcast_convert_type3A_656, %broadcast_in_dim3A_157 : vector<16xi32>
      %swap3A_658 = arith.index_cast %add3A_652 : i32 to index
      %swap3A_659 = tpu.vector_load %arg10[%swap3A_658] {strides = array<i32>} : memref<32768xi32, #tpu.memory_space<vmem>>, vector<16xi32>,
      %swap3A_660 = vector.shape_cast %swap3A_659 : vector<16xi32> to vector<16xi32>
      %swap3A_661 = vector.shape_cast %and3A_657 : vector<16xi32> to vector<16xi32>
      tpu.vector_store %arg10[%swap3A_658], %swap3A_661 {strides = array<i32>} : memref<32768xi32, #tpu.memory_space<vmem>>, vector<16xi32>,
      %mul3A_662 = arith.constant 16 : i32
      %mul3A_663 = arith.muli %scan3A_602, %mul3A_662 : i32
      %mul3A_664 = arith.constant 16 : i32
      %mul3A_665 = arith.muli %mul3A_663, %mul3A_664 : i32
      %add3A_666 = arith.constant 64 : i32
      %add3A_667 = arith.addi %mul3A_665, %add3A_666 : i32
      %get3A_668 = arith.index_cast %add3A_667 : i32 to index
      %get3A_669 = tpu.vector_load %arg8[%get3A_668] {strides = array<i32>} : memref<32768xf32, #tpu.memory_space<vmem>>, vector<16xf32>,
      %get3A_670 = vector.shape_cast %get3A_669 : vector<16xf32> to vector<16xf32>
      %bitcast_convert_type3A_671 = tpu.bitcast %get3A_670 : vector<16xf32> -> vector<16xi32>
      %and3A_672 = arith.andi %bitcast_convert_type3A_671, %broadcast_in_dim3A_157 : vector<16xi32>
      %swap3A_673 = arith.index_cast %add3A_667 : i32 to index
      %swap3A_674 = tpu.vector_load %arg10[%swap3A_673] {strides = array<i32>} : memref<32768xi32, #tpu.memory_space<vmem>>, vector<16xi32>,
      %swap3A_675 = vector.shape_cast %swap3A_674 : vector<16xi32> to vector<16xi32>
      %swap3A_676 = vector.shape_cast %and3A_672 : vector<16xi32> to vector<16xi32>
      tpu.vector_store %arg10[%swap3A_673], %swap3A_676 {strides = array<i32>} : memref<32768xi32, #tpu.memory_space<vmem>>, vector<16xi32>,
      %mul3A_677 = arith.constant 16 : i32
      %mul3A_678 = arith.muli %scan3A_602, %mul3A_677 : i32
      %mul3A_679 = arith.constant 16 : i32
      %mul3A_680 = arith.muli %mul3A_678, %mul3A_679 : i32
      %add3A_681 = arith.constant 80 : i32
      %add3A_682 = arith.addi %mul3A_680, %add3A_681 : i32
      %get3A_683 = arith.index_cast %add3A_682 : i32 to index
      %get3A_684 = tpu.vector_load %arg8[%get3A_683] {strides = array<i32>} : memref<32768xf32, #tpu.memory_space<vmem>>, vector<16xf32>,
      %get3A_685 = vector.shape_cast %get3A_684 : vector<16xf32> to vector<16xf32>
      %bitcast_convert_type3A_686 = tpu.bitcast %get3A_685 : vector<16xf32> -> vector<16xi32>
      %and3A_687 = arith.andi %bitcast_convert_type3A_686, %broadcast_in_dim3A_157 : vector<16xi32>
      %swap3A_688 = arith.index_cast %add3A_682 : i32 to index
      %swap3A_689 = tpu.vector_load %arg10[%swap3A_688] {strides = array<i32>} : memref<32768xi32, #tpu.memory_space<vmem>>, vector<16xi32>,
      %swap3A_690 = vector.shape_cast %swap3A_689 : vector<16xi32> to vector<16xi32>
      %swap3A_691 = vector.shape_cast %and3A_687 : vector<16xi32> to vector<16xi32>
      tpu.vector_store %arg10[%swap3A_688], %swap3A_691 {strides = array<i32>} : memref<32768xi32, #tpu.memory_space<vmem>>, vector<16xi32>,
      %mul3A_692 = arith.constant 16 : i32
      %mul3A_693 = arith.muli %scan3A_602, %mul3A_692 : i32
      %mul3A_694 = arith.constant 16 : i32
      %mul3A_695 = arith.muli %mul3A_693, %mul3A_694 : i32
      %add3A_696 = arith.constant 96 : i32
      %add3A_697 = arith.addi %mul3A_695, %add3A_696 : i32
      %get3A_698 = arith.index_cast %add3A_697 : i32 to index
      %get3A_699 = tpu.vector_load %arg8[%get3A_698] {strides = array<i32>} : memref<32768xf32, #tpu.memory_space<vmem>>, vector<16xf32>,
      %get3A_700 = vector.shape_cast %get3A_699 : vector<16xf32> to vector<16xf32>
      %bitcast_convert_type3A_701 = tpu.bitcast %get3A_700 : vector<16xf32> -> vector<16xi32>
      %and3A_702 = arith.andi %bitcast_convert_type3A_701, %broadcast_in_dim3A_157 : vector<16xi32>
      %swap3A_703 = arith.index_cast %add3A_697 : i32 to index
      %swap3A_704 = tpu.vector_load %arg10[%swap3A_703] {strides = array<i32>} : memref<32768xi32, #tpu.memory_space<vmem>>, vector<16xi32>,
      %swap3A_705 = vector.shape_cast %swap3A_704 : vector<16xi32> to vector<16xi32>
      %swap3A_706 = vector.shape_cast %and3A_702 : vector<16xi32> to vector<16xi32>
      tpu.vector_store %arg10[%swap3A_703], %swap3A_706 {strides = array<i32>} : memref<32768xi32, #tpu.memory_space<vmem>>, vector<16xi32>,
      %mul3A_707 = arith.constant 16 : i32
      %mul3A_708 = arith.muli %scan3A_602, %mul3A_707 : i32
      %mul3A_709 = arith.constant 16 : i32
      %mul3A_710 = arith.muli %mul3A_708, %mul3A_709 : i32
      %add3A_711 = arith.constant 112 : i32
      %add3A_712 = arith.addi %mul3A_710, %add3A_711 : i32
      %get3A_713 = arith.index_cast %add3A_712 : i32 to index
      %get3A_714 = tpu.vector_load %arg8[%get3A_713] {strides = array<i32>} : memref<32768xf32, #tpu.memory_space<vmem>>, vector<16xf32>,
      %get3A_715 = vector.shape_cast %get3A_714 : vector<16xf32> to vector<16xf32>
      %bitcast_convert_type3A_716 = tpu.bitcast %get3A_715 : vector<16xf32> -> vector<16xi32>
      %and3A_717 = arith.andi %bitcast_convert_type3A_716, %broadcast_in_dim3A_157 : vector<16xi32>
      %swap3A_718 = arith.index_cast %add3A_712 : i32 to index
      %swap3A_719 = tpu.vector_load %arg10[%swap3A_718] {strides = array<i32>} : memref<32768xi32, #tpu.memory_space<vmem>>, vector<16xi32>,
      %swap3A_720 = vector.shape_cast %swap3A_719 : vector<16xi32> to vector<16xi32>
      %swap3A_721 = vector.shape_cast %and3A_717 : vector<16xi32> to vector<16xi32>
      tpu.vector_store %arg10[%swap3A_718], %swap3A_721 {strides = array<i32>} : memref<32768xi32, #tpu.memory_space<vmem>>, vector<16xi32>,
      %mul3A_722 = arith.constant 16 : i32
      %mul3A_723 = arith.muli %scan3A_602, %mul3A_722 : i32
      %mul3A_724 = arith.constant 16 : i32
      %mul3A_725 = arith.muli %mul3A_723, %mul3A_724 : i32
      %add3A_726 = arith.constant 128 : i32
      %add3A_727 = arith.addi %mul3A_725, %add3A_726 : i32
      %get3A_728 = arith.index_cast %add3A_727 : i32 to index
      %get3A_729 = tpu.vector_load %arg8[%get3A_728] {strides = array<i32>} : memref<32768xf32, #tpu.memory_space<vmem>>, vector<16xf32>,
      %get3A_730 = vector.shape_cast %get3A_729 : vector<16xf32> to vector<16xf32>
      %bitcast_convert_type3A_731 = tpu.bitcast %get3A_730 : vector<16xf32> -> vector<16xi32>
      %and3A_732 = arith.andi %bitcast_convert_type3A_731, %broadcast_in_dim3A_157 : vector<16xi32>
      %swap3A_733 = arith.index_cast %add3A_727 : i32 to index
      %swap3A_734 = tpu.vector_load %arg10[%swap3A_733] {strides = array<i32>} : memref<32768xi32, #tpu.memory_space<vmem>>, vector<16xi32>,
      %swap3A_735 = vector.shape_cast %swap3A_734 : vector<16xi32> to vector<16xi32>
      %swap3A_736 = vector.shape_cast %and3A_732 : vector<16xi32> to vector<16xi32>
      tpu.vector_store %arg10[%swap3A_733], %swap3A_736 {strides = array<i32>} : memref<32768xi32, #tpu.memory_space<vmem>>, vector<16xi32>,
      %mul3A_737 = arith.constant 16 : i32
      %mul3A_738 = arith.muli %scan3A_602, %mul3A_737 : i32
      %mul3A_739 = arith.constant 16 : i32
      %mul3A_740 = arith.muli %mul3A_738, %mul3A_739 : i32
      %add3A_741 = arith.constant 144 : i32
      %add3A_742 = arith.addi %mul3A_740, %add3A_741 : i32
      %get3A_743 = arith.index_cast %add3A_742 : i32 to index
      %get3A_744 = tpu.vector_load %arg8[%get3A_743] {strides = array<i32>} : memref<32768xf32, #tpu.memory_space<vmem>>, vector<16xf32>,
      %get3A_745 = vector.shape_cast %get3A_744 : vector<16xf32> to vector<16xf32>
      %bitcast_convert_type3A_746 = tpu.bitcast %get3A_745 : vector<16xf32> -> vector<16xi32>
      %and3A_747 = arith.andi %bitcast_convert_type3A_746, %broadcast_in_dim3A_157 : vector<16xi32>
      %swap3A_748 = arith.index_cast %add3A_742 : i32 to index
      %swap3A_749 = tpu.vector_load %arg10[%swap3A_748] {strides = array<i32>} : memref<32768xi32, #tpu.memory_space<vmem>>, vector<16xi32>,
      %swap3A_750 = vector.shape_cast %swap3A_749 : vector<16xi32> to vector<16xi32>
      %swap3A_751 = vector.shape_cast %and3A_747 : vector<16xi32> to vector<16xi32>
      tpu.vector_store %arg10[%swap3A_748], %swap3A_751 {strides = array<i32>} : memref<32768xi32, #tpu.memory_space<vmem>>, vector<16xi32>,
      %mul3A_752 = arith.constant 16 : i32
      %mul3A_753 = arith.muli %scan3A_602, %mul3A_752 : i32
      %mul3A_754 = arith.constant 16 : i32
      %mul3A_755 = arith.muli %mul3A_753, %mul3A_754 : i32
      %add3A_756 = arith.constant 160 : i32
      %add3A_757 = arith.addi %mul3A_755, %add3A_756 : i32
      %get3A_758 = arith.index_cast %add3A_757 : i32 to index
      %get3A_759 = tpu.vector_load %arg8[%get3A_758] {strides = array<i32>} : memref<32768xf32, #tpu.memory_space<vmem>>, vector<16xf32>,
      %get3A_760 = vector.shape_cast %get3A_759 : vector<16xf32> to vector<16xf32>
      %bitcast_convert_type3A_761 = tpu.bitcast %get3A_760 : vector<16xf32> -> vector<16xi32>
      %and3A_762 = arith.andi %bitcast_convert_type3A_761, %broadcast_in_dim3A_157 : vector<16xi32>
      %swap3A_763 = arith.index_cast %add3A_757 : i32 to index
      %swap3A_764 = tpu.vector_load %arg10[%swap3A_763] {strides = array<i32>} : memref<32768xi32, #tpu.memory_space<vmem>>, vector<16xi32>,
      %swap3A_765 = vector.shape_cast %swap3A_764 : vector<16xi32> to vector<16xi32>
      %swap3A_766 = vector.shape_cast %and3A_762 : vector<16xi32> to vector<16xi32>
      tpu.vector_store %arg10[%swap3A_763], %swap3A_766 {strides = array<i32>} : memref<32768xi32, #tpu.memory_space<vmem>>, vector<16xi32>,
      %mul3A_767 = arith.constant 16 : i32
      %mul3A_768 = arith.muli %scan3A_602, %mul3A_767 : i32
      %mul3A_769 = arith.constant 16 : i32
      %mul3A_770 = arith.muli %mul3A_768, %mul3A_769 : i32
      %add3A_771 = arith.constant 176 : i32
      %add3A_772 = arith.addi %mul3A_770, %add3A_771 : i32
      %get3A_773 = arith.index_cast %add3A_772 : i32 to index
      %get3A_774 = tpu.vector_load %arg8[%get3A_773] {strides = array<i32>} : memref<32768xf32, #tpu.memory_space<vmem>>, vector<16xf32>,
      %get3A_775 = vector.shape_cast %get3A_774 : vector<16xf32> to vector<16xf32>
      %bitcast_convert_type3A_776 = tpu.bitcast %get3A_775 : vector<16xf32> -> vector<16xi32>
      %and3A_777 = arith.andi %bitcast_convert_type3A_776, %broadcast_in_dim3A_157 : vector<16xi32>
      %swap3A_778 = arith.index_cast %add3A_772 : i32 to index
      %swap3A_779 = tpu.vector_load %arg10[%swap3A_778] {strides = array<i32>} : memref<32768xi32, #tpu.memory_space<vmem>>, vector<16xi32>,
      %swap3A_780 = vector.shape_cast %swap3A_779 : vector<16xi32> to vector<16xi32>
      %swap3A_781 = vector.shape_cast %and3A_777 : vector<16xi32> to vector<16xi32>
      tpu.vector_store %arg10[%swap3A_778], %swap3A_781 {strides = array<i32>} : memref<32768xi32, #tpu.memory_space<vmem>>, vector<16xi32>,
      %mul3A_782 = arith.constant 16 : i32
      %mul3A_783 = arith.muli %scan3A_602, %mul3A_782 : i32
      %mul3A_784 = arith.constant 16 : i32
      %mul3A_785 = arith.muli %mul3A_783, %mul3A_784 : i32
      %add3A_786 = arith.constant 192 : i32
      %add3A_787 = arith.addi %mul3A_785, %add3A_786 : i32
      %get3A_788 = arith.index_cast %add3A_787 : i32 to index
      %get3A_789 = tpu.vector_load %arg8[%get3A_788] {strides = array<i32>} : memref<32768xf32, #tpu.memory_space<vmem>>, vector<16xf32>,
      %get3A_790 = vector.shape_cast %get3A_789 : vector<16xf32> to vector<16xf32>
      %bitcast_convert_type3A_791 = tpu.bitcast %get3A_790 : vector<16xf32> -> vector<16xi32>
      %and3A_792 = arith.andi %bitcast_convert_type3A_791, %broadcast_in_dim3A_157 : vector<16xi32>
      %swap3A_793 = arith.index_cast %add3A_787 : i32 to index
      %swap3A_794 = tpu.vector_load %arg10[%swap3A_793] {strides = array<i32>} : memref<32768xi32, #tpu.memory_space<vmem>>, vector<16xi32>,
      %swap3A_795 = vector.shape_cast %swap3A_794 : vector<16xi32> to vector<16xi32>
      %swap3A_796 = vector.shape_cast %and3A_792 : vector<16xi32> to vector<16xi32>
      tpu.vector_store %arg10[%swap3A_793], %swap3A_796 {strides = array<i32>} : memref<32768xi32, #tpu.memory_space<vmem>>, vector<16xi32>,
      %mul3A_797 = arith.constant 16 : i32
      %mul3A_798 = arith.muli %scan3A_602, %mul3A_797 : i32
      %mul3A_799 = arith.constant 16 : i32
      %mul3A_800 = arith.muli %mul3A_798, %mul3A_799 : i32
      %add3A_801 = arith.constant 208 : i32
      %add3A_802 = arith.addi %mul3A_800, %add3A_801 : i32
      %get3A_803 = arith.index_cast %add3A_802 : i32 to index
      %get3A_804 = tpu.vector_load %arg8[%get3A_803] {strides = array<i32>} : memref<32768xf32, #tpu.memory_space<vmem>>, vector<16xf32>,
      %get3A_805 = vector.shape_cast %get3A_804 : vector<16xf32> to vector<16xf32>
      %bitcast_convert_type3A_806 = tpu.bitcast %get3A_805 : vector<16xf32> -> vector<16xi32>
      %and3A_807 = arith.andi %bitcast_convert_type3A_806, %broadcast_in_dim3A_157 : vector<16xi32>
      %swap3A_808 = arith.index_cast %add3A_802 : i32 to index
      %swap3A_809 = tpu.vector_load %arg10[%swap3A_808] {strides = array<i32>} : memref<32768xi32, #tpu.memory_space<vmem>>, vector<16xi32>,
      %swap3A_810 = vector.shape_cast %swap3A_809 : vector<16xi32> to vector<16xi32>
      %swap3A_811 = vector.shape_cast %and3A_807 : vector<16xi32> to vector<16xi32>
      tpu.vector_store %arg10[%swap3A_808], %swap3A_811 {strides = array<i32>} : memref<32768xi32, #tpu.memory_space<vmem>>, vector<16xi32>,
      %mul3A_812 = arith.constant 16 : i32
      %mul3A_813 = arith.muli %scan3A_602, %mul3A_812 : i32
      %mul3A_814 = arith.constant 16 : i32
      %mul3A_815 = arith.muli %mul3A_813, %mul3A_814 : i32
      %add3A_816 = arith.constant 224 : i32
      %add3A_817 = arith.addi %mul3A_815, %add3A_816 : i32
      %get3A_818 = arith.index_cast %add3A_817 : i32 to index
      %get3A_819 = tpu.vector_load %arg8[%get3A_818] {strides = array<i32>} : memref<32768xf32, #tpu.memory_space<vmem>>, vector<16xf32>,
      %get3A_820 = vector.shape_cast %get3A_819 : vector<16xf32> to vector<16xf32>
      %bitcast_convert_type3A_821 = tpu.bitcast %get3A_820 : vector<16xf32> -> vector<16xi32>
      %and3A_822 = arith.andi %bitcast_convert_type3A_821, %broadcast_in_dim3A_157 : vector<16xi32>
      %swap3A_823 = arith.index_cast %add3A_817 : i32 to index
      %swap3A_824 = tpu.vector_load %arg10[%swap3A_823] {strides = array<i32>} : memref<32768xi32, #tpu.memory_space<vmem>>, vector<16xi32>,
      %swap3A_825 = vector.shape_cast %swap3A_824 : vector<16xi32> to vector<16xi32>
      %swap3A_826 = vector.shape_cast %and3A_822 : vector<16xi32> to vector<16xi32>
      tpu.vector_store %arg10[%swap3A_823], %swap3A_826 {strides = array<i32>} : memref<32768xi32, #tpu.memory_space<vmem>>, vector<16xi32>,
      %mul3A_827 = arith.constant 16 : i32
      %mul3A_828 = arith.muli %scan3A_602, %mul3A_827 : i32
      %mul3A_829 = arith.constant 16 : i32
      %mul3A_830 = arith.muli %mul3A_828, %mul3A_829 : i32
      %add3A_831 = arith.constant 240 : i32
      %add3A_832 = arith.addi %mul3A_830, %add3A_831 : i32
      %get3A_833 = arith.index_cast %add3A_832 : i32 to index
      %get3A_834 = tpu.vector_load %arg8[%get3A_833] {strides = array<i32>} : memref<32768xf32, #tpu.memory_space<vmem>>, vector<16xf32>,
      %get3A_835 = vector.shape_cast %get3A_834 : vector<16xf32> to vector<16xf32>
      %bitcast_convert_type3A_836 = tpu.bitcast %get3A_835 : vector<16xf32> -> vector<16xi32>
      %and3A_837 = arith.andi %bitcast_convert_type3A_836, %broadcast_in_dim3A_157 : vector<16xi32>
      %swap3A_838 = arith.index_cast %add3A_832 : i32 to index
      %swap3A_839 = tpu.vector_load %arg10[%swap3A_838] {strides = array<i32>} : memref<32768xi32, #tpu.memory_space<vmem>>, vector<16xi32>,
      %swap3A_840 = vector.shape_cast %swap3A_839 : vector<16xi32> to vector<16xi32>
      %swap3A_841 = vector.shape_cast %and3A_837 : vector<16xi32> to vector<16xi32>
      tpu.vector_store %arg10[%swap3A_838], %swap3A_841 {strides = array<i32>} : memref<32768xi32, #tpu.memory_space<vmem>>, vector<16xi32>,
      %scan3A_842 = arith.constant 0 : i32
      scf.yield %scan3A_842 : i32
    }
    %scan3A_165 = arith.constant 128 : i32
    %get3A = arith.constant 0 : index
    %get3A_166 = tpu.vector_load %arg11[%get3A] {strides = array<i32>} : memref<64xf32, #tpu.memory_space<vmem>>, vector<16xf32>,
    %get3A_167 = vector.shape_cast %get3A_166 : vector<16xf32> to vector<16xf32>
    %broadcast_in_dim3A_168 = arith.constant 0 : i32
    %broadcast_in_dim3A_169 = vector.broadcast %broadcast_in_dim3A_168 : i32 to vector<16xi32>
    %scan3A_170 = arith.constant 0 : i32
    %scan3A_171 = arith.constant 31 : i32
    %scan3A_172 = arith.addi %scan3A_170, %scan3A_171 : i32
    %scan3A_173 = arith.constant 1 : i32
    %scan3A_174 = scf.for %scan3A_602 = %scan3A_170 to %scan3A_172 step %scan3A_173 iter_args(%scan3A_603 = %broadcast_in_dim3A_169) -> (vector<16xi32>)  : i32 {
      %sub3A = arith.constant 30 : i32
      %sub3A_604 = arith.subi %sub3A, %scan3A_602 : i32
      %shift_left3A = arith.constant 1 : i32
      %shift_left3A_605 = arith.shli %shift_left3A, %sub3A_604 : i32
      %broadcast_in_dim3A_606 = vector.broadcast %shift_left3A_605 : i32 to vector<16xi32>
      %or3A = arith.ori %scan3A_603, %broadcast_in_dim3A_606 : vector<16xi32>
      %scan3A_607 = arith.constant 0 : i32
      %scan3A_608 = arith.constant 32 : i32
      %scan3A_609 = arith.addi %scan3A_607, %scan3A_608 : i32
      %scan3A_610 = arith.constant 1 : i32
      %scan3A_611:8 = scf.for %scan3A_650 = %scan3A_607 to %scan3A_609 step %scan3A_610 iter_args(%scan3A_651 = %broadcast_in_dim3A_159, %scan3A_652 = %broadcast_in_dim3A_159, %scan3A_653 = %broadcast_in_dim3A_159, %scan3A_654 = %broadcast_in_dim3A_159, %scan3A_655 = %broadcast_in_dim3A_159, %scan3A_656 = %broadcast_in_dim3A_159, %scan3A_657 = %broadcast_in_dim3A_159, %scan3A_658 = %broadcast_in_dim3A_159) -> (vector<16xi32>, vector<16xi32>, vector<16xi32>, vector<16xi32>, vector<16xi32>, vector<16xi32>, vector<16xi32>, vector<16xi32>)  : i32 {
        %mul3A_659 = arith.constant 16 : i32
        %mul3A_660 = arith.muli %scan3A_650, %mul3A_659 : i32
        %mul3A_661 = arith.constant 16 : i32
        %mul3A_662 = arith.muli %mul3A_660, %mul3A_661 : i32
        %add3A_663 = arith.constant 0 : i32
        %add3A_664 = arith.addi %add3A_663, %mul3A_662 : i32
        %add3A_665 = arith.constant 0 : i32
        %add3A_666 = arith.addi %add3A_664, %add3A_665 : i32
        %get3A_667 = arith.index_cast %add3A_666 : i32 to index
        %get3A_668 = tpu.vector_load %arg10[%get3A_667] {strides = array<i32>} : memref<32768xi32, #tpu.memory_space<vmem>>, vector<16xi32>,
        %get3A_669 = vector.shape_cast %get3A_668 : vector<16xi32> to vector<16xi32>
        %sub3A_670 = arith.subi %get3A_669, %or3A : vector<16xi32>
        %shift_right_arithmetic3A = arith.constant 31 : i32
        %shift_right_arithmetic3A_671 = vector.broadcast %shift_right_arithmetic3A : i32 to vector<16xi32>
        %shift_right_arithmetic3A_672 = arith.shrsi %sub3A_670, %shift_right_arithmetic3A_671 : vector<16xi32>
        %add3A_673 = arith.addi %scan3A_651, %shift_right_arithmetic3A_672 : vector<16xi32>
        %mul3A_674 = arith.constant 16 : i32
        %mul3A_675 = arith.muli %scan3A_650, %mul3A_674 : i32
        %mul3A_676 = arith.constant 16 : i32
        %mul3A_677 = arith.muli %mul3A_675, %mul3A_676 : i32
        %add3A_678 = arith.constant 0 : i32
        %add3A_679 = arith.addi %add3A_678, %mul3A_677 : i32
        %add3A_680 = arith.constant 16 : i32
        %add3A_681 = arith.addi %add3A_679, %add3A_680 : i32
        %get3A_682 = arith.index_cast %add3A_681 : i32 to index
        %get3A_683 = tpu.vector_load %arg10[%get3A_682] {strides = array<i32>} : memref<32768xi32, #tpu.memory_space<vmem>>, vector<16xi32>,
        %get3A_684 = vector.shape_cast %get3A_683 : vector<16xi32> to vector<16xi32>
        %sub3A_685 = arith.subi %get3A_684, %or3A : vector<16xi32>
        %shift_right_arithmetic3A_686 = arith.constant 31 : i32
        %shift_right_arithmetic3A_687 = vector.broadcast %shift_right_arithmetic3A_686 : i32 to vector<16xi32>
        %shift_right_arithmetic3A_688 = arith.shrsi %sub3A_685, %shift_right_arithmetic3A_687 : vector<16xi32>
        %add3A_689 = arith.addi %scan3A_652, %shift_right_arithmetic3A_688 : vector<16xi32>
        %mul3A_690 = arith.constant 16 : i32
        %mul3A_691 = arith.muli %scan3A_650, %mul3A_690 : i32
        %mul3A_692 = arith.constant 16 : i32
        %mul3A_693 = arith.muli %mul3A_691, %mul3A_692 : i32
        %add3A_694 = arith.constant 0 : i32
        %add3A_695 = arith.addi %add3A_694, %mul3A_693 : i32
        %add3A_696 = arith.constant 32 : i32
        %add3A_697 = arith.addi %add3A_695, %add3A_696 : i32
        %get3A_698 = arith.index_cast %add3A_697 : i32 to index
        %get3A_699 = tpu.vector_load %arg10[%get3A_698] {strides = array<i32>} : memref<32768xi32, #tpu.memory_space<vmem>>, vector<16xi32>,
        %get3A_700 = vector.shape_cast %get3A_699 : vector<16xi32> to vector<16xi32>
        %sub3A_701 = arith.subi %get3A_700, %or3A : vector<16xi32>
        %shift_right_arithmetic3A_702 = arith.constant 31 : i32
        %shift_right_arithmetic3A_703 = vector.broadcast %shift_right_arithmetic3A_702 : i32 to vector<16xi32>
        %shift_right_arithmetic3A_704 = arith.shrsi %sub3A_701, %shift_right_arithmetic3A_703 : vector<16xi32>
        %add3A_705 = arith.addi %scan3A_653, %shift_right_arithmetic3A_704 : vector<16xi32>
        %mul3A_706 = arith.constant 16 : i32
        %mul3A_707 = arith.muli %scan3A_650, %mul3A_706 : i32
        %mul3A_708 = arith.constant 16 : i32
        %mul3A_709 = arith.muli %mul3A_707, %mul3A_708 : i32
        %add3A_710 = arith.constant 0 : i32
        %add3A_711 = arith.addi %add3A_710, %mul3A_709 : i32
        %add3A_712 = arith.constant 48 : i32
        %add3A_713 = arith.addi %add3A_711, %add3A_712 : i32
        %get3A_714 = arith.index_cast %add3A_713 : i32 to index
        %get3A_715 = tpu.vector_load %arg10[%get3A_714] {strides = array<i32>} : memref<32768xi32, #tpu.memory_space<vmem>>, vector<16xi32>,
        %get3A_716 = vector.shape_cast %get3A_715 : vector<16xi32> to vector<16xi32>
        %sub3A_717 = arith.subi %get3A_716, %or3A : vector<16xi32>
        %shift_right_arithmetic3A_718 = arith.constant 31 : i32
        %shift_right_arithmetic3A_719 = vector.broadcast %shift_right_arithmetic3A_718 : i32 to vector<16xi32>
        %shift_right_arithmetic3A_720 = arith.shrsi %sub3A_717, %shift_right_arithmetic3A_719 : vector<16xi32>
        %add3A_721 = arith.addi %scan3A_654, %shift_right_arithmetic3A_720 : vector<16xi32>
        %mul3A_722 = arith.constant 16 : i32
        %mul3A_723 = arith.muli %scan3A_650, %mul3A_722 : i32
        %mul3A_724 = arith.constant 16 : i32
        %mul3A_725 = arith.muli %mul3A_723, %mul3A_724 : i32
        %add3A_726 = arith.constant 0 : i32
        %add3A_727 = arith.addi %add3A_726, %mul3A_725 : i32
        %add3A_728 = arith.constant 64 : i32
        %add3A_729 = arith.addi %add3A_727, %add3A_728 : i32
        %get3A_730 = arith.index_cast %add3A_729 : i32 to index
        %get3A_731 = tpu.vector_load %arg10[%get3A_730] {strides = array<i32>} : memref<32768xi32, #tpu.memory_space<vmem>>, vector<16xi32>,
        %get3A_732 = vector.shape_cast %get3A_731 : vector<16xi32> to vector<16xi32>
        %sub3A_733 = arith.subi %get3A_732, %or3A : vector<16xi32>
        %shift_right_arithmetic3A_734 = arith.constant 31 : i32
        %shift_right_arithmetic3A_735 = vector.broadcast %shift_right_arithmetic3A_734 : i32 to vector<16xi32>
        %shift_right_arithmetic3A_736 = arith.shrsi %sub3A_733, %shift_right_arithmetic3A_735 : vector<16xi32>
        %add3A_737 = arith.addi %scan3A_655, %shift_right_arithmetic3A_736 : vector<16xi32>
        %mul3A_738 = arith.constant 16 : i32
        %mul3A_739 = arith.muli %scan3A_650, %mul3A_738 : i32
        %mul3A_740 = arith.constant 16 : i32
        %mul3A_741 = arith.muli %mul3A_739, %mul3A_740 : i32
        %add3A_742 = arith.constant 0 : i32
        %add3A_743 = arith.addi %add3A_742, %mul3A_741 : i32
        %add3A_744 = arith.constant 80 : i32
        %add3A_745 = arith.addi %add3A_743, %add3A_744 : i32
        %get3A_746 = arith.index_cast %add3A_745 : i32 to index
        %get3A_747 = tpu.vector_load %arg10[%get3A_746] {strides = array<i32>} : memref<32768xi32, #tpu.memory_space<vmem>>, vector<16xi32>,
        %get3A_748 = vector.shape_cast %get3A_747 : vector<16xi32> to vector<16xi32>
        %sub3A_749 = arith.subi %get3A_748, %or3A : vector<16xi32>
        %shift_right_arithmetic3A_750 = arith.constant 31 : i32
        %shift_right_arithmetic3A_751 = vector.broadcast %shift_right_arithmetic3A_750 : i32 to vector<16xi32>
        %shift_right_arithmetic3A_752 = arith.shrsi %sub3A_749, %shift_right_arithmetic3A_751 : vector<16xi32>
        %add3A_753 = arith.addi %scan3A_656, %shift_right_arithmetic3A_752 : vector<16xi32>
        %mul3A_754 = arith.constant 16 : i32
        %mul3A_755 = arith.muli %scan3A_650, %mul3A_754 : i32
        %mul3A_756 = arith.constant 16 : i32
        %mul3A_757 = arith.muli %mul3A_755, %mul3A_756 : i32
        %add3A_758 = arith.constant 0 : i32
        %add3A_759 = arith.addi %add3A_758, %mul3A_757 : i32
        %add3A_760 = arith.constant 96 : i32
        %add3A_761 = arith.addi %add3A_759, %add3A_760 : i32
        %get3A_762 = arith.index_cast %add3A_761 : i32 to index
        %get3A_763 = tpu.vector_load %arg10[%get3A_762] {strides = array<i32>} : memref<32768xi32, #tpu.memory_space<vmem>>, vector<16xi32>,
        %get3A_764 = vector.shape_cast %get3A_763 : vector<16xi32> to vector<16xi32>
        %sub3A_765 = arith.subi %get3A_764, %or3A : vector<16xi32>
        %shift_right_arithmetic3A_766 = arith.constant 31 : i32
        %shift_right_arithmetic3A_767 = vector.broadcast %shift_right_arithmetic3A_766 : i32 to vector<16xi32>
        %shift_right_arithmetic3A_768 = arith.shrsi %sub3A_765, %shift_right_arithmetic3A_767 : vector<16xi32>
        %add3A_769 = arith.addi %scan3A_657, %shift_right_arithmetic3A_768 : vector<16xi32>
        %mul3A_770 = arith.constant 16 : i32
        %mul3A_771 = arith.muli %scan3A_650, %mul3A_770 : i32
        %mul3A_772 = arith.constant 16 : i32
        %mul3A_773 = arith.muli %mul3A_771, %mul3A_772 : i32
        %add3A_774 = arith.constant 0 : i32
        %add3A_775 = arith.addi %add3A_774, %mul3A_773 : i32
        %add3A_776 = arith.constant 112 : i32
        %add3A_777 = arith.addi %add3A_775, %add3A_776 : i32
        %get3A_778 = arith.index_cast %add3A_777 : i32 to index
        %get3A_779 = tpu.vector_load %arg10[%get3A_778] {strides = array<i32>} : memref<32768xi32, #tpu.memory_space<vmem>>, vector<16xi32>,
        %get3A_780 = vector.shape_cast %get3A_779 : vector<16xi32> to vector<16xi32>
        %sub3A_781 = arith.subi %get3A_780, %or3A : vector<16xi32>
        %shift_right_arithmetic3A_782 = arith.constant 31 : i32
        %shift_right_arithmetic3A_783 = vector.broadcast %shift_right_arithmetic3A_782 : i32 to vector<16xi32>
        %shift_right_arithmetic3A_784 = arith.shrsi %sub3A_781, %shift_right_arithmetic3A_783 : vector<16xi32>
        %add3A_785 = arith.addi %scan3A_658, %shift_right_arithmetic3A_784 : vector<16xi32>
        %mul3A_786 = arith.constant 16 : i32
        %mul3A_787 = arith.muli %scan3A_650, %mul3A_786 : i32
        %mul3A_788 = arith.constant 16 : i32
        %mul3A_789 = arith.muli %mul3A_787, %mul3A_788 : i32
        %add3A_790 = arith.constant 0 : i32
        %add3A_791 = arith.addi %add3A_790, %mul3A_789 : i32
        %add3A_792 = arith.constant 128 : i32
        %add3A_793 = arith.addi %add3A_791, %add3A_792 : i32
        %get3A_794 = arith.index_cast %add3A_793 : i32 to index
        %get3A_795 = tpu.vector_load %arg10[%get3A_794] {strides = array<i32>} : memref<32768xi32, #tpu.memory_space<vmem>>, vector<16xi32>,
        %get3A_796 = vector.shape_cast %get3A_795 : vector<16xi32> to vector<16xi32>
        %sub3A_797 = arith.subi %get3A_796, %or3A : vector<16xi32>
        %shift_right_arithmetic3A_798 = arith.constant 31 : i32
        %shift_right_arithmetic3A_799 = vector.broadcast %shift_right_arithmetic3A_798 : i32 to vector<16xi32>
        %shift_right_arithmetic3A_800 = arith.shrsi %sub3A_797, %shift_right_arithmetic3A_799 : vector<16xi32>
        %add3A_801 = arith.addi %add3A_673, %shift_right_arithmetic3A_800 : vector<16xi32>
        %mul3A_802 = arith.constant 16 : i32
        %mul3A_803 = arith.muli %scan3A_650, %mul3A_802 : i32
        %mul3A_804 = arith.constant 16 : i32
        %mul3A_805 = arith.muli %mul3A_803, %mul3A_804 : i32
        %add3A_806 = arith.constant 0 : i32
        %add3A_807 = arith.addi %add3A_806, %mul3A_805 : i32
        %add3A_808 = arith.constant 144 : i32
        %add3A_809 = arith.addi %add3A_807, %add3A_808 : i32
        %get3A_810 = arith.index_cast %add3A_809 : i32 to index
        %get3A_811 = tpu.vector_load %arg10[%get3A_810] {strides = array<i32>} : memref<32768xi32, #tpu.memory_space<vmem>>, vector<16xi32>,
        %get3A_812 = vector.shape_cast %get3A_811 : vector<16xi32> to vector<16xi32>
        %sub3A_813 = arith.subi %get3A_812, %or3A : vector<16xi32>
        %shift_right_arithmetic3A_814 = arith.constant 31 : i32
        %shift_right_arithmetic3A_815 = vector.broadcast %shift_right_arithmetic3A_814 : i32 to vector<16xi32>
        %shift_right_arithmetic3A_816 = arith.shrsi %sub3A_813, %shift_right_arithmetic3A_815 : vector<16xi32>
        %add3A_817 = arith.addi %add3A_689, %shift_right_arithmetic3A_816 : vector<16xi32>
        %mul3A_818 = arith.constant 16 : i32
        %mul3A_819 = arith.muli %scan3A_650, %mul3A_818 : i32
        %mul3A_820 = arith.constant 16 : i32
        %mul3A_821 = arith.muli %mul3A_819, %mul3A_820 : i32
        %add3A_822 = arith.constant 0 : i32
        %add3A_823 = arith.addi %add3A_822, %mul3A_821 : i32
        %add3A_824 = arith.constant 160 : i32
        %add3A_825 = arith.addi %add3A_823, %add3A_824 : i32
        %get3A_826 = arith.index_cast %add3A_825 : i32 to index
        %get3A_827 = tpu.vector_load %arg10[%get3A_826] {strides = array<i32>} : memref<32768xi32, #tpu.memory_space<vmem>>, vector<16xi32>,
        %get3A_828 = vector.shape_cast %get3A_827 : vector<16xi32> to vector<16xi32>
        %sub3A_829 = arith.subi %get3A_828, %or3A : vector<16xi32>
        %shift_right_arithmetic3A_830 = arith.constant 31 : i32
        %shift_right_arithmetic3A_831 = vector.broadcast %shift_right_arithmetic3A_830 : i32 to vector<16xi32>
        %shift_right_arithmetic3A_832 = arith.shrsi %sub3A_829, %shift_right_arithmetic3A_831 : vector<16xi32>
        %add3A_833 = arith.addi %add3A_705, %shift_right_arithmetic3A_832 : vector<16xi32>
        %mul3A_834 = arith.constant 16 : i32
        %mul3A_835 = arith.muli %scan3A_650, %mul3A_834 : i32
        %mul3A_836 = arith.constant 16 : i32
        %mul3A_837 = arith.muli %mul3A_835, %mul3A_836 : i32
        %add3A_838 = arith.constant 0 : i32
        %add3A_839 = arith.addi %add3A_838, %mul3A_837 : i32
        %add3A_840 = arith.constant 176 : i32
        %add3A_841 = arith.addi %add3A_839, %add3A_840 : i32
        %get3A_842 = arith.index_cast %add3A_841 : i32 to index
        %get3A_843 = tpu.vector_load %arg10[%get3A_842] {strides = array<i32>} : memref<32768xi32, #tpu.memory_space<vmem>>, vector<16xi32>,
        %get3A_844 = vector.shape_cast %get3A_843 : vector<16xi32> to vector<16xi32>
        %sub3A_845 = arith.subi %get3A_844, %or3A : vector<16xi32>
        %shift_right_arithmetic3A_846 = arith.constant 31 : i32
        %shift_right_arithmetic3A_847 = vector.broadcast %shift_right_arithmetic3A_846 : i32 to vector<16xi32>
        %shift_right_arithmetic3A_848 = arith.shrsi %sub3A_845, %shift_right_arithmetic3A_847 : vector<16xi32>
        %add3A_849 = arith.addi %add3A_721, %shift_right_arithmetic3A_848 : vector<16xi32>
        %mul3A_850 = arith.constant 16 : i32
        %mul3A_851 = arith.muli %scan3A_650, %mul3A_850 : i32
        %mul3A_852 = arith.constant 16 : i32
        %mul3A_853 = arith.muli %mul3A_851, %mul3A_852 : i32
        %add3A_854 = arith.constant 0 : i32
        %add3A_855 = arith.addi %add3A_854, %mul3A_853 : i32
        %add3A_856 = arith.constant 192 : i32
        %add3A_857 = arith.addi %add3A_855, %add3A_856 : i32
        %get3A_858 = arith.index_cast %add3A_857 : i32 to index
        %get3A_859 = tpu.vector_load %arg10[%get3A_858] {strides = array<i32>} : memref<32768xi32, #tpu.memory_space<vmem>>, vector<16xi32>,
        %get3A_860 = vector.shape_cast %get3A_859 : vector<16xi32> to vector<16xi32>
        %sub3A_861 = arith.subi %get3A_860, %or3A : vector<16xi32>
        %shift_right_arithmetic3A_862 = arith.constant 31 : i32
        %shift_right_arithmetic3A_863 = vector.broadcast %shift_right_arithmetic3A_862 : i32 to vector<16xi32>
        %shift_right_arithmetic3A_864 = arith.shrsi %sub3A_861, %shift_right_arithmetic3A_863 : vector<16xi32>
        %add3A_865 = arith.addi %add3A_737, %shift_right_arithmetic3A_864 : vector<16xi32>
        %mul3A_866 = arith.constant 16 : i32
        %mul3A_867 = arith.muli %scan3A_650, %mul3A_866 : i32
        %mul3A_868 = arith.constant 16 : i32
        %mul3A_869 = arith.muli %mul3A_867, %mul3A_868 : i32
        %add3A_870 = arith.constant 0 : i32
        %add3A_871 = arith.addi %add3A_870, %mul3A_869 : i32
        %add3A_872 = arith.constant 208 : i32
        %add3A_873 = arith.addi %add3A_871, %add3A_872 : i32
        %get3A_874 = arith.index_cast %add3A_873 : i32 to index
        %get3A_875 = tpu.vector_load %arg10[%get3A_874] {strides = array<i32>} : memref<32768xi32, #tpu.memory_space<vmem>>, vector<16xi32>,
        %get3A_876 = vector.shape_cast %get3A_875 : vector<16xi32> to vector<16xi32>
        %sub3A_877 = arith.subi %get3A_876, %or3A : vector<16xi32>
        %shift_right_arithmetic3A_878 = arith.constant 31 : i32
        %shift_right_arithmetic3A_879 = vector.broadcast %shift_right_arithmetic3A_878 : i32 to vector<16xi32>
        %shift_right_arithmetic3A_880 = arith.shrsi %sub3A_877, %shift_right_arithmetic3A_879 : vector<16xi32>
        %add3A_881 = arith.addi %add3A_753, %shift_right_arithmetic3A_880 : vector<16xi32>
        %mul3A_882 = arith.constant 16 : i32
        %mul3A_883 = arith.muli %scan3A_650, %mul3A_882 : i32
        %mul3A_884 = arith.constant 16 : i32
        %mul3A_885 = arith.muli %mul3A_883, %mul3A_884 : i32
        %add3A_886 = arith.constant 0 : i32
        %add3A_887 = arith.addi %add3A_886, %mul3A_885 : i32
        %add3A_888 = arith.constant 224 : i32
        %add3A_889 = arith.addi %add3A_887, %add3A_888 : i32
        %get3A_890 = arith.index_cast %add3A_889 : i32 to index
        %get3A_891 = tpu.vector_load %arg10[%get3A_890] {strides = array<i32>} : memref<32768xi32, #tpu.memory_space<vmem>>, vector<16xi32>,
        %get3A_892 = vector.shape_cast %get3A_891 : vector<16xi32> to vector<16xi32>
        %sub3A_893 = arith.subi %get3A_892, %or3A : vector<16xi32>
        %shift_right_arithmetic3A_894 = arith.constant 31 : i32
        %shift_right_arithmetic3A_895 = vector.broadcast %shift_right_arithmetic3A_894 : i32 to vector<16xi32>
        %shift_right_arithmetic3A_896 = arith.shrsi %sub3A_893, %shift_right_arithmetic3A_895 : vector<16xi32>
        %add3A_897 = arith.addi %add3A_769, %shift_right_arithmetic3A_896 : vector<16xi32>
        %mul3A_898 = arith.constant 16 : i32
        %mul3A_899 = arith.muli %scan3A_650, %mul3A_898 : i32
        %mul3A_900 = arith.constant 16 : i32
        %mul3A_901 = arith.muli %mul3A_899, %mul3A_900 : i32
        %add3A_902 = arith.constant 0 : i32
        %add3A_903 = arith.addi %add3A_902, %mul3A_901 : i32
        %add3A_904 = arith.constant 240 : i32
        %add3A_905 = arith.addi %add3A_903, %add3A_904 : i32
        %get3A_906 = arith.index_cast %add3A_905 : i32 to index
        %get3A_907 = tpu.vector_load %arg10[%get3A_906] {strides = array<i32>} : memref<32768xi32, #tpu.memory_space<vmem>>, vector<16xi32>,
        %get3A_908 = vector.shape_cast %get3A_907 : vector<16xi32> to vector<16xi32>
        %sub3A_909 = arith.subi %get3A_908, %or3A : vector<16xi32>
        %shift_right_arithmetic3A_910 = arith.constant 31 : i32
        %shift_right_arithmetic3A_911 = vector.broadcast %shift_right_arithmetic3A_910 : i32 to vector<16xi32>
        %shift_right_arithmetic3A_912 = arith.shrsi %sub3A_909, %shift_right_arithmetic3A_911 : vector<16xi32>
        %add3A_913 = arith.addi %add3A_785, %shift_right_arithmetic3A_912 : vector<16xi32>
        scf.yield %add3A_801, %add3A_817, %add3A_833, %add3A_849, %add3A_865, %add3A_881, %add3A_897, %add3A_913 : vector<16xi32>, vector<16xi32>, vector<16xi32>, vector<16xi32>, vector<16xi32>, vector<16xi32>, vector<16xi32>, vector<16xi32>
      }
      %scan3A_612 = arith.constant 32 : i32
      %add3A_613 = arith.addi %scan3A_611#0, %scan3A_611#1 : vector<16xi32>
      %add3A_614 = arith.addi %add3A_613, %scan3A_611#2 : vector<16xi32>
      %add3A_615 = arith.addi %add3A_614, %scan3A_611#3 : vector<16xi32>
      %add3A_616 = arith.addi %add3A_615, %scan3A_611#4 : vector<16xi32>
      %add3A_617 = arith.addi %add3A_616, %scan3A_611#5 : vector<16xi32>
      %add3A_618 = arith.addi %add3A_617, %scan3A_611#6 : vector<16xi32>
      %add3A_619 = arith.addi %add3A_618, %scan3A_611#7 : vector<16xi32>
      %neg3A = arith.constant 0 : i32
      %neg3A_620 = vector.broadcast %neg3A : i32 to vector<16xi32>
      %neg3A_621 = arith.subi %neg3A_620, %add3A_619 : vector<16xi32>
      %convert_element_type3A = arith.sitofp %neg3A_621 : vector<16xi32> to vector<16xf32>
      %xor3A_622 = arith.constant 8 : i32
      %xor3A_623 = vector.broadcast %xor3A_622 : i32 to vector<16xi32>
      %xor3A_624 = arith.xori %iota3A, %xor3A_623 : vector<16xi32>
      %broadcast_in_dim3A_625 = vector.shape_cast %xor3A_624 : vector<16xi32> to vector<16x1xi32>
      %gather3A_626 = vector.shape_cast %broadcast_in_dim3A_625 : vector<16x1xi32> to vector<16xi32>
      %gather3A_627 = tpu.dynamic_gather %convert_element_type3A[%gather3A_626] in [0] : vector<16xf32>, vector<16xi32> -> vector<16xf32>
      %add3A_628 = arith.addf %convert_element_type3A, %gather3A_627 : vector<16xf32>
      %xor3A_629 = arith.constant 4 : i32
      %xor3A_630 = vector.broadcast %xor3A_629 : i32 to vector<16xi32>
      %xor3A_631 = arith.xori %iota3A, %xor3A_630 : vector<16xi32>
      %broadcast_in_dim3A_632 = vector.shape_cast %xor3A_631 : vector<16xi32> to vector<16x1xi32>
      %gather3A_633 = vector.shape_cast %broadcast_in_dim3A_632 : vector<16x1xi32> to vector<16xi32>
      %gather3A_634 = tpu.dynamic_gather %add3A_628[%gather3A_633] in [0] : vector<16xf32>, vector<16xi32> -> vector<16xf32>
      %add3A_635 = arith.addf %add3A_628, %gather3A_634 : vector<16xf32>
      %xor3A_636 = arith.constant 2 : i32
      %xor3A_637 = vector.broadcast %xor3A_636 : i32 to vector<16xi32>
      %xor3A_638 = arith.xori %iota3A, %xor3A_637 : vector<16xi32>
      %broadcast_in_dim3A_639 = vector.shape_cast %xor3A_638 : vector<16xi32> to vector<16x1xi32>
      %gather3A_640 = vector.shape_cast %broadcast_in_dim3A_639 : vector<16x1xi32> to vector<16xi32>
      %gather3A_641 = tpu.dynamic_gather %add3A_635[%gather3A_640] in [0] : vector<16xf32>, vector<16xi32> -> vector<16xf32>
      %add3A_642 = arith.addf %add3A_635, %gather3A_641 : vector<16xf32>
      %xor3A_643 = arith.constant 1 : i32
      %xor3A_644 = vector.broadcast %xor3A_643 : i32 to vector<16xi32>
      %xor3A_645 = arith.xori %iota3A, %xor3A_644 : vector<16xi32>
      %broadcast_in_dim3A_646 = vector.shape_cast %xor3A_645 : vector<16xi32> to vector<16x1xi32>
      %gather3A_647 = vector.shape_cast %broadcast_in_dim3A_646 : vector<16x1xi32> to vector<16xi32>
      %gather3A_648 = tpu.dynamic_gather %add3A_642[%gather3A_647] in [0] : vector<16xf32>, vector<16xi32> -> vector<16xf32>
      %add3A_649 = arith.addf %add3A_642, %gather3A_648 : vector<16xf32>
      %lt3A = arith.cmpf olt, %add3A_649, %get3A_167 : vector<16xf32>
      %select_n3A = arith.select %lt3A, %or3A, %scan3A_603 : vector<16xi1>, vector<16xi32>
      scf.yield %select_n3A : vector<16xi32>
    }
    %scan3A_175 = arith.constant 31 : i32
    %scan3A_176 = arith.constant 0 : i32
    %scan3A_177 = arith.constant 128 : i32
    %scan3A_178 = arith.addi %scan3A_176, %scan3A_177 : i32
    %scan3A_179 = arith.constant 1 : i32
    %scan3A_180:4 = scf.for %scan3A_602 = %scan3A_176 to %scan3A_178 step %scan3A_179 iter_args(%scan3A_603 = %broadcast_in_dim3A_155, %scan3A_604 = %broadcast_in_dim3A_155, %scan3A_605 = %broadcast_in_dim3A_155, %scan3A_606 = %broadcast_in_dim3A_155) -> (vector<16xf32>, vector<16xf32>, vector<16xf32>, vector<16xf32>)  : i32 {
      %mul3A_607 = arith.constant 4 : i32
      %mul3A_608 = arith.muli %scan3A_602, %mul3A_607 : i32
      %mul3A_609 = arith.constant 16 : i32
      %mul3A_610 = arith.muli %mul3A_608, %mul3A_609 : i32
      %add3A_611 = arith.constant 0 : i32
      %add3A_612 = arith.addi %add3A_611, %mul3A_610 : i32
      %add3A_613 = arith.constant 0 : i32
      %add3A_614 = arith.addi %add3A_612, %add3A_613 : i32
      %get3A_615 = arith.index_cast %add3A_614 : i32 to index
      %get3A_616 = tpu.vector_load %arg8[%get3A_615] {strides = array<i32>} : memref<32768xf32, #tpu.memory_space<vmem>>, vector<16xf32>,
      %get3A_617 = vector.shape_cast %get3A_616 : vector<16xf32> to vector<16xf32>
      %get3A_618 = arith.index_cast %add3A_614 : i32 to index
      %get3A_619 = tpu.vector_load %arg10[%get3A_618] {strides = array<i32>} : memref<32768xi32, #tpu.memory_space<vmem>>, vector<16xi32>,
      %get3A_620 = vector.shape_cast %get3A_619 : vector<16xi32> to vector<16xi32>
      %gt3A = arith.cmpi sgt, %get3A_620, %scan3A_174 : vector<16xi32>
      %jit3A = arith.constant 1.000000e+00 : f32
      %jit3A_621 = arith.constant 0.000000e+00 : f32
      %broadcast_in_dim3A_622 = vector.broadcast %jit3A : f32 to vector<16xf32>
      %broadcast_in_dim3A_623 = vector.broadcast %jit3A_621 : f32 to vector<16xf32>
      %select_n3A = arith.select %gt3A, %broadcast_in_dim3A_622, %broadcast_in_dim3A_623 : vector<16xi1>, vector<16xf32>
      %mul3A_624 = arith.mulf %get3A_617, %select_n3A : vector<16xf32>
      %swap3A_625 = arith.index_cast %add3A_614 : i32 to index
      %swap3A_626 = tpu.vector_load %arg8[%swap3A_625] {strides = array<i32>} : memref<32768xf32, #tpu.memory_space<vmem>>, vector<16xf32>,
      %swap3A_627 = vector.shape_cast %swap3A_626 : vector<16xf32> to vector<16xf32>
      %swap3A_628 = vector.shape_cast %mul3A_624 : vector<16xf32> to vector<16xf32>
      tpu.vector_store %arg8[%swap3A_625], %swap3A_628 {strides = array<i32>} : memref<32768xf32, #tpu.memory_space<vmem>>, vector<16xf32>,
      %swap3A_629 = arith.index_cast %add3A_614 : i32 to index
      %swap3A_630 = tpu.vector_load %arg9[%swap3A_629] {strides = array<i32>} : memref<32768xf32, #tpu.memory_space<vmem>>, vector<16xf32>,
      %swap3A_631 = vector.shape_cast %swap3A_630 : vector<16xf32> to vector<16xf32>
      %swap3A_632 = vector.shape_cast %select_n3A : vector<16xf32> to vector<16xf32>
      tpu.vector_store %arg9[%swap3A_629], %swap3A_632 {strides = array<i32>} : memref<32768xf32, #tpu.memory_space<vmem>>, vector<16xf32>,
      %abs3A = math.absf %mul3A_624 : vector<16xf32>
      %add3A_633 = arith.addf %scan3A_603, %select_n3A : vector<16xf32>
      %add3A_634 = arith.addf %scan3A_605, %abs3A : vector<16xf32>
      %mul3A_635 = arith.constant 4 : i32
      %mul3A_636 = arith.muli %scan3A_602, %mul3A_635 : i32
      %mul3A_637 = arith.constant 16 : i32
      %mul3A_638 = arith.muli %mul3A_636, %mul3A_637 : i32
      %add3A_639 = arith.constant 0 : i32
      %add3A_640 = arith.addi %add3A_639, %mul3A_638 : i32
      %add3A_641 = arith.constant 16 : i32
      %add3A_642 = arith.addi %add3A_640, %add3A_641 : i32
      %get3A_643 = arith.index_cast %add3A_642 : i32 to index
      %get3A_644 = tpu.vector_load %arg8[%get3A_643] {strides = array<i32>} : memref<32768xf32, #tpu.memory_space<vmem>>, vector<16xf32>,
      %get3A_645 = vector.shape_cast %get3A_644 : vector<16xf32> to vector<16xf32>
      %get3A_646 = arith.index_cast %add3A_642 : i32 to index
      %get3A_647 = tpu.vector_load %arg10[%get3A_646] {strides = array<i32>} : memref<32768xi32, #tpu.memory_space<vmem>>, vector<16xi32>,
      %get3A_648 = vector.shape_cast %get3A_647 : vector<16xi32> to vector<16xi32>
      %gt3A_649 = arith.cmpi sgt, %get3A_648, %scan3A_174 : vector<16xi32>
      %jit3A_650 = arith.constant 1.000000e+00 : f32
      %jit3A_651 = arith.constant 0.000000e+00 : f32
      %broadcast_in_dim3A_652 = vector.broadcast %jit3A_650 : f32 to vector<16xf32>
      %broadcast_in_dim3A_653 = vector.broadcast %jit3A_651 : f32 to vector<16xf32>
      %select_n3A_654 = arith.select %gt3A_649, %broadcast_in_dim3A_652, %broadcast_in_dim3A_653 : vector<16xi1>, vector<16xf32>
      %mul3A_655 = arith.mulf %get3A_645, %select_n3A_654 : vector<16xf32>
      %swap3A_656 = arith.index_cast %add3A_642 : i32 to index
      %swap3A_657 = tpu.vector_load %arg8[%swap3A_656] {strides = array<i32>} : memref<32768xf32, #tpu.memory_space<vmem>>, vector<16xf32>,
      %swap3A_658 = vector.shape_cast %swap3A_657 : vector<16xf32> to vector<16xf32>
      %swap3A_659 = vector.shape_cast %mul3A_655 : vector<16xf32> to vector<16xf32>
      tpu.vector_store %arg8[%swap3A_656], %swap3A_659 {strides = array<i32>} : memref<32768xf32, #tpu.memory_space<vmem>>, vector<16xf32>,
      %swap3A_660 = arith.index_cast %add3A_642 : i32 to index
      %swap3A_661 = tpu.vector_load %arg9[%swap3A_660] {strides = array<i32>} : memref<32768xf32, #tpu.memory_space<vmem>>, vector<16xf32>,
      %swap3A_662 = vector.shape_cast %swap3A_661 : vector<16xf32> to vector<16xf32>
      %swap3A_663 = vector.shape_cast %select_n3A_654 : vector<16xf32> to vector<16xf32>
      tpu.vector_store %arg9[%swap3A_660], %swap3A_663 {strides = array<i32>} : memref<32768xf32, #tpu.memory_space<vmem>>, vector<16xf32>,
      %abs3A_664 = math.absf %mul3A_655 : vector<16xf32>
      %add3A_665 = arith.addf %scan3A_604, %select_n3A_654 : vector<16xf32>
      %add3A_666 = arith.addf %scan3A_606, %abs3A_664 : vector<16xf32>
      %mul3A_667 = arith.constant 4 : i32
      %mul3A_668 = arith.muli %scan3A_602, %mul3A_667 : i32
      %mul3A_669 = arith.constant 16 : i32
      %mul3A_670 = arith.muli %mul3A_668, %mul3A_669 : i32
      %add3A_671 = arith.constant 0 : i32
      %add3A_672 = arith.addi %add3A_671, %mul3A_670 : i32
      %add3A_673 = arith.constant 32 : i32
      %add3A_674 = arith.addi %add3A_672, %add3A_673 : i32
      %get3A_675 = arith.index_cast %add3A_674 : i32 to index
      %get3A_676 = tpu.vector_load %arg8[%get3A_675] {strides = array<i32>} : memref<32768xf32, #tpu.memory_space<vmem>>, vector<16xf32>,
      %get3A_677 = vector.shape_cast %get3A_676 : vector<16xf32> to vector<16xf32>
      %get3A_678 = arith.index_cast %add3A_674 : i32 to index
      %get3A_679 = tpu.vector_load %arg10[%get3A_678] {strides = array<i32>} : memref<32768xi32, #tpu.memory_space<vmem>>, vector<16xi32>,
      %get3A_680 = vector.shape_cast %get3A_679 : vector<16xi32> to vector<16xi32>
      %gt3A_681 = arith.cmpi sgt, %get3A_680, %scan3A_174 : vector<16xi32>
      %jit3A_682 = arith.constant 1.000000e+00 : f32
      %jit3A_683 = arith.constant 0.000000e+00 : f32
      %broadcast_in_dim3A_684 = vector.broadcast %jit3A_682 : f32 to vector<16xf32>
      %broadcast_in_dim3A_685 = vector.broadcast %jit3A_683 : f32 to vector<16xf32>
      %select_n3A_686 = arith.select %gt3A_681, %broadcast_in_dim3A_684, %broadcast_in_dim3A_685 : vector<16xi1>, vector<16xf32>
      %mul3A_687 = arith.mulf %get3A_677, %select_n3A_686 : vector<16xf32>
      %swap3A_688 = arith.index_cast %add3A_674 : i32 to index
      %swap3A_689 = tpu.vector_load %arg8[%swap3A_688] {strides = array<i32>} : memref<32768xf32, #tpu.memory_space<vmem>>, vector<16xf32>,
      %swap3A_690 = vector.shape_cast %swap3A_689 : vector<16xf32> to vector<16xf32>
      %swap3A_691 = vector.shape_cast %mul3A_687 : vector<16xf32> to vector<16xf32>
      tpu.vector_store %arg8[%swap3A_688], %swap3A_691 {strides = array<i32>} : memref<32768xf32, #tpu.memory_space<vmem>>, vector<16xf32>,
      %swap3A_692 = arith.index_cast %add3A_674 : i32 to index
      %swap3A_693 = tpu.vector_load %arg9[%swap3A_692] {strides = array<i32>} : memref<32768xf32, #tpu.memory_space<vmem>>, vector<16xf32>,
      %swap3A_694 = vector.shape_cast %swap3A_693 : vector<16xf32> to vector<16xf32>
      %swap3A_695 = vector.shape_cast %select_n3A_686 : vector<16xf32> to vector<16xf32>
      tpu.vector_store %arg9[%swap3A_692], %swap3A_695 {strides = array<i32>} : memref<32768xf32, #tpu.memory_space<vmem>>, vector<16xf32>,
      %abs3A_696 = math.absf %mul3A_687 : vector<16xf32>
      %add3A_697 = arith.addf %add3A_633, %select_n3A_686 : vector<16xf32>
      %add3A_698 = arith.addf %add3A_634, %abs3A_696 : vector<16xf32>
      %mul3A_699 = arith.constant 4 : i32
      %mul3A_700 = arith.muli %scan3A_602, %mul3A_699 : i32
      %mul3A_701 = arith.constant 16 : i32
      %mul3A_702 = arith.muli %mul3A_700, %mul3A_701 : i32
      %add3A_703 = arith.constant 0 : i32
      %add3A_704 = arith.addi %add3A_703, %mul3A_702 : i32
      %add3A_705 = arith.constant 48 : i32
      %add3A_706 = arith.addi %add3A_704, %add3A_705 : i32
      %get3A_707 = arith.index_cast %add3A_706 : i32 to index
      %get3A_708 = tpu.vector_load %arg8[%get3A_707] {strides = array<i32>} : memref<32768xf32, #tpu.memory_space<vmem>>, vector<16xf32>,
      %get3A_709 = vector.shape_cast %get3A_708 : vector<16xf32> to vector<16xf32>
      %get3A_710 = arith.index_cast %add3A_706 : i32 to index
      %get3A_711 = tpu.vector_load %arg10[%get3A_710] {strides = array<i32>} : memref<32768xi32, #tpu.memory_space<vmem>>, vector<16xi32>,
      %get3A_712 = vector.shape_cast %get3A_711 : vector<16xi32> to vector<16xi32>
      %gt3A_713 = arith.cmpi sgt, %get3A_712, %scan3A_174 : vector<16xi32>
      %jit3A_714 = arith.constant 1.000000e+00 : f32
      %jit3A_715 = arith.constant 0.000000e+00 : f32
      %broadcast_in_dim3A_716 = vector.broadcast %jit3A_714 : f32 to vector<16xf32>
      %broadcast_in_dim3A_717 = vector.broadcast %jit3A_715 : f32 to vector<16xf32>
      %select_n3A_718 = arith.select %gt3A_713, %broadcast_in_dim3A_716, %broadcast_in_dim3A_717 : vector<16xi1>, vector<16xf32>
      %mul3A_719 = arith.mulf %get3A_709, %select_n3A_718 : vector<16xf32>
      %swap3A_720 = arith.index_cast %add3A_706 : i32 to index
      %swap3A_721 = tpu.vector_load %arg8[%swap3A_720] {strides = array<i32>} : memref<32768xf32, #tpu.memory_space<vmem>>, vector<16xf32>,
      %swap3A_722 = vector.shape_cast %swap3A_721 : vector<16xf32> to vector<16xf32>
      %swap3A_723 = vector.shape_cast %mul3A_719 : vector<16xf32> to vector<16xf32>
      tpu.vector_store %arg8[%swap3A_720], %swap3A_723 {strides = array<i32>} : memref<32768xf32, #tpu.memory_space<vmem>>, vector<16xf32>,
      %swap3A_724 = arith.index_cast %add3A_706 : i32 to index
      %swap3A_725 = tpu.vector_load %arg9[%swap3A_724] {strides = array<i32>} : memref<32768xf32, #tpu.memory_space<vmem>>, vector<16xf32>,
      %swap3A_726 = vector.shape_cast %swap3A_725 : vector<16xf32> to vector<16xf32>
      %swap3A_727 = vector.shape_cast %select_n3A_718 : vector<16xf32> to vector<16xf32>
      tpu.vector_store %arg9[%swap3A_724], %swap3A_727 {strides = array<i32>} : memref<32768xf32, #tpu.memory_space<vmem>>, vector<16xf32>,
      %abs3A_728 = math.absf %mul3A_719 : vector<16xf32>
      %add3A_729 = arith.addf %add3A_665, %select_n3A_718 : vector<16xf32>
      %add3A_730 = arith.addf %add3A_666, %abs3A_728 : vector<16xf32>
      scf.yield %add3A_697, %add3A_729, %add3A_698, %add3A_730 : vector<16xf32>, vector<16xf32>, vector<16xf32>, vector<16xf32>
    }
    %scan3A_181 = arith.constant 128 : i32
    %add3A_182 = arith.addf %scan3A_180#0, %scan3A_180#1 : vector<16xf32>
    %xor3A = arith.constant 8 : i32
    %xor3A_183 = vector.broadcast %xor3A : i32 to vector<16xi32>
    %xor3A_184 = arith.xori %iota3A, %xor3A_183 : vector<16xi32>
    %broadcast_in_dim3A_185 = vector.shape_cast %xor3A_184 : vector<16xi32> to vector<16x1xi32>
    %gather3A = vector.shape_cast %broadcast_in_dim3A_185 : vector<16x1xi32> to vector<16xi32>
    %gather3A_186 = tpu.dynamic_gather %add3A_182[%gather3A] in [0] : vector<16xf32>, vector<16xi32> -> vector<16xf32>
    %add3A_187 = arith.addf %add3A_182, %gather3A_186 : vector<16xf32>
    %xor3A_188 = arith.constant 4 : i32
    %xor3A_189 = vector.broadcast %xor3A_188 : i32 to vector<16xi32>
    %xor3A_190 = arith.xori %iota3A, %xor3A_189 : vector<16xi32>
    %broadcast_in_dim3A_191 = vector.shape_cast %xor3A_190 : vector<16xi32> to vector<16x1xi32>
    %gather3A_192 = vector.shape_cast %broadcast_in_dim3A_191 : vector<16x1xi32> to vector<16xi32>
    %gather3A_193 = tpu.dynamic_gather %add3A_187[%gather3A_192] in [0] : vector<16xf32>, vector<16xi32> -> vector<16xf32>
    %add3A_194 = arith.addf %add3A_187, %gather3A_193 : vector<16xf32>
    %xor3A_195 = arith.constant 2 : i32
    %xor3A_196 = vector.broadcast %xor3A_195 : i32 to vector<16xi32>
    %xor3A_197 = arith.xori %iota3A, %xor3A_196 : vector<16xi32>
    %broadcast_in_dim3A_198 = vector.shape_cast %xor3A_197 : vector<16xi32> to vector<16x1xi32>
    %gather3A_199 = vector.shape_cast %broadcast_in_dim3A_198 : vector<16x1xi32> to vector<16xi32>
    %gather3A_200 = tpu.dynamic_gather %add3A_194[%gather3A_199] in [0] : vector<16xf32>, vector<16xi32> -> vector<16xf32>
    %add3A_201 = arith.addf %add3A_194, %gather3A_200 : vector<16xf32>
    %xor3A_202 = arith.constant 1 : i32
    %xor3A_203 = vector.broadcast %xor3A_202 : i32 to vector<16xi32>
    %xor3A_204 = arith.xori %iota3A, %xor3A_203 : vector<16xi32>
    %broadcast_in_dim3A_205 = vector.shape_cast %xor3A_204 : vector<16xi32> to vector<16x1xi32>
    %gather3A_206 = vector.shape_cast %broadcast_in_dim3A_205 : vector<16x1xi32> to vector<16xi32>
    %gather3A_207 = tpu.dynamic_gather %add3A_201[%gather3A_206] in [0] : vector<16xf32>, vector<16xi32> -> vector<16xf32>
    %add3A_208 = arith.addf %add3A_201, %gather3A_207 : vector<16xf32>
    %mul3A_209 = arith.constant 1.22070313E-4 : f32
    %mul3A_210 = vector.broadcast %mul3A_209 : f32 to vector<16xf32>
    %mul3A_211 = arith.mulf %add3A_208, %mul3A_210 : vector<16xf32>
    %swap3A = arith.constant 0 : index
    %swap3A_212 = tpu.vector_load %arg12[%swap3A] {strides = array<i32>} : memref<64xf32, #tpu.memory_space<vmem>>, vector<16xf32>,
    %swap3A_213 = vector.shape_cast %swap3A_212 : vector<16xf32> to vector<16xf32>
    %swap3A_214 = vector.shape_cast %mul3A_211 : vector<16xf32> to vector<16xf32>
    tpu.vector_store %arg12[%swap3A], %swap3A_214 {strides = array<i32>} : memref<64xf32, #tpu.memory_space<vmem>>, vector<16xf32>,
    %add3A_215 = arith.addf %broadcast_in_dim3A_155, %scan3A_180#2 : vector<16xf32>
    %add3A_216 = arith.addf %add3A_215, %scan3A_180#3 : vector<16xf32>
    %add3A_217 = arith.constant 0 : i32
    %add3A_218 = arith.addi %mul3A_2, %add3A_217 : i32
    %dma_start3A_219 = arith.constant 0 : i32
    %dma_start3A_220 = tpu.memref_slice %arg8[%dma_start3A_219] : memref<32768xf32, #tpu.memory_space<vmem>> -> memref<8192xf32, #tpu.memory_space<vmem>>
    %dma_start3A_221 = arith.constant 0 : i32
    %dma_start3A_222 = tpu.memref_slice %arg4[%add3A_218, %dma_start3A_221] : memref<128x8192xf32, #tpu.memory_space<hbm>> -> memref<1x8192xf32, #tpu.memory_space<hbm>>
    %dma_start3A_223 = tpu.memref_squeeze %dma_start3A_222 : memref<1x8192xf32, #tpu.memory_space<hbm>> -> memref<8192xf32, #tpu.memory_space<hbm>>
    %dma_start3A_224 = arith.constant 0 : i32
    %dma_start3A_225 = tpu.memref_slice %arg4[%add3A_218, %dma_start3A_224] : memref<128x8192xf32, #tpu.memory_space<hbm>> -> memref<1x8192xf32, #tpu.memory_space<hbm>>
    %dma_start3A_226 = tpu.memref_squeeze %dma_start3A_225 : memref<1x8192xf32, #tpu.memory_space<hbm>> -> memref<8192xf32, #tpu.memory_space<hbm>>
    %dma_start3A_227 = arith.constant 0 : i32
    %dma_start3A_228 = tpu.memref_slice %arg8[%dma_start3A_227] : memref<32768xf32, #tpu.memory_space<vmem>> -> memref<8192xf32, #tpu.memory_space<vmem>>
    tpu.enqueue_dma source(%dma_start3A_228 : memref<8192xf32, #tpu.memory_space<vmem>>) target(%dma_start3A_226 : memref<8192xf32, #tpu.memory_space<hbm>>) target_semaphore(%arg14 : memref<!tpu.dma_semaphore, #tpu.memory_space<semaphore_mem>>)
    %add3A_229 = arith.constant 0 : i32
    %add3A_230 = arith.addi %mul3A_2, %add3A_229 : i32
    %dma_start3A_231 = arith.constant 0 : i32
    %dma_start3A_232 = tpu.memref_slice %arg9[%dma_start3A_231] : memref<32768xf32, #tpu.memory_space<vmem>> -> memref<8192xf32, #tpu.memory_space<vmem>>
    %dma_start3A_233 = arith.constant 0 : i32
    %dma_start3A_234 = tpu.memref_slice %arg5[%add3A_230, %dma_start3A_233] : memref<128x8192xf32, #tpu.memory_space<hbm>> -> memref<1x8192xf32, #tpu.memory_space<hbm>>
    %dma_start3A_235 = tpu.memref_squeeze %dma_start3A_234 : memref<1x8192xf32, #tpu.memory_space<hbm>> -> memref<8192xf32, #tpu.memory_space<hbm>>
    %dma_start3A_236 = arith.constant 0 : i32
    %dma_start3A_237 = tpu.memref_slice %arg5[%add3A_230, %dma_start3A_236] : memref<128x8192xf32, #tpu.memory_space<hbm>> -> memref<1x8192xf32, #tpu.memory_space<hbm>>
    %dma_start3A_238 = tpu.memref_squeeze %dma_start3A_237 : memref<1x8192xf32, #tpu.memory_space<hbm>> -> memref<8192xf32, #tpu.memory_space<hbm>>
    %dma_start3A_239 = arith.constant 0 : i32
    %dma_start3A_240 = tpu.memref_slice %arg9[%dma_start3A_239] : memref<32768xf32, #tpu.memory_space<vmem>> -> memref<8192xf32, #tpu.memory_space<vmem>>
    tpu.enqueue_dma source(%dma_start3A_240 : memref<8192xf32, #tpu.memory_space<vmem>>) target(%dma_start3A_238 : memref<8192xf32, #tpu.memory_space<hbm>>) target_semaphore(%arg14 : memref<!tpu.dma_semaphore, #tpu.memory_space<semaphore_mem>>)
    %get3A_241 = arith.constant 16 : index
    %get3A_242 = tpu.vector_load %arg11[%get3A_241] {strides = array<i32>} : memref<64xf32, #tpu.memory_space<vmem>>, vector<16xf32>,
    %get3A_243 = vector.shape_cast %get3A_242 : vector<16xf32> to vector<16xf32>
    %broadcast_in_dim3A_244 = arith.constant 0 : i32
    %broadcast_in_dim3A_245 = vector.broadcast %broadcast_in_dim3A_244 : i32 to vector<16xi32>
    %scan3A_246 = arith.constant 0 : i32
    %scan3A_247 = arith.constant 31 : i32
    %scan3A_248 = arith.addi %scan3A_246, %scan3A_247 : i32
    %scan3A_249 = arith.constant 1 : i32
    %scan3A_250 = scf.for %scan3A_602 = %scan3A_246 to %scan3A_248 step %scan3A_249 iter_args(%scan3A_603 = %broadcast_in_dim3A_245) -> (vector<16xi32>)  : i32 {
      %sub3A = arith.constant 30 : i32
      %sub3A_604 = arith.subi %sub3A, %scan3A_602 : i32
      %shift_left3A = arith.constant 1 : i32
      %shift_left3A_605 = arith.shli %shift_left3A, %sub3A_604 : i32
      %broadcast_in_dim3A_606 = vector.broadcast %shift_left3A_605 : i32 to vector<16xi32>
      %or3A = arith.ori %scan3A_603, %broadcast_in_dim3A_606 : vector<16xi32>
      %scan3A_607 = arith.constant 0 : i32
      %scan3A_608 = arith.constant 32 : i32
      %scan3A_609 = arith.addi %scan3A_607, %scan3A_608 : i32
      %scan3A_610 = arith.constant 1 : i32
      %scan3A_611:8 = scf.for %scan3A_650 = %scan3A_607 to %scan3A_609 step %scan3A_610 iter_args(%scan3A_651 = %broadcast_in_dim3A_159, %scan3A_652 = %broadcast_in_dim3A_159, %scan3A_653 = %broadcast_in_dim3A_159, %scan3A_654 = %broadcast_in_dim3A_159, %scan3A_655 = %broadcast_in_dim3A_159, %scan3A_656 = %broadcast_in_dim3A_159, %scan3A_657 = %broadcast_in_dim3A_159, %scan3A_658 = %broadcast_in_dim3A_159) -> (vector<16xi32>, vector<16xi32>, vector<16xi32>, vector<16xi32>, vector<16xi32>, vector<16xi32>, vector<16xi32>, vector<16xi32>)  : i32 {
        %mul3A_659 = arith.constant 16 : i32
        %mul3A_660 = arith.muli %scan3A_650, %mul3A_659 : i32
        %mul3A_661 = arith.constant 16 : i32
        %mul3A_662 = arith.muli %mul3A_660, %mul3A_661 : i32
        %add3A_663 = arith.constant 8192 : i32
        %add3A_664 = arith.addi %add3A_663, %mul3A_662 : i32
        %add3A_665 = arith.constant 0 : i32
        %add3A_666 = arith.addi %add3A_664, %add3A_665 : i32
        %get3A_667 = arith.index_cast %add3A_666 : i32 to index
        %get3A_668 = tpu.vector_load %arg10[%get3A_667] {strides = array<i32>} : memref<32768xi32, #tpu.memory_space<vmem>>, vector<16xi32>,
        %get3A_669 = vector.shape_cast %get3A_668 : vector<16xi32> to vector<16xi32>
        %sub3A_670 = arith.subi %get3A_669, %or3A : vector<16xi32>
        %shift_right_arithmetic3A = arith.constant 31 : i32
        %shift_right_arithmetic3A_671 = vector.broadcast %shift_right_arithmetic3A : i32 to vector<16xi32>
        %shift_right_arithmetic3A_672 = arith.shrsi %sub3A_670, %shift_right_arithmetic3A_671 : vector<16xi32>
        %add3A_673 = arith.addi %scan3A_651, %shift_right_arithmetic3A_672 : vector<16xi32>
        %mul3A_674 = arith.constant 16 : i32
        %mul3A_675 = arith.muli %scan3A_650, %mul3A_674 : i32
        %mul3A_676 = arith.constant 16 : i32
        %mul3A_677 = arith.muli %mul3A_675, %mul3A_676 : i32
        %add3A_678 = arith.constant 8192 : i32
        %add3A_679 = arith.addi %add3A_678, %mul3A_677 : i32
        %add3A_680 = arith.constant 16 : i32
        %add3A_681 = arith.addi %add3A_679, %add3A_680 : i32
        %get3A_682 = arith.index_cast %add3A_681 : i32 to index
        %get3A_683 = tpu.vector_load %arg10[%get3A_682] {strides = array<i32>} : memref<32768xi32, #tpu.memory_space<vmem>>, vector<16xi32>,
        %get3A_684 = vector.shape_cast %get3A_683 : vector<16xi32> to vector<16xi32>
        %sub3A_685 = arith.subi %get3A_684, %or3A : vector<16xi32>
        %shift_right_arithmetic3A_686 = arith.constant 31 : i32
        %shift_right_arithmetic3A_687 = vector.broadcast %shift_right_arithmetic3A_686 : i32 to vector<16xi32>
        %shift_right_arithmetic3A_688 = arith.shrsi %sub3A_685, %shift_right_arithmetic3A_687 : vector<16xi32>
        %add3A_689 = arith.addi %scan3A_652, %shift_right_arithmetic3A_688 : vector<16xi32>
        %mul3A_690 = arith.constant 16 : i32
        %mul3A_691 = arith.muli %scan3A_650, %mul3A_690 : i32
        %mul3A_692 = arith.constant 16 : i32
        %mul3A_693 = arith.muli %mul3A_691, %mul3A_692 : i32
        %add3A_694 = arith.constant 8192 : i32
        %add3A_695 = arith.addi %add3A_694, %mul3A_693 : i32
        %add3A_696 = arith.constant 32 : i32
        %add3A_697 = arith.addi %add3A_695, %add3A_696 : i32
        %get3A_698 = arith.index_cast %add3A_697 : i32 to index
        %get3A_699 = tpu.vector_load %arg10[%get3A_698] {strides = array<i32>} : memref<32768xi32, #tpu.memory_space<vmem>>, vector<16xi32>,
        %get3A_700 = vector.shape_cast %get3A_699 : vector<16xi32> to vector<16xi32>
        %sub3A_701 = arith.subi %get3A_700, %or3A : vector<16xi32>
        %shift_right_arithmetic3A_702 = arith.constant 31 : i32
        %shift_right_arithmetic3A_703 = vector.broadcast %shift_right_arithmetic3A_702 : i32 to vector<16xi32>
        %shift_right_arithmetic3A_704 = arith.shrsi %sub3A_701, %shift_right_arithmetic3A_703 : vector<16xi32>
        %add3A_705 = arith.addi %scan3A_653, %shift_right_arithmetic3A_704 : vector<16xi32>
        %mul3A_706 = arith.constant 16 : i32
        %mul3A_707 = arith.muli %scan3A_650, %mul3A_706 : i32
        %mul3A_708 = arith.constant 16 : i32
        %mul3A_709 = arith.muli %mul3A_707, %mul3A_708 : i32
        %add3A_710 = arith.constant 8192 : i32
        %add3A_711 = arith.addi %add3A_710, %mul3A_709 : i32
        %add3A_712 = arith.constant 48 : i32
        %add3A_713 = arith.addi %add3A_711, %add3A_712 : i32
        %get3A_714 = arith.index_cast %add3A_713 : i32 to index
        %get3A_715 = tpu.vector_load %arg10[%get3A_714] {strides = array<i32>} : memref<32768xi32, #tpu.memory_space<vmem>>, vector<16xi32>,
        %get3A_716 = vector.shape_cast %get3A_715 : vector<16xi32> to vector<16xi32>
        %sub3A_717 = arith.subi %get3A_716, %or3A : vector<16xi32>
        %shift_right_arithmetic3A_718 = arith.constant 31 : i32
        %shift_right_arithmetic3A_719 = vector.broadcast %shift_right_arithmetic3A_718 : i32 to vector<16xi32>
        %shift_right_arithmetic3A_720 = arith.shrsi %sub3A_717, %shift_right_arithmetic3A_719 : vector<16xi32>
        %add3A_721 = arith.addi %scan3A_654, %shift_right_arithmetic3A_720 : vector<16xi32>
        %mul3A_722 = arith.constant 16 : i32
        %mul3A_723 = arith.muli %scan3A_650, %mul3A_722 : i32
        %mul3A_724 = arith.constant 16 : i32
        %mul3A_725 = arith.muli %mul3A_723, %mul3A_724 : i32
        %add3A_726 = arith.constant 8192 : i32
        %add3A_727 = arith.addi %add3A_726, %mul3A_725 : i32
        %add3A_728 = arith.constant 64 : i32
        %add3A_729 = arith.addi %add3A_727, %add3A_728 : i32
        %get3A_730 = arith.index_cast %add3A_729 : i32 to index
        %get3A_731 = tpu.vector_load %arg10[%get3A_730] {strides = array<i32>} : memref<32768xi32, #tpu.memory_space<vmem>>, vector<16xi32>,
        %get3A_732 = vector.shape_cast %get3A_731 : vector<16xi32> to vector<16xi32>
        %sub3A_733 = arith.subi %get3A_732, %or3A : vector<16xi32>
        %shift_right_arithmetic3A_734 = arith.constant 31 : i32
        %shift_right_arithmetic3A_735 = vector.broadcast %shift_right_arithmetic3A_734 : i32 to vector<16xi32>
        %shift_right_arithmetic3A_736 = arith.shrsi %sub3A_733, %shift_right_arithmetic3A_735 : vector<16xi32>
        %add3A_737 = arith.addi %scan3A_655, %shift_right_arithmetic3A_736 : vector<16xi32>
        %mul3A_738 = arith.constant 16 : i32
        %mul3A_739 = arith.muli %scan3A_650, %mul3A_738 : i32
        %mul3A_740 = arith.constant 16 : i32
        %mul3A_741 = arith.muli %mul3A_739, %mul3A_740 : i32
        %add3A_742 = arith.constant 8192 : i32
        %add3A_743 = arith.addi %add3A_742, %mul3A_741 : i32
        %add3A_744 = arith.constant 80 : i32
        %add3A_745 = arith.addi %add3A_743, %add3A_744 : i32
        %get3A_746 = arith.index_cast %add3A_745 : i32 to index
        %get3A_747 = tpu.vector_load %arg10[%get3A_746] {strides = array<i32>} : memref<32768xi32, #tpu.memory_space<vmem>>, vector<16xi32>,
        %get3A_748 = vector.shape_cast %get3A_747 : vector<16xi32> to vector<16xi32>
        %sub3A_749 = arith.subi %get3A_748, %or3A : vector<16xi32>
        %shift_right_arithmetic3A_750 = arith.constant 31 : i32
        %shift_right_arithmetic3A_751 = vector.broadcast %shift_right_arithmetic3A_750 : i32 to vector<16xi32>
        %shift_right_arithmetic3A_752 = arith.shrsi %sub3A_749, %shift_right_arithmetic3A_751 : vector<16xi32>
        %add3A_753 = arith.addi %scan3A_656, %shift_right_arithmetic3A_752 : vector<16xi32>
        %mul3A_754 = arith.constant 16 : i32
        %mul3A_755 = arith.muli %scan3A_650, %mul3A_754 : i32
        %mul3A_756 = arith.constant 16 : i32
        %mul3A_757 = arith.muli %mul3A_755, %mul3A_756 : i32
        %add3A_758 = arith.constant 8192 : i32
        %add3A_759 = arith.addi %add3A_758, %mul3A_757 : i32
        %add3A_760 = arith.constant 96 : i32
        %add3A_761 = arith.addi %add3A_759, %add3A_760 : i32
        %get3A_762 = arith.index_cast %add3A_761 : i32 to index
        %get3A_763 = tpu.vector_load %arg10[%get3A_762] {strides = array<i32>} : memref<32768xi32, #tpu.memory_space<vmem>>, vector<16xi32>,
        %get3A_764 = vector.shape_cast %get3A_763 : vector<16xi32> to vector<16xi32>
        %sub3A_765 = arith.subi %get3A_764, %or3A : vector<16xi32>
        %shift_right_arithmetic3A_766 = arith.constant 31 : i32
        %shift_right_arithmetic3A_767 = vector.broadcast %shift_right_arithmetic3A_766 : i32 to vector<16xi32>
        %shift_right_arithmetic3A_768 = arith.shrsi %sub3A_765, %shift_right_arithmetic3A_767 : vector<16xi32>
        %add3A_769 = arith.addi %scan3A_657, %shift_right_arithmetic3A_768 : vector<16xi32>
        %mul3A_770 = arith.constant 16 : i32
        %mul3A_771 = arith.muli %scan3A_650, %mul3A_770 : i32
        %mul3A_772 = arith.constant 16 : i32
        %mul3A_773 = arith.muli %mul3A_771, %mul3A_772 : i32
        %add3A_774 = arith.constant 8192 : i32
        %add3A_775 = arith.addi %add3A_774, %mul3A_773 : i32
        %add3A_776 = arith.constant 112 : i32
        %add3A_777 = arith.addi %add3A_775, %add3A_776 : i32
        %get3A_778 = arith.index_cast %add3A_777 : i32 to index
        %get3A_779 = tpu.vector_load %arg10[%get3A_778] {strides = array<i32>} : memref<32768xi32, #tpu.memory_space<vmem>>, vector<16xi32>,
        %get3A_780 = vector.shape_cast %get3A_779 : vector<16xi32> to vector<16xi32>
        %sub3A_781 = arith.subi %get3A_780, %or3A : vector<16xi32>
        %shift_right_arithmetic3A_782 = arith.constant 31 : i32
        %shift_right_arithmetic3A_783 = vector.broadcast %shift_right_arithmetic3A_782 : i32 to vector<16xi32>
        %shift_right_arithmetic3A_784 = arith.shrsi %sub3A_781, %shift_right_arithmetic3A_783 : vector<16xi32>
        %add3A_785 = arith.addi %scan3A_658, %shift_right_arithmetic3A_784 : vector<16xi32>
        %mul3A_786 = arith.constant 16 : i32
        %mul3A_787 = arith.muli %scan3A_650, %mul3A_786 : i32
        %mul3A_788 = arith.constant 16 : i32
        %mul3A_789 = arith.muli %mul3A_787, %mul3A_788 : i32
        %add3A_790 = arith.constant 8192 : i32
        %add3A_791 = arith.addi %add3A_790, %mul3A_789 : i32
        %add3A_792 = arith.constant 128 : i32
        %add3A_793 = arith.addi %add3A_791, %add3A_792 : i32
        %get3A_794 = arith.index_cast %add3A_793 : i32 to index
        %get3A_795 = tpu.vector_load %arg10[%get3A_794] {strides = array<i32>} : memref<32768xi32, #tpu.memory_space<vmem>>, vector<16xi32>,
        %get3A_796 = vector.shape_cast %get3A_795 : vector<16xi32> to vector<16xi32>
        %sub3A_797 = arith.subi %get3A_796, %or3A : vector<16xi32>
        %shift_right_arithmetic3A_798 = arith.constant 31 : i32
        %shift_right_arithmetic3A_799 = vector.broadcast %shift_right_arithmetic3A_798 : i32 to vector<16xi32>
        %shift_right_arithmetic3A_800 = arith.shrsi %sub3A_797, %shift_right_arithmetic3A_799 : vector<16xi32>
        %add3A_801 = arith.addi %add3A_673, %shift_right_arithmetic3A_800 : vector<16xi32>
        %mul3A_802 = arith.constant 16 : i32
        %mul3A_803 = arith.muli %scan3A_650, %mul3A_802 : i32
        %mul3A_804 = arith.constant 16 : i32
        %mul3A_805 = arith.muli %mul3A_803, %mul3A_804 : i32
        %add3A_806 = arith.constant 8192 : i32
        %add3A_807 = arith.addi %add3A_806, %mul3A_805 : i32
        %add3A_808 = arith.constant 144 : i32
        %add3A_809 = arith.addi %add3A_807, %add3A_808 : i32
        %get3A_810 = arith.index_cast %add3A_809 : i32 to index
        %get3A_811 = tpu.vector_load %arg10[%get3A_810] {strides = array<i32>} : memref<32768xi32, #tpu.memory_space<vmem>>, vector<16xi32>,
        %get3A_812 = vector.shape_cast %get3A_811 : vector<16xi32> to vector<16xi32>
        %sub3A_813 = arith.subi %get3A_812, %or3A : vector<16xi32>
        %shift_right_arithmetic3A_814 = arith.constant 31 : i32
        %shift_right_arithmetic3A_815 = vector.broadcast %shift_right_arithmetic3A_814 : i32 to vector<16xi32>
        %shift_right_arithmetic3A_816 = arith.shrsi %sub3A_813, %shift_right_arithmetic3A_815 : vector<16xi32>
        %add3A_817 = arith.addi %add3A_689, %shift_right_arithmetic3A_816 : vector<16xi32>
        %mul3A_818 = arith.constant 16 : i32
        %mul3A_819 = arith.muli %scan3A_650, %mul3A_818 : i32
        %mul3A_820 = arith.constant 16 : i32
        %mul3A_821 = arith.muli %mul3A_819, %mul3A_820 : i32
        %add3A_822 = arith.constant 8192 : i32
        %add3A_823 = arith.addi %add3A_822, %mul3A_821 : i32
        %add3A_824 = arith.constant 160 : i32
        %add3A_825 = arith.addi %add3A_823, %add3A_824 : i32
        %get3A_826 = arith.index_cast %add3A_825 : i32 to index
        %get3A_827 = tpu.vector_load %arg10[%get3A_826] {strides = array<i32>} : memref<32768xi32, #tpu.memory_space<vmem>>, vector<16xi32>,
        %get3A_828 = vector.shape_cast %get3A_827 : vector<16xi32> to vector<16xi32>
        %sub3A_829 = arith.subi %get3A_828, %or3A : vector<16xi32>
        %shift_right_arithmetic3A_830 = arith.constant 31 : i32
        %shift_right_arithmetic3A_831 = vector.broadcast %shift_right_arithmetic3A_830 : i32 to vector<16xi32>
        %shift_right_arithmetic3A_832 = arith.shrsi %sub3A_829, %shift_right_arithmetic3A_831 : vector<16xi32>
        %add3A_833 = arith.addi %add3A_705, %shift_right_arithmetic3A_832 : vector<16xi32>
        %mul3A_834 = arith.constant 16 : i32
        %mul3A_835 = arith.muli %scan3A_650, %mul3A_834 : i32
        %mul3A_836 = arith.constant 16 : i32
        %mul3A_837 = arith.muli %mul3A_835, %mul3A_836 : i32
        %add3A_838 = arith.constant 8192 : i32
        %add3A_839 = arith.addi %add3A_838, %mul3A_837 : i32
        %add3A_840 = arith.constant 176 : i32
        %add3A_841 = arith.addi %add3A_839, %add3A_840 : i32
        %get3A_842 = arith.index_cast %add3A_841 : i32 to index
        %get3A_843 = tpu.vector_load %arg10[%get3A_842] {strides = array<i32>} : memref<32768xi32, #tpu.memory_space<vmem>>, vector<16xi32>,
        %get3A_844 = vector.shape_cast %get3A_843 : vector<16xi32> to vector<16xi32>
        %sub3A_845 = arith.subi %get3A_844, %or3A : vector<16xi32>
        %shift_right_arithmetic3A_846 = arith.constant 31 : i32
        %shift_right_arithmetic3A_847 = vector.broadcast %shift_right_arithmetic3A_846 : i32 to vector<16xi32>
        %shift_right_arithmetic3A_848 = arith.shrsi %sub3A_845, %shift_right_arithmetic3A_847 : vector<16xi32>
        %add3A_849 = arith.addi %add3A_721, %shift_right_arithmetic3A_848 : vector<16xi32>
        %mul3A_850 = arith.constant 16 : i32
        %mul3A_851 = arith.muli %scan3A_650, %mul3A_850 : i32
        %mul3A_852 = arith.constant 16 : i32
        %mul3A_853 = arith.muli %mul3A_851, %mul3A_852 : i32
        %add3A_854 = arith.constant 8192 : i32
        %add3A_855 = arith.addi %add3A_854, %mul3A_853 : i32
        %add3A_856 = arith.constant 192 : i32
        %add3A_857 = arith.addi %add3A_855, %add3A_856 : i32
        %get3A_858 = arith.index_cast %add3A_857 : i32 to index
        %get3A_859 = tpu.vector_load %arg10[%get3A_858] {strides = array<i32>} : memref<32768xi32, #tpu.memory_space<vmem>>, vector<16xi32>,
        %get3A_860 = vector.shape_cast %get3A_859 : vector<16xi32> to vector<16xi32>
        %sub3A_861 = arith.subi %get3A_860, %or3A : vector<16xi32>
        %shift_right_arithmetic3A_862 = arith.constant 31 : i32
        %shift_right_arithmetic3A_863 = vector.broadcast %shift_right_arithmetic3A_862 : i32 to vector<16xi32>
        %shift_right_arithmetic3A_864 = arith.shrsi %sub3A_861, %shift_right_arithmetic3A_863 : vector<16xi32>
        %add3A_865 = arith.addi %add3A_737, %shift_right_arithmetic3A_864 : vector<16xi32>
        %mul3A_866 = arith.constant 16 : i32
        %mul3A_867 = arith.muli %scan3A_650, %mul3A_866 : i32
        %mul3A_868 = arith.constant 16 : i32
        %mul3A_869 = arith.muli %mul3A_867, %mul3A_868 : i32
        %add3A_870 = arith.constant 8192 : i32
        %add3A_871 = arith.addi %add3A_870, %mul3A_869 : i32
        %add3A_872 = arith.constant 208 : i32
        %add3A_873 = arith.addi %add3A_871, %add3A_872 : i32
        %get3A_874 = arith.index_cast %add3A_873 : i32 to index
        %get3A_875 = tpu.vector_load %arg10[%get3A_874] {strides = array<i32>} : memref<32768xi32, #tpu.memory_space<vmem>>, vector<16xi32>,
        %get3A_876 = vector.shape_cast %get3A_875 : vector<16xi32> to vector<16xi32>
        %sub3A_877 = arith.subi %get3A_876, %or3A : vector<16xi32>
        %shift_right_arithmetic3A_878 = arith.constant 31 : i32
        %shift_right_arithmetic3A_879 = vector.broadcast %shift_right_arithmetic3A_878 : i32 to vector<16xi32>
        %shift_right_arithmetic3A_880 = arith.shrsi %sub3A_877, %shift_right_arithmetic3A_879 : vector<16xi32>
        %add3A_881 = arith.addi %add3A_753, %shift_right_arithmetic3A_880 : vector<16xi32>
        %mul3A_882 = arith.constant 16 : i32
        %mul3A_883 = arith.muli %scan3A_650, %mul3A_882 : i32
        %mul3A_884 = arith.constant 16 : i32
        %mul3A_885 = arith.muli %mul3A_883, %mul3A_884 : i32
        %add3A_886 = arith.constant 8192 : i32
        %add3A_887 = arith.addi %add3A_886, %mul3A_885 : i32
        %add3A_888 = arith.constant 224 : i32
        %add3A_889 = arith.addi %add3A_887, %add3A_888 : i32
        %get3A_890 = arith.index_cast %add3A_889 : i32 to index
        %get3A_891 = tpu.vector_load %arg10[%get3A_890] {strides = array<i32>} : memref<32768xi32, #tpu.memory_space<vmem>>, vector<16xi32>,
        %get3A_892 = vector.shape_cast %get3A_891 : vector<16xi32> to vector<16xi32>
        %sub3A_893 = arith.subi %get3A_892, %or3A : vector<16xi32>
        %shift_right_arithmetic3A_894 = arith.constant 31 : i32
        %shift_right_arithmetic3A_895 = vector.broadcast %shift_right_arithmetic3A_894 : i32 to vector<16xi32>
        %shift_right_arithmetic3A_896 = arith.shrsi %sub3A_893, %shift_right_arithmetic3A_895 : vector<16xi32>
        %add3A_897 = arith.addi %add3A_769, %shift_right_arithmetic3A_896 : vector<16xi32>
        %mul3A_898 = arith.constant 16 : i32
        %mul3A_899 = arith.muli %scan3A_650, %mul3A_898 : i32
        %mul3A_900 = arith.constant 16 : i32
        %mul3A_901 = arith.muli %mul3A_899, %mul3A_900 : i32
        %add3A_902 = arith.constant 8192 : i32
        %add3A_903 = arith.addi %add3A_902, %mul3A_901 : i32
        %add3A_904 = arith.constant 240 : i32
        %add3A_905 = arith.addi %add3A_903, %add3A_904 : i32
        %get3A_906 = arith.index_cast %add3A_905 : i32 to index
        %get3A_907 = tpu.vector_load %arg10[%get3A_906] {strides = array<i32>} : memref<32768xi32, #tpu.memory_space<vmem>>, vector<16xi32>,
        %get3A_908 = vector.shape_cast %get3A_907 : vector<16xi32> to vector<16xi32>
        %sub3A_909 = arith.subi %get3A_908, %or3A : vector<16xi32>
        %shift_right_arithmetic3A_910 = arith.constant 31 : i32
        %shift_right_arithmetic3A_911 = vector.broadcast %shift_right_arithmetic3A_910 : i32 to vector<16xi32>
        %shift_right_arithmetic3A_912 = arith.shrsi %sub3A_909, %shift_right_arithmetic3A_911 : vector<16xi32>
        %add3A_913 = arith.addi %add3A_785, %shift_right_arithmetic3A_912 : vector<16xi32>
        scf.yield %add3A_801, %add3A_817, %add3A_833, %add3A_849, %add3A_865, %add3A_881, %add3A_897, %add3A_913 : vector<16xi32>, vector<16xi32>, vector<16xi32>, vector<16xi32>, vector<16xi32>, vector<16xi32>, vector<16xi32>, vector<16xi32>
      }
      %scan3A_612 = arith.constant 32 : i32
      %add3A_613 = arith.addi %scan3A_611#0, %scan3A_611#1 : vector<16xi32>
      %add3A_614 = arith.addi %add3A_613, %scan3A_611#2 : vector<16xi32>
      %add3A_615 = arith.addi %add3A_614, %scan3A_611#3 : vector<16xi32>
      %add3A_616 = arith.addi %add3A_615, %scan3A_611#4 : vector<16xi32>
      %add3A_617 = arith.addi %add3A_616, %scan3A_611#5 : vector<16xi32>
      %add3A_618 = arith.addi %add3A_617, %scan3A_611#6 : vector<16xi32>
      %add3A_619 = arith.addi %add3A_618, %scan3A_611#7 : vector<16xi32>
      %neg3A = arith.constant 0 : i32
      %neg3A_620 = vector.broadcast %neg3A : i32 to vector<16xi32>
      %neg3A_621 = arith.subi %neg3A_620, %add3A_619 : vector<16xi32>
      %convert_element_type3A = arith.sitofp %neg3A_621 : vector<16xi32> to vector<16xf32>
      %xor3A_622 = arith.constant 8 : i32
      %xor3A_623 = vector.broadcast %xor3A_622 : i32 to vector<16xi32>
      %xor3A_624 = arith.xori %iota3A, %xor3A_623 : vector<16xi32>
      %broadcast_in_dim3A_625 = vector.shape_cast %xor3A_624 : vector<16xi32> to vector<16x1xi32>
      %gather3A_626 = vector.shape_cast %broadcast_in_dim3A_625 : vector<16x1xi32> to vector<16xi32>
      %gather3A_627 = tpu.dynamic_gather %convert_element_type3A[%gather3A_626] in [0] : vector<16xf32>, vector<16xi32> -> vector<16xf32>
      %add3A_628 = arith.addf %convert_element_type3A, %gather3A_627 : vector<16xf32>
      %xor3A_629 = arith.constant 4 : i32
      %xor3A_630 = vector.broadcast %xor3A_629 : i32 to vector<16xi32>
      %xor3A_631 = arith.xori %iota3A, %xor3A_630 : vector<16xi32>
      %broadcast_in_dim3A_632 = vector.shape_cast %xor3A_631 : vector<16xi32> to vector<16x1xi32>
      %gather3A_633 = vector.shape_cast %broadcast_in_dim3A_632 : vector<16x1xi32> to vector<16xi32>
      %gather3A_634 = tpu.dynamic_gather %add3A_628[%gather3A_633] in [0] : vector<16xf32>, vector<16xi32> -> vector<16xf32>
      %add3A_635 = arith.addf %add3A_628, %gather3A_634 : vector<16xf32>
      %xor3A_636 = arith.constant 2 : i32
      %xor3A_637 = vector.broadcast %xor3A_636 : i32 to vector<16xi32>
      %xor3A_638 = arith.xori %iota3A, %xor3A_637 : vector<16xi32>
      %broadcast_in_dim3A_639 = vector.shape_cast %xor3A_638 : vector<16xi32> to vector<16x1xi32>
      %gather3A_640 = vector.shape_cast %broadcast_in_dim3A_639 : vector<16x1xi32> to vector<16xi32>
      %gather3A_641 = tpu.dynamic_gather %add3A_635[%gather3A_640] in [0] : vector<16xf32>, vector<16xi32> -> vector<16xf32>
      %add3A_642 = arith.addf %add3A_635, %gather3A_641 : vector<16xf32>
      %xor3A_643 = arith.constant 1 : i32
      %xor3A_644 = vector.broadcast %xor3A_643 : i32 to vector<16xi32>
      %xor3A_645 = arith.xori %iota3A, %xor3A_644 : vector<16xi32>
      %broadcast_in_dim3A_646 = vector.shape_cast %xor3A_645 : vector<16xi32> to vector<16x1xi32>
      %gather3A_647 = vector.shape_cast %broadcast_in_dim3A_646 : vector<16x1xi32> to vector<16xi32>
      %gather3A_648 = tpu.dynamic_gather %add3A_642[%gather3A_647] in [0] : vector<16xf32>, vector<16xi32> -> vector<16xf32>
      %add3A_649 = arith.addf %add3A_642, %gather3A_648 : vector<16xf32>
      %lt3A = arith.cmpf olt, %add3A_649, %get3A_243 : vector<16xf32>
      %select_n3A = arith.select %lt3A, %or3A, %scan3A_603 : vector<16xi1>, vector<16xi32>
      scf.yield %select_n3A : vector<16xi32>
    }
    %scan3A_251 = arith.constant 31 : i32
    %scan3A_252 = arith.constant 0 : i32
    %scan3A_253 = arith.constant 128 : i32
    %scan3A_254 = arith.addi %scan3A_252, %scan3A_253 : i32
    %scan3A_255 = arith.constant 1 : i32
    %scan3A_256:4 = scf.for %scan3A_602 = %scan3A_252 to %scan3A_254 step %scan3A_255 iter_args(%scan3A_603 = %broadcast_in_dim3A_155, %scan3A_604 = %broadcast_in_dim3A_155, %scan3A_605 = %broadcast_in_dim3A_155, %scan3A_606 = %broadcast_in_dim3A_155) -> (vector<16xf32>, vector<16xf32>, vector<16xf32>, vector<16xf32>)  : i32 {
      %mul3A_607 = arith.constant 4 : i32
      %mul3A_608 = arith.muli %scan3A_602, %mul3A_607 : i32
      %mul3A_609 = arith.constant 16 : i32
      %mul3A_610 = arith.muli %mul3A_608, %mul3A_609 : i32
      %add3A_611 = arith.constant 8192 : i32
      %add3A_612 = arith.addi %add3A_611, %mul3A_610 : i32
      %add3A_613 = arith.constant 0 : i32
      %add3A_614 = arith.addi %add3A_612, %add3A_613 : i32
      %get3A_615 = arith.index_cast %add3A_614 : i32 to index
      %get3A_616 = tpu.vector_load %arg8[%get3A_615] {strides = array<i32>} : memref<32768xf32, #tpu.memory_space<vmem>>, vector<16xf32>,
      %get3A_617 = vector.shape_cast %get3A_616 : vector<16xf32> to vector<16xf32>
      %get3A_618 = arith.index_cast %add3A_614 : i32 to index
      %get3A_619 = tpu.vector_load %arg10[%get3A_618] {strides = array<i32>} : memref<32768xi32, #tpu.memory_space<vmem>>, vector<16xi32>,
      %get3A_620 = vector.shape_cast %get3A_619 : vector<16xi32> to vector<16xi32>
      %gt3A = arith.cmpi sgt, %get3A_620, %scan3A_250 : vector<16xi32>
      %jit3A = arith.constant 1.000000e+00 : f32
      %jit3A_621 = arith.constant 0.000000e+00 : f32
      %broadcast_in_dim3A_622 = vector.broadcast %jit3A : f32 to vector<16xf32>
      %broadcast_in_dim3A_623 = vector.broadcast %jit3A_621 : f32 to vector<16xf32>
      %select_n3A = arith.select %gt3A, %broadcast_in_dim3A_622, %broadcast_in_dim3A_623 : vector<16xi1>, vector<16xf32>
      %mul3A_624 = arith.mulf %get3A_617, %select_n3A : vector<16xf32>
      %swap3A_625 = arith.index_cast %add3A_614 : i32 to index
      %swap3A_626 = tpu.vector_load %arg8[%swap3A_625] {strides = array<i32>} : memref<32768xf32, #tpu.memory_space<vmem>>, vector<16xf32>,
      %swap3A_627 = vector.shape_cast %swap3A_626 : vector<16xf32> to vector<16xf32>
      %swap3A_628 = vector.shape_cast %mul3A_624 : vector<16xf32> to vector<16xf32>
      tpu.vector_store %arg8[%swap3A_625], %swap3A_628 {strides = array<i32>} : memref<32768xf32, #tpu.memory_space<vmem>>, vector<16xf32>,
      %swap3A_629 = arith.index_cast %add3A_614 : i32 to index
      %swap3A_630 = tpu.vector_load %arg9[%swap3A_629] {strides = array<i32>} : memref<32768xf32, #tpu.memory_space<vmem>>, vector<16xf32>,
      %swap3A_631 = vector.shape_cast %swap3A_630 : vector<16xf32> to vector<16xf32>
      %swap3A_632 = vector.shape_cast %select_n3A : vector<16xf32> to vector<16xf32>
      tpu.vector_store %arg9[%swap3A_629], %swap3A_632 {strides = array<i32>} : memref<32768xf32, #tpu.memory_space<vmem>>, vector<16xf32>,
      %abs3A = math.absf %mul3A_624 : vector<16xf32>
      %add3A_633 = arith.addf %scan3A_603, %select_n3A : vector<16xf32>
      %add3A_634 = arith.addf %scan3A_605, %abs3A : vector<16xf32>
      %mul3A_635 = arith.constant 4 : i32
      %mul3A_636 = arith.muli %scan3A_602, %mul3A_635 : i32
      %mul3A_637 = arith.constant 16 : i32
      %mul3A_638 = arith.muli %mul3A_636, %mul3A_637 : i32
      %add3A_639 = arith.constant 8192 : i32
      %add3A_640 = arith.addi %add3A_639, %mul3A_638 : i32
      %add3A_641 = arith.constant 16 : i32
      %add3A_642 = arith.addi %add3A_640, %add3A_641 : i32
      %get3A_643 = arith.index_cast %add3A_642 : i32 to index
      %get3A_644 = tpu.vector_load %arg8[%get3A_643] {strides = array<i32>} : memref<32768xf32, #tpu.memory_space<vmem>>, vector<16xf32>,
      %get3A_645 = vector.shape_cast %get3A_644 : vector<16xf32> to vector<16xf32>
      %get3A_646 = arith.index_cast %add3A_642 : i32 to index
      %get3A_647 = tpu.vector_load %arg10[%get3A_646] {strides = array<i32>} : memref<32768xi32, #tpu.memory_space<vmem>>, vector<16xi32>,
      %get3A_648 = vector.shape_cast %get3A_647 : vector<16xi32> to vector<16xi32>
      %gt3A_649 = arith.cmpi sgt, %get3A_648, %scan3A_250 : vector<16xi32>
      %jit3A_650 = arith.constant 1.000000e+00 : f32
      %jit3A_651 = arith.constant 0.000000e+00 : f32
      %broadcast_in_dim3A_652 = vector.broadcast %jit3A_650 : f32 to vector<16xf32>
      %broadcast_in_dim3A_653 = vector.broadcast %jit3A_651 : f32 to vector<16xf32>
      %select_n3A_654 = arith.select %gt3A_649, %broadcast_in_dim3A_652, %broadcast_in_dim3A_653 : vector<16xi1>, vector<16xf32>
      %mul3A_655 = arith.mulf %get3A_645, %select_n3A_654 : vector<16xf32>
      %swap3A_656 = arith.index_cast %add3A_642 : i32 to index
      %swap3A_657 = tpu.vector_load %arg8[%swap3A_656] {strides = array<i32>} : memref<32768xf32, #tpu.memory_space<vmem>>, vector<16xf32>,
      %swap3A_658 = vector.shape_cast %swap3A_657 : vector<16xf32> to vector<16xf32>
      %swap3A_659 = vector.shape_cast %mul3A_655 : vector<16xf32> to vector<16xf32>
      tpu.vector_store %arg8[%swap3A_656], %swap3A_659 {strides = array<i32>} : memref<32768xf32, #tpu.memory_space<vmem>>, vector<16xf32>,
      %swap3A_660 = arith.index_cast %add3A_642 : i32 to index
      %swap3A_661 = tpu.vector_load %arg9[%swap3A_660] {strides = array<i32>} : memref<32768xf32, #tpu.memory_space<vmem>>, vector<16xf32>,
      %swap3A_662 = vector.shape_cast %swap3A_661 : vector<16xf32> to vector<16xf32>
      %swap3A_663 = vector.shape_cast %select_n3A_654 : vector<16xf32> to vector<16xf32>
      tpu.vector_store %arg9[%swap3A_660], %swap3A_663 {strides = array<i32>} : memref<32768xf32, #tpu.memory_space<vmem>>, vector<16xf32>,
      %abs3A_664 = math.absf %mul3A_655 : vector<16xf32>
      %add3A_665 = arith.addf %scan3A_604, %select_n3A_654 : vector<16xf32>
      %add3A_666 = arith.addf %scan3A_606, %abs3A_664 : vector<16xf32>
      %mul3A_667 = arith.constant 4 : i32
      %mul3A_668 = arith.muli %scan3A_602, %mul3A_667 : i32
      %mul3A_669 = arith.constant 16 : i32
      %mul3A_670 = arith.muli %mul3A_668, %mul3A_669 : i32
      %add3A_671 = arith.constant 8192 : i32
      %add3A_672 = arith.addi %add3A_671, %mul3A_670 : i32
      %add3A_673 = arith.constant 32 : i32
      %add3A_674 = arith.addi %add3A_672, %add3A_673 : i32
      %get3A_675 = arith.index_cast %add3A_674 : i32 to index
      %get3A_676 = tpu.vector_load %arg8[%get3A_675] {strides = array<i32>} : memref<32768xf32, #tpu.memory_space<vmem>>, vector<16xf32>,
      %get3A_677 = vector.shape_cast %get3A_676 : vector<16xf32> to vector<16xf32>
      %get3A_678 = arith.index_cast %add3A_674 : i32 to index
      %get3A_679 = tpu.vector_load %arg10[%get3A_678] {strides = array<i32>} : memref<32768xi32, #tpu.memory_space<vmem>>, vector<16xi32>,
      %get3A_680 = vector.shape_cast %get3A_679 : vector<16xi32> to vector<16xi32>
      %gt3A_681 = arith.cmpi sgt, %get3A_680, %scan3A_250 : vector<16xi32>
      %jit3A_682 = arith.constant 1.000000e+00 : f32
      %jit3A_683 = arith.constant 0.000000e+00 : f32
      %broadcast_in_dim3A_684 = vector.broadcast %jit3A_682 : f32 to vector<16xf32>
      %broadcast_in_dim3A_685 = vector.broadcast %jit3A_683 : f32 to vector<16xf32>
      %select_n3A_686 = arith.select %gt3A_681, %broadcast_in_dim3A_684, %broadcast_in_dim3A_685 : vector<16xi1>, vector<16xf32>
      %mul3A_687 = arith.mulf %get3A_677, %select_n3A_686 : vector<16xf32>
      %swap3A_688 = arith.index_cast %add3A_674 : i32 to index
      %swap3A_689 = tpu.vector_load %arg8[%swap3A_688] {strides = array<i32>} : memref<32768xf32, #tpu.memory_space<vmem>>, vector<16xf32>,
      %swap3A_690 = vector.shape_cast %swap3A_689 : vector<16xf32> to vector<16xf32>
      %swap3A_691 = vector.shape_cast %mul3A_687 : vector<16xf32> to vector<16xf32>
      tpu.vector_store %arg8[%swap3A_688], %swap3A_691 {strides = array<i32>} : memref<32768xf32, #tpu.memory_space<vmem>>, vector<16xf32>,
      %swap3A_692 = arith.index_cast %add3A_674 : i32 to index
      %swap3A_693 = tpu.vector_load %arg9[%swap3A_692] {strides = array<i32>} : memref<32768xf32, #tpu.memory_space<vmem>>, vector<16xf32>,
      %swap3A_694 = vector.shape_cast %swap3A_693 : vector<16xf32> to vector<16xf32>
      %swap3A_695 = vector.shape_cast %select_n3A_686 : vector<16xf32> to vector<16xf32>
      tpu.vector_store %arg9[%swap3A_692], %swap3A_695 {strides = array<i32>} : memref<32768xf32, #tpu.memory_space<vmem>>, vector<16xf32>,
      %abs3A_696 = math.absf %mul3A_687 : vector<16xf32>
      %add3A_697 = arith.addf %add3A_633, %select_n3A_686 : vector<16xf32>
      %add3A_698 = arith.addf %add3A_634, %abs3A_696 : vector<16xf32>
      %mul3A_699 = arith.constant 4 : i32
      %mul3A_700 = arith.muli %scan3A_602, %mul3A_699 : i32
      %mul3A_701 = arith.constant 16 : i32
      %mul3A_702 = arith.muli %mul3A_700, %mul3A_701 : i32
      %add3A_703 = arith.constant 8192 : i32
      %add3A_704 = arith.addi %add3A_703, %mul3A_702 : i32
      %add3A_705 = arith.constant 48 : i32
      %add3A_706 = arith.addi %add3A_704, %add3A_705 : i32
      %get3A_707 = arith.index_cast %add3A_706 : i32 to index
      %get3A_708 = tpu.vector_load %arg8[%get3A_707] {strides = array<i32>} : memref<32768xf32, #tpu.memory_space<vmem>>, vector<16xf32>,
      %get3A_709 = vector.shape_cast %get3A_708 : vector<16xf32> to vector<16xf32>
      %get3A_710 = arith.index_cast %add3A_706 : i32 to index
      %get3A_711 = tpu.vector_load %arg10[%get3A_710] {strides = array<i32>} : memref<32768xi32, #tpu.memory_space<vmem>>, vector<16xi32>,
      %get3A_712 = vector.shape_cast %get3A_711 : vector<16xi32> to vector<16xi32>
      %gt3A_713 = arith.cmpi sgt, %get3A_712, %scan3A_250 : vector<16xi32>
      %jit3A_714 = arith.constant 1.000000e+00 : f32
      %jit3A_715 = arith.constant 0.000000e+00 : f32
      %broadcast_in_dim3A_716 = vector.broadcast %jit3A_714 : f32 to vector<16xf32>
      %broadcast_in_dim3A_717 = vector.broadcast %jit3A_715 : f32 to vector<16xf32>
      %select_n3A_718 = arith.select %gt3A_713, %broadcast_in_dim3A_716, %broadcast_in_dim3A_717 : vector<16xi1>, vector<16xf32>
      %mul3A_719 = arith.mulf %get3A_709, %select_n3A_718 : vector<16xf32>
      %swap3A_720 = arith.index_cast %add3A_706 : i32 to index
      %swap3A_721 = tpu.vector_load %arg8[%swap3A_720] {strides = array<i32>} : memref<32768xf32, #tpu.memory_space<vmem>>, vector<16xf32>,
      %swap3A_722 = vector.shape_cast %swap3A_721 : vector<16xf32> to vector<16xf32>
      %swap3A_723 = vector.shape_cast %mul3A_719 : vector<16xf32> to vector<16xf32>
      tpu.vector_store %arg8[%swap3A_720], %swap3A_723 {strides = array<i32>} : memref<32768xf32, #tpu.memory_space<vmem>>, vector<16xf32>,
      %swap3A_724 = arith.index_cast %add3A_706 : i32 to index
      %swap3A_725 = tpu.vector_load %arg9[%swap3A_724] {strides = array<i32>} : memref<32768xf32, #tpu.memory_space<vmem>>, vector<16xf32>,
      %swap3A_726 = vector.shape_cast %swap3A_725 : vector<16xf32> to vector<16xf32>
      %swap3A_727 = vector.shape_cast %select_n3A_718 : vector<16xf32> to vector<16xf32>
      tpu.vector_store %arg9[%swap3A_724], %swap3A_727 {strides = array<i32>} : memref<32768xf32, #tpu.memory_space<vmem>>, vector<16xf32>,
      %abs3A_728 = math.absf %mul3A_719 : vector<16xf32>
      %add3A_729 = arith.addf %add3A_665, %select_n3A_718 : vector<16xf32>
      %add3A_730 = arith.addf %add3A_666, %abs3A_728 : vector<16xf32>
      scf.yield %add3A_697, %add3A_729, %add3A_698, %add3A_730 : vector<16xf32>, vector<16xf32>, vector<16xf32>, vector<16xf32>
    }
    %scan3A_257 = arith.constant 128 : i32
    %add3A_258 = arith.addf %scan3A_256#0, %scan3A_256#1 : vector<16xf32>
    %xor3A_259 = arith.constant 8 : i32
    %xor3A_260 = vector.broadcast %xor3A_259 : i32 to vector<16xi32>
    %xor3A_261 = arith.xori %iota3A, %xor3A_260 : vector<16xi32>
    %broadcast_in_dim3A_262 = vector.shape_cast %xor3A_261 : vector<16xi32> to vector<16x1xi32>
    %gather3A_263 = vector.shape_cast %broadcast_in_dim3A_262 : vector<16x1xi32> to vector<16xi32>
    %gather3A_264 = tpu.dynamic_gather %add3A_258[%gather3A_263] in [0] : vector<16xf32>, vector<16xi32> -> vector<16xf32>
    %add3A_265 = arith.addf %add3A_258, %gather3A_264 : vector<16xf32>
    %xor3A_266 = arith.constant 4 : i32
    %xor3A_267 = vector.broadcast %xor3A_266 : i32 to vector<16xi32>
    %xor3A_268 = arith.xori %iota3A, %xor3A_267 : vector<16xi32>
    %broadcast_in_dim3A_269 = vector.shape_cast %xor3A_268 : vector<16xi32> to vector<16x1xi32>
    %gather3A_270 = vector.shape_cast %broadcast_in_dim3A_269 : vector<16x1xi32> to vector<16xi32>
    %gather3A_271 = tpu.dynamic_gather %add3A_265[%gather3A_270] in [0] : vector<16xf32>, vector<16xi32> -> vector<16xf32>
    %add3A_272 = arith.addf %add3A_265, %gather3A_271 : vector<16xf32>
    %xor3A_273 = arith.constant 2 : i32
    %xor3A_274 = vector.broadcast %xor3A_273 : i32 to vector<16xi32>
    %xor3A_275 = arith.xori %iota3A, %xor3A_274 : vector<16xi32>
    %broadcast_in_dim3A_276 = vector.shape_cast %xor3A_275 : vector<16xi32> to vector<16x1xi32>
    %gather3A_277 = vector.shape_cast %broadcast_in_dim3A_276 : vector<16x1xi32> to vector<16xi32>
    %gather3A_278 = tpu.dynamic_gather %add3A_272[%gather3A_277] in [0] : vector<16xf32>, vector<16xi32> -> vector<16xf32>
    %add3A_279 = arith.addf %add3A_272, %gather3A_278 : vector<16xf32>
    %xor3A_280 = arith.constant 1 : i32
    %xor3A_281 = vector.broadcast %xor3A_280 : i32 to vector<16xi32>
    %xor3A_282 = arith.xori %iota3A, %xor3A_281 : vector<16xi32>
    %broadcast_in_dim3A_283 = vector.shape_cast %xor3A_282 : vector<16xi32> to vector<16x1xi32>
    %gather3A_284 = vector.shape_cast %broadcast_in_dim3A_283 : vector<16x1xi32> to vector<16xi32>
    %gather3A_285 = tpu.dynamic_gather %add3A_279[%gather3A_284] in [0] : vector<16xf32>, vector<16xi32> -> vector<16xf32>
    %add3A_286 = arith.addf %add3A_279, %gather3A_285 : vector<16xf32>
    %mul3A_287 = arith.constant 1.22070313E-4 : f32
    %mul3A_288 = vector.broadcast %mul3A_287 : f32 to vector<16xf32>
    %mul3A_289 = arith.mulf %add3A_286, %mul3A_288 : vector<16xf32>
    %swap3A_290 = arith.constant 16 : index
    %swap3A_291 = tpu.vector_load %arg12[%swap3A_290] {strides = array<i32>} : memref<64xf32, #tpu.memory_space<vmem>>, vector<16xf32>,
    %swap3A_292 = vector.shape_cast %swap3A_291 : vector<16xf32> to vector<16xf32>
    %swap3A_293 = vector.shape_cast %mul3A_289 : vector<16xf32> to vector<16xf32>
    tpu.vector_store %arg12[%swap3A_290], %swap3A_293 {strides = array<i32>} : memref<64xf32, #tpu.memory_space<vmem>>, vector<16xf32>,
    %add3A_294 = arith.addf %add3A_216, %scan3A_256#2 : vector<16xf32>
    %add3A_295 = arith.addf %add3A_294, %scan3A_256#3 : vector<16xf32>
    %add3A_296 = arith.constant 1 : i32
    %add3A_297 = arith.addi %mul3A_2, %add3A_296 : i32
    %dma_start3A_298 = arith.constant 8192 : i32
    %dma_start3A_299 = tpu.memref_slice %arg8[%dma_start3A_298] : memref<32768xf32, #tpu.memory_space<vmem>> -> memref<8192xf32, #tpu.memory_space<vmem>>
    %dma_start3A_300 = arith.constant 0 : i32
    %dma_start3A_301 = tpu.memref_slice %arg4[%add3A_297, %dma_start3A_300] : memref<128x8192xf32, #tpu.memory_space<hbm>> -> memref<1x8192xf32, #tpu.memory_space<hbm>>
    %dma_start3A_302 = tpu.memref_squeeze %dma_start3A_301 : memref<1x8192xf32, #tpu.memory_space<hbm>> -> memref<8192xf32, #tpu.memory_space<hbm>>
    %dma_start3A_303 = arith.constant 0 : i32
    %dma_start3A_304 = tpu.memref_slice %arg4[%add3A_297, %dma_start3A_303] : memref<128x8192xf32, #tpu.memory_space<hbm>> -> memref<1x8192xf32, #tpu.memory_space<hbm>>
    %dma_start3A_305 = tpu.memref_squeeze %dma_start3A_304 : memref<1x8192xf32, #tpu.memory_space<hbm>> -> memref<8192xf32, #tpu.memory_space<hbm>>
    %dma_start3A_306 = arith.constant 8192 : i32
    %dma_start3A_307 = tpu.memref_slice %arg8[%dma_start3A_306] : memref<32768xf32, #tpu.memory_space<vmem>> -> memref<8192xf32, #tpu.memory_space<vmem>>
    tpu.enqueue_dma source(%dma_start3A_307 : memref<8192xf32, #tpu.memory_space<vmem>>) target(%dma_start3A_305 : memref<8192xf32, #tpu.memory_space<hbm>>) target_semaphore(%arg14 : memref<!tpu.dma_semaphore, #tpu.memory_space<semaphore_mem>>)
    %add3A_308 = arith.constant 1 : i32
    %add3A_309 = arith.addi %mul3A_2, %add3A_308 : i32
    %dma_start3A_310 = arith.constant 8192 : i32
    %dma_start3A_311 = tpu.memref_slice %arg9[%dma_start3A_310] : memref<32768xf32, #tpu.memory_space<vmem>> -> memref<8192xf32, #tpu.memory_space<vmem>>
    %dma_start3A_312 = arith.constant 0 : i32
    %dma_start3A_313 = tpu.memref_slice %arg5[%add3A_309, %dma_start3A_312] : memref<128x8192xf32, #tpu.memory_space<hbm>> -> memref<1x8192xf32, #tpu.memory_space<hbm>>
    %dma_start3A_314 = tpu.memref_squeeze %dma_start3A_313 : memref<1x8192xf32, #tpu.memory_space<hbm>> -> memref<8192xf32, #tpu.memory_space<hbm>>
    %dma_start3A_315 = arith.constant 0 : i32
    %dma_start3A_316 = tpu.memref_slice %arg5[%add3A_309, %dma_start3A_315] : memref<128x8192xf32, #tpu.memory_space<hbm>> -> memref<1x8192xf32, #tpu.memory_space<hbm>>
    %dma_start3A_317 = tpu.memref_squeeze %dma_start3A_316 : memref<1x8192xf32, #tpu.memory_space<hbm>> -> memref<8192xf32, #tpu.memory_space<hbm>>
    %dma_start3A_318 = arith.constant 8192 : i32
    %dma_start3A_319 = tpu.memref_slice %arg9[%dma_start3A_318] : memref<32768xf32, #tpu.memory_space<vmem>> -> memref<8192xf32, #tpu.memory_space<vmem>>
    tpu.enqueue_dma source(%dma_start3A_319 : memref<8192xf32, #tpu.memory_space<vmem>>) target(%dma_start3A_317 : memref<8192xf32, #tpu.memory_space<hbm>>) target_semaphore(%arg14 : memref<!tpu.dma_semaphore, #tpu.memory_space<semaphore_mem>>)
    %get3A_320 = arith.constant 32 : index
    %get3A_321 = tpu.vector_load %arg11[%get3A_320] {strides = array<i32>} : memref<64xf32, #tpu.memory_space<vmem>>, vector<16xf32>,
    %get3A_322 = vector.shape_cast %get3A_321 : vector<16xf32> to vector<16xf32>
    %broadcast_in_dim3A_323 = arith.constant 0 : i32
    %broadcast_in_dim3A_324 = vector.broadcast %broadcast_in_dim3A_323 : i32 to vector<16xi32>
    %scan3A_325 = arith.constant 0 : i32
    %scan3A_326 = arith.constant 31 : i32
    %scan3A_327 = arith.addi %scan3A_325, %scan3A_326 : i32
    %scan3A_328 = arith.constant 1 : i32
    %scan3A_329 = scf.for %scan3A_602 = %scan3A_325 to %scan3A_327 step %scan3A_328 iter_args(%scan3A_603 = %broadcast_in_dim3A_324) -> (vector<16xi32>)  : i32 {
      %sub3A = arith.constant 30 : i32
      %sub3A_604 = arith.subi %sub3A, %scan3A_602 : i32
      %shift_left3A = arith.constant 1 : i32
      %shift_left3A_605 = arith.shli %shift_left3A, %sub3A_604 : i32
      %broadcast_in_dim3A_606 = vector.broadcast %shift_left3A_605 : i32 to vector<16xi32>
      %or3A = arith.ori %scan3A_603, %broadcast_in_dim3A_606 : vector<16xi32>
      %scan3A_607 = arith.constant 0 : i32
      %scan3A_608 = arith.constant 32 : i32
      %scan3A_609 = arith.addi %scan3A_607, %scan3A_608 : i32
      %scan3A_610 = arith.constant 1 : i32
      %scan3A_611:8 = scf.for %scan3A_650 = %scan3A_607 to %scan3A_609 step %scan3A_610 iter_args(%scan3A_651 = %broadcast_in_dim3A_159, %scan3A_652 = %broadcast_in_dim3A_159, %scan3A_653 = %broadcast_in_dim3A_159, %scan3A_654 = %broadcast_in_dim3A_159, %scan3A_655 = %broadcast_in_dim3A_159, %scan3A_656 = %broadcast_in_dim3A_159, %scan3A_657 = %broadcast_in_dim3A_159, %scan3A_658 = %broadcast_in_dim3A_159) -> (vector<16xi32>, vector<16xi32>, vector<16xi32>, vector<16xi32>, vector<16xi32>, vector<16xi32>, vector<16xi32>, vector<16xi32>)  : i32 {
        %mul3A_659 = arith.constant 16 : i32
        %mul3A_660 = arith.muli %scan3A_650, %mul3A_659 : i32
        %mul3A_661 = arith.constant 16 : i32
        %mul3A_662 = arith.muli %mul3A_660, %mul3A_661 : i32
        %add3A_663 = arith.constant 16384 : i32
        %add3A_664 = arith.addi %add3A_663, %mul3A_662 : i32
        %add3A_665 = arith.constant 0 : i32
        %add3A_666 = arith.addi %add3A_664, %add3A_665 : i32
        %get3A_667 = arith.index_cast %add3A_666 : i32 to index
        %get3A_668 = tpu.vector_load %arg10[%get3A_667] {strides = array<i32>} : memref<32768xi32, #tpu.memory_space<vmem>>, vector<16xi32>,
        %get3A_669 = vector.shape_cast %get3A_668 : vector<16xi32> to vector<16xi32>
        %sub3A_670 = arith.subi %get3A_669, %or3A : vector<16xi32>
        %shift_right_arithmetic3A = arith.constant 31 : i32
        %shift_right_arithmetic3A_671 = vector.broadcast %shift_right_arithmetic3A : i32 to vector<16xi32>
        %shift_right_arithmetic3A_672 = arith.shrsi %sub3A_670, %shift_right_arithmetic3A_671 : vector<16xi32>
        %add3A_673 = arith.addi %scan3A_651, %shift_right_arithmetic3A_672 : vector<16xi32>
        %mul3A_674 = arith.constant 16 : i32
        %mul3A_675 = arith.muli %scan3A_650, %mul3A_674 : i32
        %mul3A_676 = arith.constant 16 : i32
        %mul3A_677 = arith.muli %mul3A_675, %mul3A_676 : i32
        %add3A_678 = arith.constant 16384 : i32
        %add3A_679 = arith.addi %add3A_678, %mul3A_677 : i32
        %add3A_680 = arith.constant 16 : i32
        %add3A_681 = arith.addi %add3A_679, %add3A_680 : i32
        %get3A_682 = arith.index_cast %add3A_681 : i32 to index
        %get3A_683 = tpu.vector_load %arg10[%get3A_682] {strides = array<i32>} : memref<32768xi32, #tpu.memory_space<vmem>>, vector<16xi32>,
        %get3A_684 = vector.shape_cast %get3A_683 : vector<16xi32> to vector<16xi32>
        %sub3A_685 = arith.subi %get3A_684, %or3A : vector<16xi32>
        %shift_right_arithmetic3A_686 = arith.constant 31 : i32
        %shift_right_arithmetic3A_687 = vector.broadcast %shift_right_arithmetic3A_686 : i32 to vector<16xi32>
        %shift_right_arithmetic3A_688 = arith.shrsi %sub3A_685, %shift_right_arithmetic3A_687 : vector<16xi32>
        %add3A_689 = arith.addi %scan3A_652, %shift_right_arithmetic3A_688 : vector<16xi32>
        %mul3A_690 = arith.constant 16 : i32
        %mul3A_691 = arith.muli %scan3A_650, %mul3A_690 : i32
        %mul3A_692 = arith.constant 16 : i32
        %mul3A_693 = arith.muli %mul3A_691, %mul3A_692 : i32
        %add3A_694 = arith.constant 16384 : i32
        %add3A_695 = arith.addi %add3A_694, %mul3A_693 : i32
        %add3A_696 = arith.constant 32 : i32
        %add3A_697 = arith.addi %add3A_695, %add3A_696 : i32
        %get3A_698 = arith.index_cast %add3A_697 : i32 to index
        %get3A_699 = tpu.vector_load %arg10[%get3A_698] {strides = array<i32>} : memref<32768xi32, #tpu.memory_space<vmem>>, vector<16xi32>,
        %get3A_700 = vector.shape_cast %get3A_699 : vector<16xi32> to vector<16xi32>
        %sub3A_701 = arith.subi %get3A_700, %or3A : vector<16xi32>
        %shift_right_arithmetic3A_702 = arith.constant 31 : i32
        %shift_right_arithmetic3A_703 = vector.broadcast %shift_right_arithmetic3A_702 : i32 to vector<16xi32>
        %shift_right_arithmetic3A_704 = arith.shrsi %sub3A_701, %shift_right_arithmetic3A_703 : vector<16xi32>
        %add3A_705 = arith.addi %scan3A_653, %shift_right_arithmetic3A_704 : vector<16xi32>
        %mul3A_706 = arith.constant 16 : i32
        %mul3A_707 = arith.muli %scan3A_650, %mul3A_706 : i32
        %mul3A_708 = arith.constant 16 : i32
        %mul3A_709 = arith.muli %mul3A_707, %mul3A_708 : i32
        %add3A_710 = arith.constant 16384 : i32
        %add3A_711 = arith.addi %add3A_710, %mul3A_709 : i32
        %add3A_712 = arith.constant 48 : i32
        %add3A_713 = arith.addi %add3A_711, %add3A_712 : i32
        %get3A_714 = arith.index_cast %add3A_713 : i32 to index
        %get3A_715 = tpu.vector_load %arg10[%get3A_714] {strides = array<i32>} : memref<32768xi32, #tpu.memory_space<vmem>>, vector<16xi32>,
        %get3A_716 = vector.shape_cast %get3A_715 : vector<16xi32> to vector<16xi32>
        %sub3A_717 = arith.subi %get3A_716, %or3A : vector<16xi32>
        %shift_right_arithmetic3A_718 = arith.constant 31 : i32
        %shift_right_arithmetic3A_719 = vector.broadcast %shift_right_arithmetic3A_718 : i32 to vector<16xi32>
        %shift_right_arithmetic3A_720 = arith.shrsi %sub3A_717, %shift_right_arithmetic3A_719 : vector<16xi32>
        %add3A_721 = arith.addi %scan3A_654, %shift_right_arithmetic3A_720 : vector<16xi32>
        %mul3A_722 = arith.constant 16 : i32
        %mul3A_723 = arith.muli %scan3A_650, %mul3A_722 : i32
        %mul3A_724 = arith.constant 16 : i32
        %mul3A_725 = arith.muli %mul3A_723, %mul3A_724 : i32
        %add3A_726 = arith.constant 16384 : i32
        %add3A_727 = arith.addi %add3A_726, %mul3A_725 : i32
        %add3A_728 = arith.constant 64 : i32
        %add3A_729 = arith.addi %add3A_727, %add3A_728 : i32
        %get3A_730 = arith.index_cast %add3A_729 : i32 to index
        %get3A_731 = tpu.vector_load %arg10[%get3A_730] {strides = array<i32>} : memref<32768xi32, #tpu.memory_space<vmem>>, vector<16xi32>,
        %get3A_732 = vector.shape_cast %get3A_731 : vector<16xi32> to vector<16xi32>
        %sub3A_733 = arith.subi %get3A_732, %or3A : vector<16xi32>
        %shift_right_arithmetic3A_734 = arith.constant 31 : i32
        %shift_right_arithmetic3A_735 = vector.broadcast %shift_right_arithmetic3A_734 : i32 to vector<16xi32>
        %shift_right_arithmetic3A_736 = arith.shrsi %sub3A_733, %shift_right_arithmetic3A_735 : vector<16xi32>
        %add3A_737 = arith.addi %scan3A_655, %shift_right_arithmetic3A_736 : vector<16xi32>
        %mul3A_738 = arith.constant 16 : i32
        %mul3A_739 = arith.muli %scan3A_650, %mul3A_738 : i32
        %mul3A_740 = arith.constant 16 : i32
        %mul3A_741 = arith.muli %mul3A_739, %mul3A_740 : i32
        %add3A_742 = arith.constant 16384 : i32
        %add3A_743 = arith.addi %add3A_742, %mul3A_741 : i32
        %add3A_744 = arith.constant 80 : i32
        %add3A_745 = arith.addi %add3A_743, %add3A_744 : i32
        %get3A_746 = arith.index_cast %add3A_745 : i32 to index
        %get3A_747 = tpu.vector_load %arg10[%get3A_746] {strides = array<i32>} : memref<32768xi32, #tpu.memory_space<vmem>>, vector<16xi32>,
        %get3A_748 = vector.shape_cast %get3A_747 : vector<16xi32> to vector<16xi32>
        %sub3A_749 = arith.subi %get3A_748, %or3A : vector<16xi32>
        %shift_right_arithmetic3A_750 = arith.constant 31 : i32
        %shift_right_arithmetic3A_751 = vector.broadcast %shift_right_arithmetic3A_750 : i32 to vector<16xi32>
        %shift_right_arithmetic3A_752 = arith.shrsi %sub3A_749, %shift_right_arithmetic3A_751 : vector<16xi32>
        %add3A_753 = arith.addi %scan3A_656, %shift_right_arithmetic3A_752 : vector<16xi32>
        %mul3A_754 = arith.constant 16 : i32
        %mul3A_755 = arith.muli %scan3A_650, %mul3A_754 : i32
        %mul3A_756 = arith.constant 16 : i32
        %mul3A_757 = arith.muli %mul3A_755, %mul3A_756 : i32
        %add3A_758 = arith.constant 16384 : i32
        %add3A_759 = arith.addi %add3A_758, %mul3A_757 : i32
        %add3A_760 = arith.constant 96 : i32
        %add3A_761 = arith.addi %add3A_759, %add3A_760 : i32
        %get3A_762 = arith.index_cast %add3A_761 : i32 to index
        %get3A_763 = tpu.vector_load %arg10[%get3A_762] {strides = array<i32>} : memref<32768xi32, #tpu.memory_space<vmem>>, vector<16xi32>,
        %get3A_764 = vector.shape_cast %get3A_763 : vector<16xi32> to vector<16xi32>
        %sub3A_765 = arith.subi %get3A_764, %or3A : vector<16xi32>
        %shift_right_arithmetic3A_766 = arith.constant 31 : i32
        %shift_right_arithmetic3A_767 = vector.broadcast %shift_right_arithmetic3A_766 : i32 to vector<16xi32>
        %shift_right_arithmetic3A_768 = arith.shrsi %sub3A_765, %shift_right_arithmetic3A_767 : vector<16xi32>
        %add3A_769 = arith.addi %scan3A_657, %shift_right_arithmetic3A_768 : vector<16xi32>
        %mul3A_770 = arith.constant 16 : i32
        %mul3A_771 = arith.muli %scan3A_650, %mul3A_770 : i32
        %mul3A_772 = arith.constant 16 : i32
        %mul3A_773 = arith.muli %mul3A_771, %mul3A_772 : i32
        %add3A_774 = arith.constant 16384 : i32
        %add3A_775 = arith.addi %add3A_774, %mul3A_773 : i32
        %add3A_776 = arith.constant 112 : i32
        %add3A_777 = arith.addi %add3A_775, %add3A_776 : i32
        %get3A_778 = arith.index_cast %add3A_777 : i32 to index
        %get3A_779 = tpu.vector_load %arg10[%get3A_778] {strides = array<i32>} : memref<32768xi32, #tpu.memory_space<vmem>>, vector<16xi32>,
        %get3A_780 = vector.shape_cast %get3A_779 : vector<16xi32> to vector<16xi32>
        %sub3A_781 = arith.subi %get3A_780, %or3A : vector<16xi32>
        %shift_right_arithmetic3A_782 = arith.constant 31 : i32
        %shift_right_arithmetic3A_783 = vector.broadcast %shift_right_arithmetic3A_782 : i32 to vector<16xi32>
        %shift_right_arithmetic3A_784 = arith.shrsi %sub3A_781, %shift_right_arithmetic3A_783 : vector<16xi32>
        %add3A_785 = arith.addi %scan3A_658, %shift_right_arithmetic3A_784 : vector<16xi32>
        %mul3A_786 = arith.constant 16 : i32
        %mul3A_787 = arith.muli %scan3A_650, %mul3A_786 : i32
        %mul3A_788 = arith.constant 16 : i32
        %mul3A_789 = arith.muli %mul3A_787, %mul3A_788 : i32
        %add3A_790 = arith.constant 16384 : i32
        %add3A_791 = arith.addi %add3A_790, %mul3A_789 : i32
        %add3A_792 = arith.constant 128 : i32
        %add3A_793 = arith.addi %add3A_791, %add3A_792 : i32
        %get3A_794 = arith.index_cast %add3A_793 : i32 to index
        %get3A_795 = tpu.vector_load %arg10[%get3A_794] {strides = array<i32>} : memref<32768xi32, #tpu.memory_space<vmem>>, vector<16xi32>,
        %get3A_796 = vector.shape_cast %get3A_795 : vector<16xi32> to vector<16xi32>
        %sub3A_797 = arith.subi %get3A_796, %or3A : vector<16xi32>
        %shift_right_arithmetic3A_798 = arith.constant 31 : i32
        %shift_right_arithmetic3A_799 = vector.broadcast %shift_right_arithmetic3A_798 : i32 to vector<16xi32>
        %shift_right_arithmetic3A_800 = arith.shrsi %sub3A_797, %shift_right_arithmetic3A_799 : vector<16xi32>
        %add3A_801 = arith.addi %add3A_673, %shift_right_arithmetic3A_800 : vector<16xi32>
        %mul3A_802 = arith.constant 16 : i32
        %mul3A_803 = arith.muli %scan3A_650, %mul3A_802 : i32
        %mul3A_804 = arith.constant 16 : i32
        %mul3A_805 = arith.muli %mul3A_803, %mul3A_804 : i32
        %add3A_806 = arith.constant 16384 : i32
        %add3A_807 = arith.addi %add3A_806, %mul3A_805 : i32
        %add3A_808 = arith.constant 144 : i32
        %add3A_809 = arith.addi %add3A_807, %add3A_808 : i32
        %get3A_810 = arith.index_cast %add3A_809 : i32 to index
        %get3A_811 = tpu.vector_load %arg10[%get3A_810] {strides = array<i32>} : memref<32768xi32, #tpu.memory_space<vmem>>, vector<16xi32>,
        %get3A_812 = vector.shape_cast %get3A_811 : vector<16xi32> to vector<16xi32>
        %sub3A_813 = arith.subi %get3A_812, %or3A : vector<16xi32>
        %shift_right_arithmetic3A_814 = arith.constant 31 : i32
        %shift_right_arithmetic3A_815 = vector.broadcast %shift_right_arithmetic3A_814 : i32 to vector<16xi32>
        %shift_right_arithmetic3A_816 = arith.shrsi %sub3A_813, %shift_right_arithmetic3A_815 : vector<16xi32>
        %add3A_817 = arith.addi %add3A_689, %shift_right_arithmetic3A_816 : vector<16xi32>
        %mul3A_818 = arith.constant 16 : i32
        %mul3A_819 = arith.muli %scan3A_650, %mul3A_818 : i32
        %mul3A_820 = arith.constant 16 : i32
        %mul3A_821 = arith.muli %mul3A_819, %mul3A_820 : i32
        %add3A_822 = arith.constant 16384 : i32
        %add3A_823 = arith.addi %add3A_822, %mul3A_821 : i32
        %add3A_824 = arith.constant 160 : i32
        %add3A_825 = arith.addi %add3A_823, %add3A_824 : i32
        %get3A_826 = arith.index_cast %add3A_825 : i32 to index
        %get3A_827 = tpu.vector_load %arg10[%get3A_826] {strides = array<i32>} : memref<32768xi32, #tpu.memory_space<vmem>>, vector<16xi32>,
        %get3A_828 = vector.shape_cast %get3A_827 : vector<16xi32> to vector<16xi32>
        %sub3A_829 = arith.subi %get3A_828, %or3A : vector<16xi32>
        %shift_right_arithmetic3A_830 = arith.constant 31 : i32
        %shift_right_arithmetic3A_831 = vector.broadcast %shift_right_arithmetic3A_830 : i32 to vector<16xi32>
        %shift_right_arithmetic3A_832 = arith.shrsi %sub3A_829, %shift_right_arithmetic3A_831 : vector<16xi32>
        %add3A_833 = arith.addi %add3A_705, %shift_right_arithmetic3A_832 : vector<16xi32>
        %mul3A_834 = arith.constant 16 : i32
        %mul3A_835 = arith.muli %scan3A_650, %mul3A_834 : i32
        %mul3A_836 = arith.constant 16 : i32
        %mul3A_837 = arith.muli %mul3A_835, %mul3A_836 : i32
        %add3A_838 = arith.constant 16384 : i32
        %add3A_839 = arith.addi %add3A_838, %mul3A_837 : i32
        %add3A_840 = arith.constant 176 : i32
        %add3A_841 = arith.addi %add3A_839, %add3A_840 : i32
        %get3A_842 = arith.index_cast %add3A_841 : i32 to index
        %get3A_843 = tpu.vector_load %arg10[%get3A_842] {strides = array<i32>} : memref<32768xi32, #tpu.memory_space<vmem>>, vector<16xi32>,
        %get3A_844 = vector.shape_cast %get3A_843 : vector<16xi32> to vector<16xi32>
        %sub3A_845 = arith.subi %get3A_844, %or3A : vector<16xi32>
        %shift_right_arithmetic3A_846 = arith.constant 31 : i32
        %shift_right_arithmetic3A_847 = vector.broadcast %shift_right_arithmetic3A_846 : i32 to vector<16xi32>
        %shift_right_arithmetic3A_848 = arith.shrsi %sub3A_845, %shift_right_arithmetic3A_847 : vector<16xi32>
        %add3A_849 = arith.addi %add3A_721, %shift_right_arithmetic3A_848 : vector<16xi32>
        %mul3A_850 = arith.constant 16 : i32
        %mul3A_851 = arith.muli %scan3A_650, %mul3A_850 : i32
        %mul3A_852 = arith.constant 16 : i32
        %mul3A_853 = arith.muli %mul3A_851, %mul3A_852 : i32
        %add3A_854 = arith.constant 16384 : i32
        %add3A_855 = arith.addi %add3A_854, %mul3A_853 : i32
        %add3A_856 = arith.constant 192 : i32
        %add3A_857 = arith.addi %add3A_855, %add3A_856 : i32
        %get3A_858 = arith.index_cast %add3A_857 : i32 to index
        %get3A_859 = tpu.vector_load %arg10[%get3A_858] {strides = array<i32>} : memref<32768xi32, #tpu.memory_space<vmem>>, vector<16xi32>,
        %get3A_860 = vector.shape_cast %get3A_859 : vector<16xi32> to vector<16xi32>
        %sub3A_861 = arith.subi %get3A_860, %or3A : vector<16xi32>
        %shift_right_arithmetic3A_862 = arith.constant 31 : i32
        %shift_right_arithmetic3A_863 = vector.broadcast %shift_right_arithmetic3A_862 : i32 to vector<16xi32>
        %shift_right_arithmetic3A_864 = arith.shrsi %sub3A_861, %shift_right_arithmetic3A_863 : vector<16xi32>
        %add3A_865 = arith.addi %add3A_737, %shift_right_arithmetic3A_864 : vector<16xi32>
        %mul3A_866 = arith.constant 16 : i32
        %mul3A_867 = arith.muli %scan3A_650, %mul3A_866 : i32
        %mul3A_868 = arith.constant 16 : i32
        %mul3A_869 = arith.muli %mul3A_867, %mul3A_868 : i32
        %add3A_870 = arith.constant 16384 : i32
        %add3A_871 = arith.addi %add3A_870, %mul3A_869 : i32
        %add3A_872 = arith.constant 208 : i32
        %add3A_873 = arith.addi %add3A_871, %add3A_872 : i32
        %get3A_874 = arith.index_cast %add3A_873 : i32 to index
        %get3A_875 = tpu.vector_load %arg10[%get3A_874] {strides = array<i32>} : memref<32768xi32, #tpu.memory_space<vmem>>, vector<16xi32>,
        %get3A_876 = vector.shape_cast %get3A_875 : vector<16xi32> to vector<16xi32>
        %sub3A_877 = arith.subi %get3A_876, %or3A : vector<16xi32>
        %shift_right_arithmetic3A_878 = arith.constant 31 : i32
        %shift_right_arithmetic3A_879 = vector.broadcast %shift_right_arithmetic3A_878 : i32 to vector<16xi32>
        %shift_right_arithmetic3A_880 = arith.shrsi %sub3A_877, %shift_right_arithmetic3A_879 : vector<16xi32>
        %add3A_881 = arith.addi %add3A_753, %shift_right_arithmetic3A_880 : vector<16xi32>
        %mul3A_882 = arith.constant 16 : i32
        %mul3A_883 = arith.muli %scan3A_650, %mul3A_882 : i32
        %mul3A_884 = arith.constant 16 : i32
        %mul3A_885 = arith.muli %mul3A_883, %mul3A_884 : i32
        %add3A_886 = arith.constant 16384 : i32
        %add3A_887 = arith.addi %add3A_886, %mul3A_885 : i32
        %add3A_888 = arith.constant 224 : i32
        %add3A_889 = arith.addi %add3A_887, %add3A_888 : i32
        %get3A_890 = arith.index_cast %add3A_889 : i32 to index
        %get3A_891 = tpu.vector_load %arg10[%get3A_890] {strides = array<i32>} : memref<32768xi32, #tpu.memory_space<vmem>>, vector<16xi32>,
        %get3A_892 = vector.shape_cast %get3A_891 : vector<16xi32> to vector<16xi32>
        %sub3A_893 = arith.subi %get3A_892, %or3A : vector<16xi32>
        %shift_right_arithmetic3A_894 = arith.constant 31 : i32
        %shift_right_arithmetic3A_895 = vector.broadcast %shift_right_arithmetic3A_894 : i32 to vector<16xi32>
        %shift_right_arithmetic3A_896 = arith.shrsi %sub3A_893, %shift_right_arithmetic3A_895 : vector<16xi32>
        %add3A_897 = arith.addi %add3A_769, %shift_right_arithmetic3A_896 : vector<16xi32>
        %mul3A_898 = arith.constant 16 : i32
        %mul3A_899 = arith.muli %scan3A_650, %mul3A_898 : i32
        %mul3A_900 = arith.constant 16 : i32
        %mul3A_901 = arith.muli %mul3A_899, %mul3A_900 : i32
        %add3A_902 = arith.constant 16384 : i32
        %add3A_903 = arith.addi %add3A_902, %mul3A_901 : i32
        %add3A_904 = arith.constant 240 : i32
        %add3A_905 = arith.addi %add3A_903, %add3A_904 : i32
        %get3A_906 = arith.index_cast %add3A_905 : i32 to index
        %get3A_907 = tpu.vector_load %arg10[%get3A_906] {strides = array<i32>} : memref<32768xi32, #tpu.memory_space<vmem>>, vector<16xi32>,
        %get3A_908 = vector.shape_cast %get3A_907 : vector<16xi32> to vector<16xi32>
        %sub3A_909 = arith.subi %get3A_908, %or3A : vector<16xi32>
        %shift_right_arithmetic3A_910 = arith.constant 31 : i32
        %shift_right_arithmetic3A_911 = vector.broadcast %shift_right_arithmetic3A_910 : i32 to vector<16xi32>
        %shift_right_arithmetic3A_912 = arith.shrsi %sub3A_909, %shift_right_arithmetic3A_911 : vector<16xi32>
        %add3A_913 = arith.addi %add3A_785, %shift_right_arithmetic3A_912 : vector<16xi32>
        scf.yield %add3A_801, %add3A_817, %add3A_833, %add3A_849, %add3A_865, %add3A_881, %add3A_897, %add3A_913 : vector<16xi32>, vector<16xi32>, vector<16xi32>, vector<16xi32>, vector<16xi32>, vector<16xi32>, vector<16xi32>, vector<16xi32>
      }
      %scan3A_612 = arith.constant 32 : i32
      %add3A_613 = arith.addi %scan3A_611#0, %scan3A_611#1 : vector<16xi32>
      %add3A_614 = arith.addi %add3A_613, %scan3A_611#2 : vector<16xi32>
      %add3A_615 = arith.addi %add3A_614, %scan3A_611#3 : vector<16xi32>
      %add3A_616 = arith.addi %add3A_615, %scan3A_611#4 : vector<16xi32>
      %add3A_617 = arith.addi %add3A_616, %scan3A_611#5 : vector<16xi32>
      %add3A_618 = arith.addi %add3A_617, %scan3A_611#6 : vector<16xi32>
      %add3A_619 = arith.addi %add3A_618, %scan3A_611#7 : vector<16xi32>
      %neg3A = arith.constant 0 : i32
      %neg3A_620 = vector.broadcast %neg3A : i32 to vector<16xi32>
      %neg3A_621 = arith.subi %neg3A_620, %add3A_619 : vector<16xi32>
      %convert_element_type3A = arith.sitofp %neg3A_621 : vector<16xi32> to vector<16xf32>
      %xor3A_622 = arith.constant 8 : i32
      %xor3A_623 = vector.broadcast %xor3A_622 : i32 to vector<16xi32>
      %xor3A_624 = arith.xori %iota3A, %xor3A_623 : vector<16xi32>
      %broadcast_in_dim3A_625 = vector.shape_cast %xor3A_624 : vector<16xi32> to vector<16x1xi32>
      %gather3A_626 = vector.shape_cast %broadcast_in_dim3A_625 : vector<16x1xi32> to vector<16xi32>
      %gather3A_627 = tpu.dynamic_gather %convert_element_type3A[%gather3A_626] in [0] : vector<16xf32>, vector<16xi32> -> vector<16xf32>
      %add3A_628 = arith.addf %convert_element_type3A, %gather3A_627 : vector<16xf32>
      %xor3A_629 = arith.constant 4 : i32
      %xor3A_630 = vector.broadcast %xor3A_629 : i32 to vector<16xi32>
      %xor3A_631 = arith.xori %iota3A, %xor3A_630 : vector<16xi32>
      %broadcast_in_dim3A_632 = vector.shape_cast %xor3A_631 : vector<16xi32> to vector<16x1xi32>
      %gather3A_633 = vector.shape_cast %broadcast_in_dim3A_632 : vector<16x1xi32> to vector<16xi32>
      %gather3A_634 = tpu.dynamic_gather %add3A_628[%gather3A_633] in [0] : vector<16xf32>, vector<16xi32> -> vector<16xf32>
      %add3A_635 = arith.addf %add3A_628, %gather3A_634 : vector<16xf32>
      %xor3A_636 = arith.constant 2 : i32
      %xor3A_637 = vector.broadcast %xor3A_636 : i32 to vector<16xi32>
      %xor3A_638 = arith.xori %iota3A, %xor3A_637 : vector<16xi32>
      %broadcast_in_dim3A_639 = vector.shape_cast %xor3A_638 : vector<16xi32> to vector<16x1xi32>
      %gather3A_640 = vector.shape_cast %broadcast_in_dim3A_639 : vector<16x1xi32> to vector<16xi32>
      %gather3A_641 = tpu.dynamic_gather %add3A_635[%gather3A_640] in [0] : vector<16xf32>, vector<16xi32> -> vector<16xf32>
      %add3A_642 = arith.addf %add3A_635, %gather3A_641 : vector<16xf32>
      %xor3A_643 = arith.constant 1 : i32
      %xor3A_644 = vector.broadcast %xor3A_643 : i32 to vector<16xi32>
      %xor3A_645 = arith.xori %iota3A, %xor3A_644 : vector<16xi32>
      %broadcast_in_dim3A_646 = vector.shape_cast %xor3A_645 : vector<16xi32> to vector<16x1xi32>
      %gather3A_647 = vector.shape_cast %broadcast_in_dim3A_646 : vector<16x1xi32> to vector<16xi32>
      %gather3A_648 = tpu.dynamic_gather %add3A_642[%gather3A_647] in [0] : vector<16xf32>, vector<16xi32> -> vector<16xf32>
      %add3A_649 = arith.addf %add3A_642, %gather3A_648 : vector<16xf32>
      %lt3A = arith.cmpf olt, %add3A_649, %get3A_322 : vector<16xf32>
      %select_n3A = arith.select %lt3A, %or3A, %scan3A_603 : vector<16xi1>, vector<16xi32>
      scf.yield %select_n3A : vector<16xi32>
    }
    %scan3A_330 = arith.constant 31 : i32
    %scan3A_331 = arith.constant 0 : i32
    %scan3A_332 = arith.constant 128 : i32
    %scan3A_333 = arith.addi %scan3A_331, %scan3A_332 : i32
    %scan3A_334 = arith.constant 1 : i32
    %scan3A_335:4 = scf.for %scan3A_602 = %scan3A_331 to %scan3A_333 step %scan3A_334 iter_args(%scan3A_603 = %broadcast_in_dim3A_155, %scan3A_604 = %broadcast_in_dim3A_155, %scan3A_605 = %broadcast_in_dim3A_155, %scan3A_606 = %broadcast_in_dim3A_155) -> (vector<16xf32>, vector<16xf32>, vector<16xf32>, vector<16xf32>)  : i32 {
      %mul3A_607 = arith.constant 4 : i32
      %mul3A_608 = arith.muli %scan3A_602, %mul3A_607 : i32
      %mul3A_609 = arith.constant 16 : i32
      %mul3A_610 = arith.muli %mul3A_608, %mul3A_609 : i32
      %add3A_611 = arith.constant 16384 : i32
      %add3A_612 = arith.addi %add3A_611, %mul3A_610 : i32
      %add3A_613 = arith.constant 0 : i32
      %add3A_614 = arith.addi %add3A_612, %add3A_613 : i32
      %get3A_615 = arith.index_cast %add3A_614 : i32 to index
      %get3A_616 = tpu.vector_load %arg8[%get3A_615] {strides = array<i32>} : memref<32768xf32, #tpu.memory_space<vmem>>, vector<16xf32>,
      %get3A_617 = vector.shape_cast %get3A_616 : vector<16xf32> to vector<16xf32>
      %get3A_618 = arith.index_cast %add3A_614 : i32 to index
      %get3A_619 = tpu.vector_load %arg10[%get3A_618] {strides = array<i32>} : memref<32768xi32, #tpu.memory_space<vmem>>, vector<16xi32>,
      %get3A_620 = vector.shape_cast %get3A_619 : vector<16xi32> to vector<16xi32>
      %gt3A = arith.cmpi sgt, %get3A_620, %scan3A_329 : vector<16xi32>
      %jit3A = arith.constant 1.000000e+00 : f32
      %jit3A_621 = arith.constant 0.000000e+00 : f32
      %broadcast_in_dim3A_622 = vector.broadcast %jit3A : f32 to vector<16xf32>
      %broadcast_in_dim3A_623 = vector.broadcast %jit3A_621 : f32 to vector<16xf32>
      %select_n3A = arith.select %gt3A, %broadcast_in_dim3A_622, %broadcast_in_dim3A_623 : vector<16xi1>, vector<16xf32>
      %mul3A_624 = arith.mulf %get3A_617, %select_n3A : vector<16xf32>
      %swap3A_625 = arith.index_cast %add3A_614 : i32 to index
      %swap3A_626 = tpu.vector_load %arg8[%swap3A_625] {strides = array<i32>} : memref<32768xf32, #tpu.memory_space<vmem>>, vector<16xf32>,
      %swap3A_627 = vector.shape_cast %swap3A_626 : vector<16xf32> to vector<16xf32>
      %swap3A_628 = vector.shape_cast %mul3A_624 : vector<16xf32> to vector<16xf32>
      tpu.vector_store %arg8[%swap3A_625], %swap3A_628 {strides = array<i32>} : memref<32768xf32, #tpu.memory_space<vmem>>, vector<16xf32>,
      %swap3A_629 = arith.index_cast %add3A_614 : i32 to index
      %swap3A_630 = tpu.vector_load %arg9[%swap3A_629] {strides = array<i32>} : memref<32768xf32, #tpu.memory_space<vmem>>, vector<16xf32>,
      %swap3A_631 = vector.shape_cast %swap3A_630 : vector<16xf32> to vector<16xf32>
      %swap3A_632 = vector.shape_cast %select_n3A : vector<16xf32> to vector<16xf32>
      tpu.vector_store %arg9[%swap3A_629], %swap3A_632 {strides = array<i32>} : memref<32768xf32, #tpu.memory_space<vmem>>, vector<16xf32>,
      %abs3A = math.absf %mul3A_624 : vector<16xf32>
      %add3A_633 = arith.addf %scan3A_603, %select_n3A : vector<16xf32>
      %add3A_634 = arith.addf %scan3A_605, %abs3A : vector<16xf32>
      %mul3A_635 = arith.constant 4 : i32
      %mul3A_636 = arith.muli %scan3A_602, %mul3A_635 : i32
      %mul3A_637 = arith.constant 16 : i32
      %mul3A_638 = arith.muli %mul3A_636, %mul3A_637 : i32
      %add3A_639 = arith.constant 16384 : i32
      %add3A_640 = arith.addi %add3A_639, %mul3A_638 : i32
      %add3A_641 = arith.constant 16 : i32
      %add3A_642 = arith.addi %add3A_640, %add3A_641 : i32
      %get3A_643 = arith.index_cast %add3A_642 : i32 to index
      %get3A_644 = tpu.vector_load %arg8[%get3A_643] {strides = array<i32>} : memref<32768xf32, #tpu.memory_space<vmem>>, vector<16xf32>,
      %get3A_645 = vector.shape_cast %get3A_644 : vector<16xf32> to vector<16xf32>
      %get3A_646 = arith.index_cast %add3A_642 : i32 to index
      %get3A_647 = tpu.vector_load %arg10[%get3A_646] {strides = array<i32>} : memref<32768xi32, #tpu.memory_space<vmem>>, vector<16xi32>,
      %get3A_648 = vector.shape_cast %get3A_647 : vector<16xi32> to vector<16xi32>
      %gt3A_649 = arith.cmpi sgt, %get3A_648, %scan3A_329 : vector<16xi32>
      %jit3A_650 = arith.constant 1.000000e+00 : f32
      %jit3A_651 = arith.constant 0.000000e+00 : f32
      %broadcast_in_dim3A_652 = vector.broadcast %jit3A_650 : f32 to vector<16xf32>
      %broadcast_in_dim3A_653 = vector.broadcast %jit3A_651 : f32 to vector<16xf32>
      %select_n3A_654 = arith.select %gt3A_649, %broadcast_in_dim3A_652, %broadcast_in_dim3A_653 : vector<16xi1>, vector<16xf32>
      %mul3A_655 = arith.mulf %get3A_645, %select_n3A_654 : vector<16xf32>
      %swap3A_656 = arith.index_cast %add3A_642 : i32 to index
      %swap3A_657 = tpu.vector_load %arg8[%swap3A_656] {strides = array<i32>} : memref<32768xf32, #tpu.memory_space<vmem>>, vector<16xf32>,
      %swap3A_658 = vector.shape_cast %swap3A_657 : vector<16xf32> to vector<16xf32>
      %swap3A_659 = vector.shape_cast %mul3A_655 : vector<16xf32> to vector<16xf32>
      tpu.vector_store %arg8[%swap3A_656], %swap3A_659 {strides = array<i32>} : memref<32768xf32, #tpu.memory_space<vmem>>, vector<16xf32>,
      %swap3A_660 = arith.index_cast %add3A_642 : i32 to index
      %swap3A_661 = tpu.vector_load %arg9[%swap3A_660] {strides = array<i32>} : memref<32768xf32, #tpu.memory_space<vmem>>, vector<16xf32>,
      %swap3A_662 = vector.shape_cast %swap3A_661 : vector<16xf32> to vector<16xf32>
      %swap3A_663 = vector.shape_cast %select_n3A_654 : vector<16xf32> to vector<16xf32>
      tpu.vector_store %arg9[%swap3A_660], %swap3A_663 {strides = array<i32>} : memref<32768xf32, #tpu.memory_space<vmem>>, vector<16xf32>,
      %abs3A_664 = math.absf %mul3A_655 : vector<16xf32>
      %add3A_665 = arith.addf %scan3A_604, %select_n3A_654 : vector<16xf32>
      %add3A_666 = arith.addf %scan3A_606, %abs3A_664 : vector<16xf32>
      %mul3A_667 = arith.constant 4 : i32
      %mul3A_668 = arith.muli %scan3A_602, %mul3A_667 : i32
      %mul3A_669 = arith.constant 16 : i32
      %mul3A_670 = arith.muli %mul3A_668, %mul3A_669 : i32
      %add3A_671 = arith.constant 16384 : i32
      %add3A_672 = arith.addi %add3A_671, %mul3A_670 : i32
      %add3A_673 = arith.constant 32 : i32
      %add3A_674 = arith.addi %add3A_672, %add3A_673 : i32
      %get3A_675 = arith.index_cast %add3A_674 : i32 to index
      %get3A_676 = tpu.vector_load %arg8[%get3A_675] {strides = array<i32>} : memref<32768xf32, #tpu.memory_space<vmem>>, vector<16xf32>,
      %get3A_677 = vector.shape_cast %get3A_676 : vector<16xf32> to vector<16xf32>
      %get3A_678 = arith.index_cast %add3A_674 : i32 to index
      %get3A_679 = tpu.vector_load %arg10[%get3A_678] {strides = array<i32>} : memref<32768xi32, #tpu.memory_space<vmem>>, vector<16xi32>,
      %get3A_680 = vector.shape_cast %get3A_679 : vector<16xi32> to vector<16xi32>
      %gt3A_681 = arith.cmpi sgt, %get3A_680, %scan3A_329 : vector<16xi32>
      %jit3A_682 = arith.constant 1.000000e+00 : f32
      %jit3A_683 = arith.constant 0.000000e+00 : f32
      %broadcast_in_dim3A_684 = vector.broadcast %jit3A_682 : f32 to vector<16xf32>
      %broadcast_in_dim3A_685 = vector.broadcast %jit3A_683 : f32 to vector<16xf32>
      %select_n3A_686 = arith.select %gt3A_681, %broadcast_in_dim3A_684, %broadcast_in_dim3A_685 : vector<16xi1>, vector<16xf32>
      %mul3A_687 = arith.mulf %get3A_677, %select_n3A_686 : vector<16xf32>
      %swap3A_688 = arith.index_cast %add3A_674 : i32 to index
      %swap3A_689 = tpu.vector_load %arg8[%swap3A_688] {strides = array<i32>} : memref<32768xf32, #tpu.memory_space<vmem>>, vector<16xf32>,
      %swap3A_690 = vector.shape_cast %swap3A_689 : vector<16xf32> to vector<16xf32>
      %swap3A_691 = vector.shape_cast %mul3A_687 : vector<16xf32> to vector<16xf32>
      tpu.vector_store %arg8[%swap3A_688], %swap3A_691 {strides = array<i32>} : memref<32768xf32, #tpu.memory_space<vmem>>, vector<16xf32>,
      %swap3A_692 = arith.index_cast %add3A_674 : i32 to index
      %swap3A_693 = tpu.vector_load %arg9[%swap3A_692] {strides = array<i32>} : memref<32768xf32, #tpu.memory_space<vmem>>, vector<16xf32>,
      %swap3A_694 = vector.shape_cast %swap3A_693 : vector<16xf32> to vector<16xf32>
      %swap3A_695 = vector.shape_cast %select_n3A_686 : vector<16xf32> to vector<16xf32>
      tpu.vector_store %arg9[%swap3A_692], %swap3A_695 {strides = array<i32>} : memref<32768xf32, #tpu.memory_space<vmem>>, vector<16xf32>,
      %abs3A_696 = math.absf %mul3A_687 : vector<16xf32>
      %add3A_697 = arith.addf %add3A_633, %select_n3A_686 : vector<16xf32>
      %add3A_698 = arith.addf %add3A_634, %abs3A_696 : vector<16xf32>
      %mul3A_699 = arith.constant 4 : i32
      %mul3A_700 = arith.muli %scan3A_602, %mul3A_699 : i32
      %mul3A_701 = arith.constant 16 : i32
      %mul3A_702 = arith.muli %mul3A_700, %mul3A_701 : i32
      %add3A_703 = arith.constant 16384 : i32
      %add3A_704 = arith.addi %add3A_703, %mul3A_702 : i32
      %add3A_705 = arith.constant 48 : i32
      %add3A_706 = arith.addi %add3A_704, %add3A_705 : i32
      %get3A_707 = arith.index_cast %add3A_706 : i32 to index
      %get3A_708 = tpu.vector_load %arg8[%get3A_707] {strides = array<i32>} : memref<32768xf32, #tpu.memory_space<vmem>>, vector<16xf32>,
      %get3A_709 = vector.shape_cast %get3A_708 : vector<16xf32> to vector<16xf32>
      %get3A_710 = arith.index_cast %add3A_706 : i32 to index
      %get3A_711 = tpu.vector_load %arg10[%get3A_710] {strides = array<i32>} : memref<32768xi32, #tpu.memory_space<vmem>>, vector<16xi32>,
      %get3A_712 = vector.shape_cast %get3A_711 : vector<16xi32> to vector<16xi32>
      %gt3A_713 = arith.cmpi sgt, %get3A_712, %scan3A_329 : vector<16xi32>
      %jit3A_714 = arith.constant 1.000000e+00 : f32
      %jit3A_715 = arith.constant 0.000000e+00 : f32
      %broadcast_in_dim3A_716 = vector.broadcast %jit3A_714 : f32 to vector<16xf32>
      %broadcast_in_dim3A_717 = vector.broadcast %jit3A_715 : f32 to vector<16xf32>
      %select_n3A_718 = arith.select %gt3A_713, %broadcast_in_dim3A_716, %broadcast_in_dim3A_717 : vector<16xi1>, vector<16xf32>
      %mul3A_719 = arith.mulf %get3A_709, %select_n3A_718 : vector<16xf32>
      %swap3A_720 = arith.index_cast %add3A_706 : i32 to index
      %swap3A_721 = tpu.vector_load %arg8[%swap3A_720] {strides = array<i32>} : memref<32768xf32, #tpu.memory_space<vmem>>, vector<16xf32>,
      %swap3A_722 = vector.shape_cast %swap3A_721 : vector<16xf32> to vector<16xf32>
      %swap3A_723 = vector.shape_cast %mul3A_719 : vector<16xf32> to vector<16xf32>
      tpu.vector_store %arg8[%swap3A_720], %swap3A_723 {strides = array<i32>} : memref<32768xf32, #tpu.memory_space<vmem>>, vector<16xf32>,
      %swap3A_724 = arith.index_cast %add3A_706 : i32 to index
      %swap3A_725 = tpu.vector_load %arg9[%swap3A_724] {strides = array<i32>} : memref<32768xf32, #tpu.memory_space<vmem>>, vector<16xf32>,
      %swap3A_726 = vector.shape_cast %swap3A_725 : vector<16xf32> to vector<16xf32>
      %swap3A_727 = vector.shape_cast %select_n3A_718 : vector<16xf32> to vector<16xf32>
      tpu.vector_store %arg9[%swap3A_724], %swap3A_727 {strides = array<i32>} : memref<32768xf32, #tpu.memory_space<vmem>>, vector<16xf32>,
      %abs3A_728 = math.absf %mul3A_719 : vector<16xf32>
      %add3A_729 = arith.addf %add3A_665, %select_n3A_718 : vector<16xf32>
      %add3A_730 = arith.addf %add3A_666, %abs3A_728 : vector<16xf32>
      scf.yield %add3A_697, %add3A_729, %add3A_698, %add3A_730 : vector<16xf32>, vector<16xf32>, vector<16xf32>, vector<16xf32>
    }
    %scan3A_336 = arith.constant 128 : i32
    %add3A_337 = arith.addf %scan3A_335#0, %scan3A_335#1 : vector<16xf32>
    %xor3A_338 = arith.constant 8 : i32
    %xor3A_339 = vector.broadcast %xor3A_338 : i32 to vector<16xi32>
    %xor3A_340 = arith.xori %iota3A, %xor3A_339 : vector<16xi32>
    %broadcast_in_dim3A_341 = vector.shape_cast %xor3A_340 : vector<16xi32> to vector<16x1xi32>
    %gather3A_342 = vector.shape_cast %broadcast_in_dim3A_341 : vector<16x1xi32> to vector<16xi32>
    %gather3A_343 = tpu.dynamic_gather %add3A_337[%gather3A_342] in [0] : vector<16xf32>, vector<16xi32> -> vector<16xf32>
    %add3A_344 = arith.addf %add3A_337, %gather3A_343 : vector<16xf32>
    %xor3A_345 = arith.constant 4 : i32
    %xor3A_346 = vector.broadcast %xor3A_345 : i32 to vector<16xi32>
    %xor3A_347 = arith.xori %iota3A, %xor3A_346 : vector<16xi32>
    %broadcast_in_dim3A_348 = vector.shape_cast %xor3A_347 : vector<16xi32> to vector<16x1xi32>
    %gather3A_349 = vector.shape_cast %broadcast_in_dim3A_348 : vector<16x1xi32> to vector<16xi32>
    %gather3A_350 = tpu.dynamic_gather %add3A_344[%gather3A_349] in [0] : vector<16xf32>, vector<16xi32> -> vector<16xf32>
    %add3A_351 = arith.addf %add3A_344, %gather3A_350 : vector<16xf32>
    %xor3A_352 = arith.constant 2 : i32
    %xor3A_353 = vector.broadcast %xor3A_352 : i32 to vector<16xi32>
    %xor3A_354 = arith.xori %iota3A, %xor3A_353 : vector<16xi32>
    %broadcast_in_dim3A_355 = vector.shape_cast %xor3A_354 : vector<16xi32> to vector<16x1xi32>
    %gather3A_356 = vector.shape_cast %broadcast_in_dim3A_355 : vector<16x1xi32> to vector<16xi32>
    %gather3A_357 = tpu.dynamic_gather %add3A_351[%gather3A_356] in [0] : vector<16xf32>, vector<16xi32> -> vector<16xf32>
    %add3A_358 = arith.addf %add3A_351, %gather3A_357 : vector<16xf32>
    %xor3A_359 = arith.constant 1 : i32
    %xor3A_360 = vector.broadcast %xor3A_359 : i32 to vector<16xi32>
    %xor3A_361 = arith.xori %iota3A, %xor3A_360 : vector<16xi32>
    %broadcast_in_dim3A_362 = vector.shape_cast %xor3A_361 : vector<16xi32> to vector<16x1xi32>
    %gather3A_363 = vector.shape_cast %broadcast_in_dim3A_362 : vector<16x1xi32> to vector<16xi32>
    %gather3A_364 = tpu.dynamic_gather %add3A_358[%gather3A_363] in [0] : vector<16xf32>, vector<16xi32> -> vector<16xf32>
    %add3A_365 = arith.addf %add3A_358, %gather3A_364 : vector<16xf32>
    %mul3A_366 = arith.constant 1.22070313E-4 : f32
    %mul3A_367 = vector.broadcast %mul3A_366 : f32 to vector<16xf32>
    %mul3A_368 = arith.mulf %add3A_365, %mul3A_367 : vector<16xf32>
    %swap3A_369 = arith.constant 32 : index
    %swap3A_370 = tpu.vector_load %arg12[%swap3A_369] {strides = array<i32>} : memref<64xf32, #tpu.memory_space<vmem>>, vector<16xf32>,
    %swap3A_371 = vector.shape_cast %swap3A_370 : vector<16xf32> to vector<16xf32>
    %swap3A_372 = vector.shape_cast %mul3A_368 : vector<16xf32> to vector<16xf32>
    tpu.vector_store %arg12[%swap3A_369], %swap3A_372 {strides = array<i32>} : memref<64xf32, #tpu.memory_space<vmem>>, vector<16xf32>,
    %add3A_373 = arith.addf %add3A_295, %scan3A_335#2 : vector<16xf32>
    %add3A_374 = arith.addf %add3A_373, %scan3A_335#3 : vector<16xf32>
    %add3A_375 = arith.constant 2 : i32
    %add3A_376 = arith.addi %mul3A_2, %add3A_375 : i32
    %dma_start3A_377 = arith.constant 16384 : i32
    %dma_start3A_378 = tpu.memref_slice %arg8[%dma_start3A_377] : memref<32768xf32, #tpu.memory_space<vmem>> -> memref<8192xf32, #tpu.memory_space<vmem>>
    %dma_start3A_379 = arith.constant 0 : i32
    %dma_start3A_380 = tpu.memref_slice %arg4[%add3A_376, %dma_start3A_379] : memref<128x8192xf32, #tpu.memory_space<hbm>> -> memref<1x8192xf32, #tpu.memory_space<hbm>>
    %dma_start3A_381 = tpu.memref_squeeze %dma_start3A_380 : memref<1x8192xf32, #tpu.memory_space<hbm>> -> memref<8192xf32, #tpu.memory_space<hbm>>
    %dma_start3A_382 = arith.constant 0 : i32
    %dma_start3A_383 = tpu.memref_slice %arg4[%add3A_376, %dma_start3A_382] : memref<128x8192xf32, #tpu.memory_space<hbm>> -> memref<1x8192xf32, #tpu.memory_space<hbm>>
    %dma_start3A_384 = tpu.memref_squeeze %dma_start3A_383 : memref<1x8192xf32, #tpu.memory_space<hbm>> -> memref<8192xf32, #tpu.memory_space<hbm>>
    %dma_start3A_385 = arith.constant 16384 : i32
    %dma_start3A_386 = tpu.memref_slice %arg8[%dma_start3A_385] : memref<32768xf32, #tpu.memory_space<vmem>> -> memref<8192xf32, #tpu.memory_space<vmem>>
    tpu.enqueue_dma source(%dma_start3A_386 : memref<8192xf32, #tpu.memory_space<vmem>>) target(%dma_start3A_384 : memref<8192xf32, #tpu.memory_space<hbm>>) target_semaphore(%arg14 : memref<!tpu.dma_semaphore, #tpu.memory_space<semaphore_mem>>)
    %add3A_387 = arith.constant 2 : i32
    %add3A_388 = arith.addi %mul3A_2, %add3A_387 : i32
    %dma_start3A_389 = arith.constant 16384 : i32
    %dma_start3A_390 = tpu.memref_slice %arg9[%dma_start3A_389] : memref<32768xf32, #tpu.memory_space<vmem>> -> memref<8192xf32, #tpu.memory_space<vmem>>
    %dma_start3A_391 = arith.constant 0 : i32
    %dma_start3A_392 = tpu.memref_slice %arg5[%add3A_388, %dma_start3A_391] : memref<128x8192xf32, #tpu.memory_space<hbm>> -> memref<1x8192xf32, #tpu.memory_space<hbm>>
    %dma_start3A_393 = tpu.memref_squeeze %dma_start3A_392 : memref<1x8192xf32, #tpu.memory_space<hbm>> -> memref<8192xf32, #tpu.memory_space<hbm>>
    %dma_start3A_394 = arith.constant 0 : i32
    %dma_start3A_395 = tpu.memref_slice %arg5[%add3A_388, %dma_start3A_394] : memref<128x8192xf32, #tpu.memory_space<hbm>> -> memref<1x8192xf32, #tpu.memory_space<hbm>>
    %dma_start3A_396 = tpu.memref_squeeze %dma_start3A_395 : memref<1x8192xf32, #tpu.memory_space<hbm>> -> memref<8192xf32, #tpu.memory_space<hbm>>
    %dma_start3A_397 = arith.constant 16384 : i32
    %dma_start3A_398 = tpu.memref_slice %arg9[%dma_start3A_397] : memref<32768xf32, #tpu.memory_space<vmem>> -> memref<8192xf32, #tpu.memory_space<vmem>>
    tpu.enqueue_dma source(%dma_start3A_398 : memref<8192xf32, #tpu.memory_space<vmem>>) target(%dma_start3A_396 : memref<8192xf32, #tpu.memory_space<hbm>>) target_semaphore(%arg14 : memref<!tpu.dma_semaphore, #tpu.memory_space<semaphore_mem>>)
    %get3A_399 = arith.constant 48 : index
    %get3A_400 = tpu.vector_load %arg11[%get3A_399] {strides = array<i32>} : memref<64xf32, #tpu.memory_space<vmem>>, vector<16xf32>,
    %get3A_401 = vector.shape_cast %get3A_400 : vector<16xf32> to vector<16xf32>
    %broadcast_in_dim3A_402 = arith.constant 0 : i32
    %broadcast_in_dim3A_403 = vector.broadcast %broadcast_in_dim3A_402 : i32 to vector<16xi32>
    %scan3A_404 = arith.constant 0 : i32
    %scan3A_405 = arith.constant 31 : i32
    %scan3A_406 = arith.addi %scan3A_404, %scan3A_405 : i32
    %scan3A_407 = arith.constant 1 : i32
    %scan3A_408 = scf.for %scan3A_602 = %scan3A_404 to %scan3A_406 step %scan3A_407 iter_args(%scan3A_603 = %broadcast_in_dim3A_403) -> (vector<16xi32>)  : i32 {
      %sub3A = arith.constant 30 : i32
      %sub3A_604 = arith.subi %sub3A, %scan3A_602 : i32
      %shift_left3A = arith.constant 1 : i32
      %shift_left3A_605 = arith.shli %shift_left3A, %sub3A_604 : i32
      %broadcast_in_dim3A_606 = vector.broadcast %shift_left3A_605 : i32 to vector<16xi32>
      %or3A = arith.ori %scan3A_603, %broadcast_in_dim3A_606 : vector<16xi32>
      %scan3A_607 = arith.constant 0 : i32
      %scan3A_608 = arith.constant 32 : i32
      %scan3A_609 = arith.addi %scan3A_607, %scan3A_608 : i32
      %scan3A_610 = arith.constant 1 : i32
      %scan3A_611:8 = scf.for %scan3A_650 = %scan3A_607 to %scan3A_609 step %scan3A_610 iter_args(%scan3A_651 = %broadcast_in_dim3A_159, %scan3A_652 = %broadcast_in_dim3A_159, %scan3A_653 = %broadcast_in_dim3A_159, %scan3A_654 = %broadcast_in_dim3A_159, %scan3A_655 = %broadcast_in_dim3A_159, %scan3A_656 = %broadcast_in_dim3A_159, %scan3A_657 = %broadcast_in_dim3A_159, %scan3A_658 = %broadcast_in_dim3A_159) -> (vector<16xi32>, vector<16xi32>, vector<16xi32>, vector<16xi32>, vector<16xi32>, vector<16xi32>, vector<16xi32>, vector<16xi32>)  : i32 {
        %mul3A_659 = arith.constant 16 : i32
        %mul3A_660 = arith.muli %scan3A_650, %mul3A_659 : i32
        %mul3A_661 = arith.constant 16 : i32
        %mul3A_662 = arith.muli %mul3A_660, %mul3A_661 : i32
        %add3A_663 = arith.constant 24576 : i32
        %add3A_664 = arith.addi %add3A_663, %mul3A_662 : i32
        %add3A_665 = arith.constant 0 : i32
        %add3A_666 = arith.addi %add3A_664, %add3A_665 : i32
        %get3A_667 = arith.index_cast %add3A_666 : i32 to index
        %get3A_668 = tpu.vector_load %arg10[%get3A_667] {strides = array<i32>} : memref<32768xi32, #tpu.memory_space<vmem>>, vector<16xi32>,
        %get3A_669 = vector.shape_cast %get3A_668 : vector<16xi32> to vector<16xi32>
        %sub3A_670 = arith.subi %get3A_669, %or3A : vector<16xi32>
        %shift_right_arithmetic3A = arith.constant 31 : i32
        %shift_right_arithmetic3A_671 = vector.broadcast %shift_right_arithmetic3A : i32 to vector<16xi32>
        %shift_right_arithmetic3A_672 = arith.shrsi %sub3A_670, %shift_right_arithmetic3A_671 : vector<16xi32>
        %add3A_673 = arith.addi %scan3A_651, %shift_right_arithmetic3A_672 : vector<16xi32>
        %mul3A_674 = arith.constant 16 : i32
        %mul3A_675 = arith.muli %scan3A_650, %mul3A_674 : i32
        %mul3A_676 = arith.constant 16 : i32
        %mul3A_677 = arith.muli %mul3A_675, %mul3A_676 : i32
        %add3A_678 = arith.constant 24576 : i32
        %add3A_679 = arith.addi %add3A_678, %mul3A_677 : i32
        %add3A_680 = arith.constant 16 : i32
        %add3A_681 = arith.addi %add3A_679, %add3A_680 : i32
        %get3A_682 = arith.index_cast %add3A_681 : i32 to index
        %get3A_683 = tpu.vector_load %arg10[%get3A_682] {strides = array<i32>} : memref<32768xi32, #tpu.memory_space<vmem>>, vector<16xi32>,
        %get3A_684 = vector.shape_cast %get3A_683 : vector<16xi32> to vector<16xi32>
        %sub3A_685 = arith.subi %get3A_684, %or3A : vector<16xi32>
        %shift_right_arithmetic3A_686 = arith.constant 31 : i32
        %shift_right_arithmetic3A_687 = vector.broadcast %shift_right_arithmetic3A_686 : i32 to vector<16xi32>
        %shift_right_arithmetic3A_688 = arith.shrsi %sub3A_685, %shift_right_arithmetic3A_687 : vector<16xi32>
        %add3A_689 = arith.addi %scan3A_652, %shift_right_arithmetic3A_688 : vector<16xi32>
        %mul3A_690 = arith.constant 16 : i32
        %mul3A_691 = arith.muli %scan3A_650, %mul3A_690 : i32
        %mul3A_692 = arith.constant 16 : i32
        %mul3A_693 = arith.muli %mul3A_691, %mul3A_692 : i32
        %add3A_694 = arith.constant 24576 : i32
        %add3A_695 = arith.addi %add3A_694, %mul3A_693 : i32
        %add3A_696 = arith.constant 32 : i32
        %add3A_697 = arith.addi %add3A_695, %add3A_696 : i32
        %get3A_698 = arith.index_cast %add3A_697 : i32 to index
        %get3A_699 = tpu.vector_load %arg10[%get3A_698] {strides = array<i32>} : memref<32768xi32, #tpu.memory_space<vmem>>, vector<16xi32>,
        %get3A_700 = vector.shape_cast %get3A_699 : vector<16xi32> to vector<16xi32>
        %sub3A_701 = arith.subi %get3A_700, %or3A : vector<16xi32>
        %shift_right_arithmetic3A_702 = arith.constant 31 : i32
        %shift_right_arithmetic3A_703 = vector.broadcast %shift_right_arithmetic3A_702 : i32 to vector<16xi32>
        %shift_right_arithmetic3A_704 = arith.shrsi %sub3A_701, %shift_right_arithmetic3A_703 : vector<16xi32>
        %add3A_705 = arith.addi %scan3A_653, %shift_right_arithmetic3A_704 : vector<16xi32>
        %mul3A_706 = arith.constant 16 : i32
        %mul3A_707 = arith.muli %scan3A_650, %mul3A_706 : i32
        %mul3A_708 = arith.constant 16 : i32
        %mul3A_709 = arith.muli %mul3A_707, %mul3A_708 : i32
        %add3A_710 = arith.constant 24576 : i32
        %add3A_711 = arith.addi %add3A_710, %mul3A_709 : i32
        %add3A_712 = arith.constant 48 : i32
        %add3A_713 = arith.addi %add3A_711, %add3A_712 : i32
        %get3A_714 = arith.index_cast %add3A_713 : i32 to index
        %get3A_715 = tpu.vector_load %arg10[%get3A_714] {strides = array<i32>} : memref<32768xi32, #tpu.memory_space<vmem>>, vector<16xi32>,
        %get3A_716 = vector.shape_cast %get3A_715 : vector<16xi32> to vector<16xi32>
        %sub3A_717 = arith.subi %get3A_716, %or3A : vector<16xi32>
        %shift_right_arithmetic3A_718 = arith.constant 31 : i32
        %shift_right_arithmetic3A_719 = vector.broadcast %shift_right_arithmetic3A_718 : i32 to vector<16xi32>
        %shift_right_arithmetic3A_720 = arith.shrsi %sub3A_717, %shift_right_arithmetic3A_719 : vector<16xi32>
        %add3A_721 = arith.addi %scan3A_654, %shift_right_arithmetic3A_720 : vector<16xi32>
        %mul3A_722 = arith.constant 16 : i32
        %mul3A_723 = arith.muli %scan3A_650, %mul3A_722 : i32
        %mul3A_724 = arith.constant 16 : i32
        %mul3A_725 = arith.muli %mul3A_723, %mul3A_724 : i32
        %add3A_726 = arith.constant 24576 : i32
        %add3A_727 = arith.addi %add3A_726, %mul3A_725 : i32
        %add3A_728 = arith.constant 64 : i32
        %add3A_729 = arith.addi %add3A_727, %add3A_728 : i32
        %get3A_730 = arith.index_cast %add3A_729 : i32 to index
        %get3A_731 = tpu.vector_load %arg10[%get3A_730] {strides = array<i32>} : memref<32768xi32, #tpu.memory_space<vmem>>, vector<16xi32>,
        %get3A_732 = vector.shape_cast %get3A_731 : vector<16xi32> to vector<16xi32>
        %sub3A_733 = arith.subi %get3A_732, %or3A : vector<16xi32>
        %shift_right_arithmetic3A_734 = arith.constant 31 : i32
        %shift_right_arithmetic3A_735 = vector.broadcast %shift_right_arithmetic3A_734 : i32 to vector<16xi32>
        %shift_right_arithmetic3A_736 = arith.shrsi %sub3A_733, %shift_right_arithmetic3A_735 : vector<16xi32>
        %add3A_737 = arith.addi %scan3A_655, %shift_right_arithmetic3A_736 : vector<16xi32>
        %mul3A_738 = arith.constant 16 : i32
        %mul3A_739 = arith.muli %scan3A_650, %mul3A_738 : i32
        %mul3A_740 = arith.constant 16 : i32
        %mul3A_741 = arith.muli %mul3A_739, %mul3A_740 : i32
        %add3A_742 = arith.constant 24576 : i32
        %add3A_743 = arith.addi %add3A_742, %mul3A_741 : i32
        %add3A_744 = arith.constant 80 : i32
        %add3A_745 = arith.addi %add3A_743, %add3A_744 : i32
        %get3A_746 = arith.index_cast %add3A_745 : i32 to index
        %get3A_747 = tpu.vector_load %arg10[%get3A_746] {strides = array<i32>} : memref<32768xi32, #tpu.memory_space<vmem>>, vector<16xi32>,
        %get3A_748 = vector.shape_cast %get3A_747 : vector<16xi32> to vector<16xi32>
        %sub3A_749 = arith.subi %get3A_748, %or3A : vector<16xi32>
        %shift_right_arithmetic3A_750 = arith.constant 31 : i32
        %shift_right_arithmetic3A_751 = vector.broadcast %shift_right_arithmetic3A_750 : i32 to vector<16xi32>
        %shift_right_arithmetic3A_752 = arith.shrsi %sub3A_749, %shift_right_arithmetic3A_751 : vector<16xi32>
        %add3A_753 = arith.addi %scan3A_656, %shift_right_arithmetic3A_752 : vector<16xi32>
        %mul3A_754 = arith.constant 16 : i32
        %mul3A_755 = arith.muli %scan3A_650, %mul3A_754 : i32
        %mul3A_756 = arith.constant 16 : i32
        %mul3A_757 = arith.muli %mul3A_755, %mul3A_756 : i32
        %add3A_758 = arith.constant 24576 : i32
        %add3A_759 = arith.addi %add3A_758, %mul3A_757 : i32
        %add3A_760 = arith.constant 96 : i32
        %add3A_761 = arith.addi %add3A_759, %add3A_760 : i32
        %get3A_762 = arith.index_cast %add3A_761 : i32 to index
        %get3A_763 = tpu.vector_load %arg10[%get3A_762] {strides = array<i32>} : memref<32768xi32, #tpu.memory_space<vmem>>, vector<16xi32>,
        %get3A_764 = vector.shape_cast %get3A_763 : vector<16xi32> to vector<16xi32>
        %sub3A_765 = arith.subi %get3A_764, %or3A : vector<16xi32>
        %shift_right_arithmetic3A_766 = arith.constant 31 : i32
        %shift_right_arithmetic3A_767 = vector.broadcast %shift_right_arithmetic3A_766 : i32 to vector<16xi32>
        %shift_right_arithmetic3A_768 = arith.shrsi %sub3A_765, %shift_right_arithmetic3A_767 : vector<16xi32>
        %add3A_769 = arith.addi %scan3A_657, %shift_right_arithmetic3A_768 : vector<16xi32>
        %mul3A_770 = arith.constant 16 : i32
        %mul3A_771 = arith.muli %scan3A_650, %mul3A_770 : i32
        %mul3A_772 = arith.constant 16 : i32
        %mul3A_773 = arith.muli %mul3A_771, %mul3A_772 : i32
        %add3A_774 = arith.constant 24576 : i32
        %add3A_775 = arith.addi %add3A_774, %mul3A_773 : i32
        %add3A_776 = arith.constant 112 : i32
        %add3A_777 = arith.addi %add3A_775, %add3A_776 : i32
        %get3A_778 = arith.index_cast %add3A_777 : i32 to index
        %get3A_779 = tpu.vector_load %arg10[%get3A_778] {strides = array<i32>} : memref<32768xi32, #tpu.memory_space<vmem>>, vector<16xi32>,
        %get3A_780 = vector.shape_cast %get3A_779 : vector<16xi32> to vector<16xi32>
        %sub3A_781 = arith.subi %get3A_780, %or3A : vector<16xi32>
        %shift_right_arithmetic3A_782 = arith.constant 31 : i32
        %shift_right_arithmetic3A_783 = vector.broadcast %shift_right_arithmetic3A_782 : i32 to vector<16xi32>
        %shift_right_arithmetic3A_784 = arith.shrsi %sub3A_781, %shift_right_arithmetic3A_783 : vector<16xi32>
        %add3A_785 = arith.addi %scan3A_658, %shift_right_arithmetic3A_784 : vector<16xi32>
        %mul3A_786 = arith.constant 16 : i32
        %mul3A_787 = arith.muli %scan3A_650, %mul3A_786 : i32
        %mul3A_788 = arith.constant 16 : i32
        %mul3A_789 = arith.muli %mul3A_787, %mul3A_788 : i32
        %add3A_790 = arith.constant 24576 : i32
        %add3A_791 = arith.addi %add3A_790, %mul3A_789 : i32
        %add3A_792 = arith.constant 128 : i32
        %add3A_793 = arith.addi %add3A_791, %add3A_792 : i32
        %get3A_794 = arith.index_cast %add3A_793 : i32 to index
        %get3A_795 = tpu.vector_load %arg10[%get3A_794] {strides = array<i32>} : memref<32768xi32, #tpu.memory_space<vmem>>, vector<16xi32>,
        %get3A_796 = vector.shape_cast %get3A_795 : vector<16xi32> to vector<16xi32>
        %sub3A_797 = arith.subi %get3A_796, %or3A : vector<16xi32>
        %shift_right_arithmetic3A_798 = arith.constant 31 : i32
        %shift_right_arithmetic3A_799 = vector.broadcast %shift_right_arithmetic3A_798 : i32 to vector<16xi32>
        %shift_right_arithmetic3A_800 = arith.shrsi %sub3A_797, %shift_right_arithmetic3A_799 : vector<16xi32>
        %add3A_801 = arith.addi %add3A_673, %shift_right_arithmetic3A_800 : vector<16xi32>
        %mul3A_802 = arith.constant 16 : i32
        %mul3A_803 = arith.muli %scan3A_650, %mul3A_802 : i32
        %mul3A_804 = arith.constant 16 : i32
        %mul3A_805 = arith.muli %mul3A_803, %mul3A_804 : i32
        %add3A_806 = arith.constant 24576 : i32
        %add3A_807 = arith.addi %add3A_806, %mul3A_805 : i32
        %add3A_808 = arith.constant 144 : i32
        %add3A_809 = arith.addi %add3A_807, %add3A_808 : i32
        %get3A_810 = arith.index_cast %add3A_809 : i32 to index
        %get3A_811 = tpu.vector_load %arg10[%get3A_810] {strides = array<i32>} : memref<32768xi32, #tpu.memory_space<vmem>>, vector<16xi32>,
        %get3A_812 = vector.shape_cast %get3A_811 : vector<16xi32> to vector<16xi32>
        %sub3A_813 = arith.subi %get3A_812, %or3A : vector<16xi32>
        %shift_right_arithmetic3A_814 = arith.constant 31 : i32
        %shift_right_arithmetic3A_815 = vector.broadcast %shift_right_arithmetic3A_814 : i32 to vector<16xi32>
        %shift_right_arithmetic3A_816 = arith.shrsi %sub3A_813, %shift_right_arithmetic3A_815 : vector<16xi32>
        %add3A_817 = arith.addi %add3A_689, %shift_right_arithmetic3A_816 : vector<16xi32>
        %mul3A_818 = arith.constant 16 : i32
        %mul3A_819 = arith.muli %scan3A_650, %mul3A_818 : i32
        %mul3A_820 = arith.constant 16 : i32
        %mul3A_821 = arith.muli %mul3A_819, %mul3A_820 : i32
        %add3A_822 = arith.constant 24576 : i32
        %add3A_823 = arith.addi %add3A_822, %mul3A_821 : i32
        %add3A_824 = arith.constant 160 : i32
        %add3A_825 = arith.addi %add3A_823, %add3A_824 : i32
        %get3A_826 = arith.index_cast %add3A_825 : i32 to index
        %get3A_827 = tpu.vector_load %arg10[%get3A_826] {strides = array<i32>} : memref<32768xi32, #tpu.memory_space<vmem>>, vector<16xi32>,
        %get3A_828 = vector.shape_cast %get3A_827 : vector<16xi32> to vector<16xi32>
        %sub3A_829 = arith.subi %get3A_828, %or3A : vector<16xi32>
        %shift_right_arithmetic3A_830 = arith.constant 31 : i32
        %shift_right_arithmetic3A_831 = vector.broadcast %shift_right_arithmetic3A_830 : i32 to vector<16xi32>
        %shift_right_arithmetic3A_832 = arith.shrsi %sub3A_829, %shift_right_arithmetic3A_831 : vector<16xi32>
        %add3A_833 = arith.addi %add3A_705, %shift_right_arithmetic3A_832 : vector<16xi32>
        %mul3A_834 = arith.constant 16 : i32
        %mul3A_835 = arith.muli %scan3A_650, %mul3A_834 : i32
        %mul3A_836 = arith.constant 16 : i32
        %mul3A_837 = arith.muli %mul3A_835, %mul3A_836 : i32
        %add3A_838 = arith.constant 24576 : i32
        %add3A_839 = arith.addi %add3A_838, %mul3A_837 : i32
        %add3A_840 = arith.constant 176 : i32
        %add3A_841 = arith.addi %add3A_839, %add3A_840 : i32
        %get3A_842 = arith.index_cast %add3A_841 : i32 to index
        %get3A_843 = tpu.vector_load %arg10[%get3A_842] {strides = array<i32>} : memref<32768xi32, #tpu.memory_space<vmem>>, vector<16xi32>,
        %get3A_844 = vector.shape_cast %get3A_843 : vector<16xi32> to vector<16xi32>
        %sub3A_845 = arith.subi %get3A_844, %or3A : vector<16xi32>
        %shift_right_arithmetic3A_846 = arith.constant 31 : i32
        %shift_right_arithmetic3A_847 = vector.broadcast %shift_right_arithmetic3A_846 : i32 to vector<16xi32>
        %shift_right_arithmetic3A_848 = arith.shrsi %sub3A_845, %shift_right_arithmetic3A_847 : vector<16xi32>
        %add3A_849 = arith.addi %add3A_721, %shift_right_arithmetic3A_848 : vector<16xi32>
        %mul3A_850 = arith.constant 16 : i32
        %mul3A_851 = arith.muli %scan3A_650, %mul3A_850 : i32
        %mul3A_852 = arith.constant 16 : i32
        %mul3A_853 = arith.muli %mul3A_851, %mul3A_852 : i32
        %add3A_854 = arith.constant 24576 : i32
        %add3A_855 = arith.addi %add3A_854, %mul3A_853 : i32
        %add3A_856 = arith.constant 192 : i32
        %add3A_857 = arith.addi %add3A_855, %add3A_856 : i32
        %get3A_858 = arith.index_cast %add3A_857 : i32 to index
        %get3A_859 = tpu.vector_load %arg10[%get3A_858] {strides = array<i32>} : memref<32768xi32, #tpu.memory_space<vmem>>, vector<16xi32>,
        %get3A_860 = vector.shape_cast %get3A_859 : vector<16xi32> to vector<16xi32>
        %sub3A_861 = arith.subi %get3A_860, %or3A : vector<16xi32>
        %shift_right_arithmetic3A_862 = arith.constant 31 : i32
        %shift_right_arithmetic3A_863 = vector.broadcast %shift_right_arithmetic3A_862 : i32 to vector<16xi32>
        %shift_right_arithmetic3A_864 = arith.shrsi %sub3A_861, %shift_right_arithmetic3A_863 : vector<16xi32>
        %add3A_865 = arith.addi %add3A_737, %shift_right_arithmetic3A_864 : vector<16xi32>
        %mul3A_866 = arith.constant 16 : i32
        %mul3A_867 = arith.muli %scan3A_650, %mul3A_866 : i32
        %mul3A_868 = arith.constant 16 : i32
        %mul3A_869 = arith.muli %mul3A_867, %mul3A_868 : i32
        %add3A_870 = arith.constant 24576 : i32
        %add3A_871 = arith.addi %add3A_870, %mul3A_869 : i32
        %add3A_872 = arith.constant 208 : i32
        %add3A_873 = arith.addi %add3A_871, %add3A_872 : i32
        %get3A_874 = arith.index_cast %add3A_873 : i32 to index
        %get3A_875 = tpu.vector_load %arg10[%get3A_874] {strides = array<i32>} : memref<32768xi32, #tpu.memory_space<vmem>>, vector<16xi32>,
        %get3A_876 = vector.shape_cast %get3A_875 : vector<16xi32> to vector<16xi32>
        %sub3A_877 = arith.subi %get3A_876, %or3A : vector<16xi32>
        %shift_right_arithmetic3A_878 = arith.constant 31 : i32
        %shift_right_arithmetic3A_879 = vector.broadcast %shift_right_arithmetic3A_878 : i32 to vector<16xi32>
        %shift_right_arithmetic3A_880 = arith.shrsi %sub3A_877, %shift_right_arithmetic3A_879 : vector<16xi32>
        %add3A_881 = arith.addi %add3A_753, %shift_right_arithmetic3A_880 : vector<16xi32>
        %mul3A_882 = arith.constant 16 : i32
        %mul3A_883 = arith.muli %scan3A_650, %mul3A_882 : i32
        %mul3A_884 = arith.constant 16 : i32
        %mul3A_885 = arith.muli %mul3A_883, %mul3A_884 : i32
        %add3A_886 = arith.constant 24576 : i32
        %add3A_887 = arith.addi %add3A_886, %mul3A_885 : i32
        %add3A_888 = arith.constant 224 : i32
        %add3A_889 = arith.addi %add3A_887, %add3A_888 : i32
        %get3A_890 = arith.index_cast %add3A_889 : i32 to index
        %get3A_891 = tpu.vector_load %arg10[%get3A_890] {strides = array<i32>} : memref<32768xi32, #tpu.memory_space<vmem>>, vector<16xi32>,
        %get3A_892 = vector.shape_cast %get3A_891 : vector<16xi32> to vector<16xi32>
        %sub3A_893 = arith.subi %get3A_892, %or3A : vector<16xi32>
        %shift_right_arithmetic3A_894 = arith.constant 31 : i32
        %shift_right_arithmetic3A_895 = vector.broadcast %shift_right_arithmetic3A_894 : i32 to vector<16xi32>
        %shift_right_arithmetic3A_896 = arith.shrsi %sub3A_893, %shift_right_arithmetic3A_895 : vector<16xi32>
        %add3A_897 = arith.addi %add3A_769, %shift_right_arithmetic3A_896 : vector<16xi32>
        %mul3A_898 = arith.constant 16 : i32
        %mul3A_899 = arith.muli %scan3A_650, %mul3A_898 : i32
        %mul3A_900 = arith.constant 16 : i32
        %mul3A_901 = arith.muli %mul3A_899, %mul3A_900 : i32
        %add3A_902 = arith.constant 24576 : i32
        %add3A_903 = arith.addi %add3A_902, %mul3A_901 : i32
        %add3A_904 = arith.constant 240 : i32
        %add3A_905 = arith.addi %add3A_903, %add3A_904 : i32
        %get3A_906 = arith.index_cast %add3A_905 : i32 to index
        %get3A_907 = tpu.vector_load %arg10[%get3A_906] {strides = array<i32>} : memref<32768xi32, #tpu.memory_space<vmem>>, vector<16xi32>,
        %get3A_908 = vector.shape_cast %get3A_907 : vector<16xi32> to vector<16xi32>
        %sub3A_909 = arith.subi %get3A_908, %or3A : vector<16xi32>
        %shift_right_arithmetic3A_910 = arith.constant 31 : i32
        %shift_right_arithmetic3A_911 = vector.broadcast %shift_right_arithmetic3A_910 : i32 to vector<16xi32>
        %shift_right_arithmetic3A_912 = arith.shrsi %sub3A_909, %shift_right_arithmetic3A_911 : vector<16xi32>
        %add3A_913 = arith.addi %add3A_785, %shift_right_arithmetic3A_912 : vector<16xi32>
        scf.yield %add3A_801, %add3A_817, %add3A_833, %add3A_849, %add3A_865, %add3A_881, %add3A_897, %add3A_913 : vector<16xi32>, vector<16xi32>, vector<16xi32>, vector<16xi32>, vector<16xi32>, vector<16xi32>, vector<16xi32>, vector<16xi32>
      }
      %scan3A_612 = arith.constant 32 : i32
      %add3A_613 = arith.addi %scan3A_611#0, %scan3A_611#1 : vector<16xi32>
      %add3A_614 = arith.addi %add3A_613, %scan3A_611#2 : vector<16xi32>
      %add3A_615 = arith.addi %add3A_614, %scan3A_611#3 : vector<16xi32>
      %add3A_616 = arith.addi %add3A_615, %scan3A_611#4 : vector<16xi32>
      %add3A_617 = arith.addi %add3A_616, %scan3A_611#5 : vector<16xi32>
      %add3A_618 = arith.addi %add3A_617, %scan3A_611#6 : vector<16xi32>
      %add3A_619 = arith.addi %add3A_618, %scan3A_611#7 : vector<16xi32>
      %neg3A = arith.constant 0 : i32
      %neg3A_620 = vector.broadcast %neg3A : i32 to vector<16xi32>
      %neg3A_621 = arith.subi %neg3A_620, %add3A_619 : vector<16xi32>
      %convert_element_type3A = arith.sitofp %neg3A_621 : vector<16xi32> to vector<16xf32>
      %xor3A_622 = arith.constant 8 : i32
      %xor3A_623 = vector.broadcast %xor3A_622 : i32 to vector<16xi32>
      %xor3A_624 = arith.xori %iota3A, %xor3A_623 : vector<16xi32>
      %broadcast_in_dim3A_625 = vector.shape_cast %xor3A_624 : vector<16xi32> to vector<16x1xi32>
      %gather3A_626 = vector.shape_cast %broadcast_in_dim3A_625 : vector<16x1xi32> to vector<16xi32>
      %gather3A_627 = tpu.dynamic_gather %convert_element_type3A[%gather3A_626] in [0] : vector<16xf32>, vector<16xi32> -> vector<16xf32>
      %add3A_628 = arith.addf %convert_element_type3A, %gather3A_627 : vector<16xf32>
      %xor3A_629 = arith.constant 4 : i32
      %xor3A_630 = vector.broadcast %xor3A_629 : i32 to vector<16xi32>
      %xor3A_631 = arith.xori %iota3A, %xor3A_630 : vector<16xi32>
      %broadcast_in_dim3A_632 = vector.shape_cast %xor3A_631 : vector<16xi32> to vector<16x1xi32>
      %gather3A_633 = vector.shape_cast %broadcast_in_dim3A_632 : vector<16x1xi32> to vector<16xi32>
      %gather3A_634 = tpu.dynamic_gather %add3A_628[%gather3A_633] in [0] : vector<16xf32>, vector<16xi32> -> vector<16xf32>
      %add3A_635 = arith.addf %add3A_628, %gather3A_634 : vector<16xf32>
      %xor3A_636 = arith.constant 2 : i32
      %xor3A_637 = vector.broadcast %xor3A_636 : i32 to vector<16xi32>
      %xor3A_638 = arith.xori %iota3A, %xor3A_637 : vector<16xi32>
      %broadcast_in_dim3A_639 = vector.shape_cast %xor3A_638 : vector<16xi32> to vector<16x1xi32>
      %gather3A_640 = vector.shape_cast %broadcast_in_dim3A_639 : vector<16x1xi32> to vector<16xi32>
      %gather3A_641 = tpu.dynamic_gather %add3A_635[%gather3A_640] in [0] : vector<16xf32>, vector<16xi32> -> vector<16xf32>
      %add3A_642 = arith.addf %add3A_635, %gather3A_641 : vector<16xf32>
      %xor3A_643 = arith.constant 1 : i32
      %xor3A_644 = vector.broadcast %xor3A_643 : i32 to vector<16xi32>
      %xor3A_645 = arith.xori %iota3A, %xor3A_644 : vector<16xi32>
      %broadcast_in_dim3A_646 = vector.shape_cast %xor3A_645 : vector<16xi32> to vector<16x1xi32>
      %gather3A_647 = vector.shape_cast %broadcast_in_dim3A_646 : vector<16x1xi32> to vector<16xi32>
      %gather3A_648 = tpu.dynamic_gather %add3A_642[%gather3A_647] in [0] : vector<16xf32>, vector<16xi32> -> vector<16xf32>
      %add3A_649 = arith.addf %add3A_642, %gather3A_648 : vector<16xf32>
      %lt3A = arith.cmpf olt, %add3A_649, %get3A_401 : vector<16xf32>
      %select_n3A = arith.select %lt3A, %or3A, %scan3A_603 : vector<16xi1>, vector<16xi32>
      scf.yield %select_n3A : vector<16xi32>
    }
    %scan3A_409 = arith.constant 31 : i32
    %scan3A_410 = arith.constant 0 : i32
    %scan3A_411 = arith.constant 128 : i32
    %scan3A_412 = arith.addi %scan3A_410, %scan3A_411 : i32
    %scan3A_413 = arith.constant 1 : i32
    %scan3A_414:4 = scf.for %scan3A_602 = %scan3A_410 to %scan3A_412 step %scan3A_413 iter_args(%scan3A_603 = %broadcast_in_dim3A_155, %scan3A_604 = %broadcast_in_dim3A_155, %scan3A_605 = %broadcast_in_dim3A_155, %scan3A_606 = %broadcast_in_dim3A_155) -> (vector<16xf32>, vector<16xf32>, vector<16xf32>, vector<16xf32>)  : i32 {
      %mul3A_607 = arith.constant 4 : i32
      %mul3A_608 = arith.muli %scan3A_602, %mul3A_607 : i32
      %mul3A_609 = arith.constant 16 : i32
      %mul3A_610 = arith.muli %mul3A_608, %mul3A_609 : i32
      %add3A_611 = arith.constant 24576 : i32
      %add3A_612 = arith.addi %add3A_611, %mul3A_610 : i32
      %add3A_613 = arith.constant 0 : i32
      %add3A_614 = arith.addi %add3A_612, %add3A_613 : i32
      %get3A_615 = arith.index_cast %add3A_614 : i32 to index
      %get3A_616 = tpu.vector_load %arg8[%get3A_615] {strides = array<i32>} : memref<32768xf32, #tpu.memory_space<vmem>>, vector<16xf32>,
      %get3A_617 = vector.shape_cast %get3A_616 : vector<16xf32> to vector<16xf32>
      %get3A_618 = arith.index_cast %add3A_614 : i32 to index
      %get3A_619 = tpu.vector_load %arg10[%get3A_618] {strides = array<i32>} : memref<32768xi32, #tpu.memory_space<vmem>>, vector<16xi32>,
      %get3A_620 = vector.shape_cast %get3A_619 : vector<16xi32> to vector<16xi32>
      %gt3A = arith.cmpi sgt, %get3A_620, %scan3A_408 : vector<16xi32>
      %jit3A = arith.constant 1.000000e+00 : f32
      %jit3A_621 = arith.constant 0.000000e+00 : f32
      %broadcast_in_dim3A_622 = vector.broadcast %jit3A : f32 to vector<16xf32>
      %broadcast_in_dim3A_623 = vector.broadcast %jit3A_621 : f32 to vector<16xf32>
      %select_n3A = arith.select %gt3A, %broadcast_in_dim3A_622, %broadcast_in_dim3A_623 : vector<16xi1>, vector<16xf32>
      %mul3A_624 = arith.mulf %get3A_617, %select_n3A : vector<16xf32>
      %swap3A_625 = arith.index_cast %add3A_614 : i32 to index
      %swap3A_626 = tpu.vector_load %arg8[%swap3A_625] {strides = array<i32>} : memref<32768xf32, #tpu.memory_space<vmem>>, vector<16xf32>,
      %swap3A_627 = vector.shape_cast %swap3A_626 : vector<16xf32> to vector<16xf32>
      %swap3A_628 = vector.shape_cast %mul3A_624 : vector<16xf32> to vector<16xf32>
      tpu.vector_store %arg8[%swap3A_625], %swap3A_628 {strides = array<i32>} : memref<32768xf32, #tpu.memory_space<vmem>>, vector<16xf32>,
      %swap3A_629 = arith.index_cast %add3A_614 : i32 to index
      %swap3A_630 = tpu.vector_load %arg9[%swap3A_629] {strides = array<i32>} : memref<32768xf32, #tpu.memory_space<vmem>>, vector<16xf32>,
      %swap3A_631 = vector.shape_cast %swap3A_630 : vector<16xf32> to vector<16xf32>
      %swap3A_632 = vector.shape_cast %select_n3A : vector<16xf32> to vector<16xf32>
      tpu.vector_store %arg9[%swap3A_629], %swap3A_632 {strides = array<i32>} : memref<32768xf32, #tpu.memory_space<vmem>>, vector<16xf32>,
      %abs3A = math.absf %mul3A_624 : vector<16xf32>
      %add3A_633 = arith.addf %scan3A_603, %select_n3A : vector<16xf32>
      %add3A_634 = arith.addf %scan3A_605, %abs3A : vector<16xf32>
      %mul3A_635 = arith.constant 4 : i32
      %mul3A_636 = arith.muli %scan3A_602, %mul3A_635 : i32
      %mul3A_637 = arith.constant 16 : i32
      %mul3A_638 = arith.muli %mul3A_636, %mul3A_637 : i32
      %add3A_639 = arith.constant 24576 : i32
      %add3A_640 = arith.addi %add3A_639, %mul3A_638 : i32
      %add3A_641 = arith.constant 16 : i32
      %add3A_642 = arith.addi %add3A_640, %add3A_641 : i32
      %get3A_643 = arith.index_cast %add3A_642 : i32 to index
      %get3A_644 = tpu.vector_load %arg8[%get3A_643] {strides = array<i32>} : memref<32768xf32, #tpu.memory_space<vmem>>, vector<16xf32>,
      %get3A_645 = vector.shape_cast %get3A_644 : vector<16xf32> to vector<16xf32>
      %get3A_646 = arith.index_cast %add3A_642 : i32 to index
      %get3A_647 = tpu.vector_load %arg10[%get3A_646] {strides = array<i32>} : memref<32768xi32, #tpu.memory_space<vmem>>, vector<16xi32>,
      %get3A_648 = vector.shape_cast %get3A_647 : vector<16xi32> to vector<16xi32>
      %gt3A_649 = arith.cmpi sgt, %get3A_648, %scan3A_408 : vector<16xi32>
      %jit3A_650 = arith.constant 1.000000e+00 : f32
      %jit3A_651 = arith.constant 0.000000e+00 : f32
      %broadcast_in_dim3A_652 = vector.broadcast %jit3A_650 : f32 to vector<16xf32>
      %broadcast_in_dim3A_653 = vector.broadcast %jit3A_651 : f32 to vector<16xf32>
      %select_n3A_654 = arith.select %gt3A_649, %broadcast_in_dim3A_652, %broadcast_in_dim3A_653 : vector<16xi1>, vector<16xf32>
      %mul3A_655 = arith.mulf %get3A_645, %select_n3A_654 : vector<16xf32>
      %swap3A_656 = arith.index_cast %add3A_642 : i32 to index
      %swap3A_657 = tpu.vector_load %arg8[%swap3A_656] {strides = array<i32>} : memref<32768xf32, #tpu.memory_space<vmem>>, vector<16xf32>,
      %swap3A_658 = vector.shape_cast %swap3A_657 : vector<16xf32> to vector<16xf32>
      %swap3A_659 = vector.shape_cast %mul3A_655 : vector<16xf32> to vector<16xf32>
      tpu.vector_store %arg8[%swap3A_656], %swap3A_659 {strides = array<i32>} : memref<32768xf32, #tpu.memory_space<vmem>>, vector<16xf32>,
      %swap3A_660 = arith.index_cast %add3A_642 : i32 to index
      %swap3A_661 = tpu.vector_load %arg9[%swap3A_660] {strides = array<i32>} : memref<32768xf32, #tpu.memory_space<vmem>>, vector<16xf32>,
      %swap3A_662 = vector.shape_cast %swap3A_661 : vector<16xf32> to vector<16xf32>
      %swap3A_663 = vector.shape_cast %select_n3A_654 : vector<16xf32> to vector<16xf32>
      tpu.vector_store %arg9[%swap3A_660], %swap3A_663 {strides = array<i32>} : memref<32768xf32, #tpu.memory_space<vmem>>, vector<16xf32>,
      %abs3A_664 = math.absf %mul3A_655 : vector<16xf32>
      %add3A_665 = arith.addf %scan3A_604, %select_n3A_654 : vector<16xf32>
      %add3A_666 = arith.addf %scan3A_606, %abs3A_664 : vector<16xf32>
      %mul3A_667 = arith.constant 4 : i32
      %mul3A_668 = arith.muli %scan3A_602, %mul3A_667 : i32
      %mul3A_669 = arith.constant 16 : i32
      %mul3A_670 = arith.muli %mul3A_668, %mul3A_669 : i32
      %add3A_671 = arith.constant 24576 : i32
      %add3A_672 = arith.addi %add3A_671, %mul3A_670 : i32
      %add3A_673 = arith.constant 32 : i32
      %add3A_674 = arith.addi %add3A_672, %add3A_673 : i32
      %get3A_675 = arith.index_cast %add3A_674 : i32 to index
      %get3A_676 = tpu.vector_load %arg8[%get3A_675] {strides = array<i32>} : memref<32768xf32, #tpu.memory_space<vmem>>, vector<16xf32>,
      %get3A_677 = vector.shape_cast %get3A_676 : vector<16xf32> to vector<16xf32>
      %get3A_678 = arith.index_cast %add3A_674 : i32 to index
      %get3A_679 = tpu.vector_load %arg10[%get3A_678] {strides = array<i32>} : memref<32768xi32, #tpu.memory_space<vmem>>, vector<16xi32>,
      %get3A_680 = vector.shape_cast %get3A_679 : vector<16xi32> to vector<16xi32>
      %gt3A_681 = arith.cmpi sgt, %get3A_680, %scan3A_408 : vector<16xi32>
      %jit3A_682 = arith.constant 1.000000e+00 : f32
      %jit3A_683 = arith.constant 0.000000e+00 : f32
      %broadcast_in_dim3A_684 = vector.broadcast %jit3A_682 : f32 to vector<16xf32>
      %broadcast_in_dim3A_685 = vector.broadcast %jit3A_683 : f32 to vector<16xf32>
      %select_n3A_686 = arith.select %gt3A_681, %broadcast_in_dim3A_684, %broadcast_in_dim3A_685 : vector<16xi1>, vector<16xf32>
      %mul3A_687 = arith.mulf %get3A_677, %select_n3A_686 : vector<16xf32>
      %swap3A_688 = arith.index_cast %add3A_674 : i32 to index
      %swap3A_689 = tpu.vector_load %arg8[%swap3A_688] {strides = array<i32>} : memref<32768xf32, #tpu.memory_space<vmem>>, vector<16xf32>,
      %swap3A_690 = vector.shape_cast %swap3A_689 : vector<16xf32> to vector<16xf32>
      %swap3A_691 = vector.shape_cast %mul3A_687 : vector<16xf32> to vector<16xf32>
      tpu.vector_store %arg8[%swap3A_688], %swap3A_691 {strides = array<i32>} : memref<32768xf32, #tpu.memory_space<vmem>>, vector<16xf32>,
      %swap3A_692 = arith.index_cast %add3A_674 : i32 to index
      %swap3A_693 = tpu.vector_load %arg9[%swap3A_692] {strides = array<i32>} : memref<32768xf32, #tpu.memory_space<vmem>>, vector<16xf32>,
      %swap3A_694 = vector.shape_cast %swap3A_693 : vector<16xf32> to vector<16xf32>
      %swap3A_695 = vector.shape_cast %select_n3A_686 : vector<16xf32> to vector<16xf32>
      tpu.vector_store %arg9[%swap3A_692], %swap3A_695 {strides = array<i32>} : memref<32768xf32, #tpu.memory_space<vmem>>, vector<16xf32>,
      %abs3A_696 = math.absf %mul3A_687 : vector<16xf32>
      %add3A_697 = arith.addf %add3A_633, %select_n3A_686 : vector<16xf32>
      %add3A_698 = arith.addf %add3A_634, %abs3A_696 : vector<16xf32>
      %mul3A_699 = arith.constant 4 : i32
      %mul3A_700 = arith.muli %scan3A_602, %mul3A_699 : i32
      %mul3A_701 = arith.constant 16 : i32
      %mul3A_702 = arith.muli %mul3A_700, %mul3A_701 : i32
      %add3A_703 = arith.constant 24576 : i32
      %add3A_704 = arith.addi %add3A_703, %mul3A_702 : i32
      %add3A_705 = arith.constant 48 : i32
      %add3A_706 = arith.addi %add3A_704, %add3A_705 : i32
      %get3A_707 = arith.index_cast %add3A_706 : i32 to index
      %get3A_708 = tpu.vector_load %arg8[%get3A_707] {strides = array<i32>} : memref<32768xf32, #tpu.memory_space<vmem>>, vector<16xf32>,
      %get3A_709 = vector.shape_cast %get3A_708 : vector<16xf32> to vector<16xf32>
      %get3A_710 = arith.index_cast %add3A_706 : i32 to index
      %get3A_711 = tpu.vector_load %arg10[%get3A_710] {strides = array<i32>} : memref<32768xi32, #tpu.memory_space<vmem>>, vector<16xi32>,
      %get3A_712 = vector.shape_cast %get3A_711 : vector<16xi32> to vector<16xi32>
      %gt3A_713 = arith.cmpi sgt, %get3A_712, %scan3A_408 : vector<16xi32>
      %jit3A_714 = arith.constant 1.000000e+00 : f32
      %jit3A_715 = arith.constant 0.000000e+00 : f32
      %broadcast_in_dim3A_716 = vector.broadcast %jit3A_714 : f32 to vector<16xf32>
      %broadcast_in_dim3A_717 = vector.broadcast %jit3A_715 : f32 to vector<16xf32>
      %select_n3A_718 = arith.select %gt3A_713, %broadcast_in_dim3A_716, %broadcast_in_dim3A_717 : vector<16xi1>, vector<16xf32>
      %mul3A_719 = arith.mulf %get3A_709, %select_n3A_718 : vector<16xf32>
      %swap3A_720 = arith.index_cast %add3A_706 : i32 to index
      %swap3A_721 = tpu.vector_load %arg8[%swap3A_720] {strides = array<i32>} : memref<32768xf32, #tpu.memory_space<vmem>>, vector<16xf32>,
      %swap3A_722 = vector.shape_cast %swap3A_721 : vector<16xf32> to vector<16xf32>
      %swap3A_723 = vector.shape_cast %mul3A_719 : vector<16xf32> to vector<16xf32>
      tpu.vector_store %arg8[%swap3A_720], %swap3A_723 {strides = array<i32>} : memref<32768xf32, #tpu.memory_space<vmem>>, vector<16xf32>,
      %swap3A_724 = arith.index_cast %add3A_706 : i32 to index
      %swap3A_725 = tpu.vector_load %arg9[%swap3A_724] {strides = array<i32>} : memref<32768xf32, #tpu.memory_space<vmem>>, vector<16xf32>,
      %swap3A_726 = vector.shape_cast %swap3A_725 : vector<16xf32> to vector<16xf32>
      %swap3A_727 = vector.shape_cast %select_n3A_718 : vector<16xf32> to vector<16xf32>
      tpu.vector_store %arg9[%swap3A_724], %swap3A_727 {strides = array<i32>} : memref<32768xf32, #tpu.memory_space<vmem>>, vector<16xf32>,
      %abs3A_728 = math.absf %mul3A_719 : vector<16xf32>
      %add3A_729 = arith.addf %add3A_665, %select_n3A_718 : vector<16xf32>
      %add3A_730 = arith.addf %add3A_666, %abs3A_728 : vector<16xf32>
      scf.yield %add3A_697, %add3A_729, %add3A_698, %add3A_730 : vector<16xf32>, vector<16xf32>, vector<16xf32>, vector<16xf32>
    }
    %scan3A_415 = arith.constant 128 : i32
    %add3A_416 = arith.addf %scan3A_414#0, %scan3A_414#1 : vector<16xf32>
    %xor3A_417 = arith.constant 8 : i32
    %xor3A_418 = vector.broadcast %xor3A_417 : i32 to vector<16xi32>
    %xor3A_419 = arith.xori %iota3A, %xor3A_418 : vector<16xi32>
    %broadcast_in_dim3A_420 = vector.shape_cast %xor3A_419 : vector<16xi32> to vector<16x1xi32>
    %gather3A_421 = vector.shape_cast %broadcast_in_dim3A_420 : vector<16x1xi32> to vector<16xi32>
    %gather3A_422 = tpu.dynamic_gather %add3A_416[%gather3A_421] in [0] : vector<16xf32>, vector<16xi32> -> vector<16xf32>
    %add3A_423 = arith.addf %add3A_416, %gather3A_422 : vector<16xf32>
    %xor3A_424 = arith.constant 4 : i32
    %xor3A_425 = vector.broadcast %xor3A_424 : i32 to vector<16xi32>
    %xor3A_426 = arith.xori %iota3A, %xor3A_425 : vector<16xi32>
    %broadcast_in_dim3A_427 = vector.shape_cast %xor3A_426 : vector<16xi32> to vector<16x1xi32>
    %gather3A_428 = vector.shape_cast %broadcast_in_dim3A_427 : vector<16x1xi32> to vector<16xi32>
    %gather3A_429 = tpu.dynamic_gather %add3A_423[%gather3A_428] in [0] : vector<16xf32>, vector<16xi32> -> vector<16xf32>
    %add3A_430 = arith.addf %add3A_423, %gather3A_429 : vector<16xf32>
    %xor3A_431 = arith.constant 2 : i32
    %xor3A_432 = vector.broadcast %xor3A_431 : i32 to vector<16xi32>
    %xor3A_433 = arith.xori %iota3A, %xor3A_432 : vector<16xi32>
    %broadcast_in_dim3A_434 = vector.shape_cast %xor3A_433 : vector<16xi32> to vector<16x1xi32>
    %gather3A_435 = vector.shape_cast %broadcast_in_dim3A_434 : vector<16x1xi32> to vector<16xi32>
    %gather3A_436 = tpu.dynamic_gather %add3A_430[%gather3A_435] in [0] : vector<16xf32>, vector<16xi32> -> vector<16xf32>
    %add3A_437 = arith.addf %add3A_430, %gather3A_436 : vector<16xf32>
    %xor3A_438 = arith.constant 1 : i32
    %xor3A_439 = vector.broadcast %xor3A_438 : i32 to vector<16xi32>
    %xor3A_440 = arith.xori %iota3A, %xor3A_439 : vector<16xi32>
    %broadcast_in_dim3A_441 = vector.shape_cast %xor3A_440 : vector<16xi32> to vector<16x1xi32>
    %gather3A_442 = vector.shape_cast %broadcast_in_dim3A_441 : vector<16x1xi32> to vector<16xi32>
    %gather3A_443 = tpu.dynamic_gather %add3A_437[%gather3A_442] in [0] : vector<16xf32>, vector<16xi32> -> vector<16xf32>
    %add3A_444 = arith.addf %add3A_437, %gather3A_443 : vector<16xf32>
    %mul3A_445 = arith.constant 1.22070313E-4 : f32
    %mul3A_446 = vector.broadcast %mul3A_445 : f32 to vector<16xf32>
    %mul3A_447 = arith.mulf %add3A_444, %mul3A_446 : vector<16xf32>
    %swap3A_448 = arith.constant 48 : index
    %swap3A_449 = tpu.vector_load %arg12[%swap3A_448] {strides = array<i32>} : memref<64xf32, #tpu.memory_space<vmem>>, vector<16xf32>,
    %swap3A_450 = vector.shape_cast %swap3A_449 : vector<16xf32> to vector<16xf32>
    %swap3A_451 = vector.shape_cast %mul3A_447 : vector<16xf32> to vector<16xf32>
    tpu.vector_store %arg12[%swap3A_448], %swap3A_451 {strides = array<i32>} : memref<64xf32, #tpu.memory_space<vmem>>, vector<16xf32>,
    %add3A_452 = arith.addf %add3A_374, %scan3A_414#2 : vector<16xf32>
    %add3A_453 = arith.addf %add3A_452, %scan3A_414#3 : vector<16xf32>
    %add3A_454 = arith.constant 3 : i32
    %add3A_455 = arith.addi %mul3A_2, %add3A_454 : i32
    %dma_start3A_456 = arith.constant 24576 : i32
    %dma_start3A_457 = tpu.memref_slice %arg8[%dma_start3A_456] : memref<32768xf32, #tpu.memory_space<vmem>> -> memref<8192xf32, #tpu.memory_space<vmem>>
    %dma_start3A_458 = arith.constant 0 : i32
    %dma_start3A_459 = tpu.memref_slice %arg4[%add3A_455, %dma_start3A_458] : memref<128x8192xf32, #tpu.memory_space<hbm>> -> memref<1x8192xf32, #tpu.memory_space<hbm>>
    %dma_start3A_460 = tpu.memref_squeeze %dma_start3A_459 : memref<1x8192xf32, #tpu.memory_space<hbm>> -> memref<8192xf32, #tpu.memory_space<hbm>>
    %dma_start3A_461 = arith.constant 0 : i32
    %dma_start3A_462 = tpu.memref_slice %arg4[%add3A_455, %dma_start3A_461] : memref<128x8192xf32, #tpu.memory_space<hbm>> -> memref<1x8192xf32, #tpu.memory_space<hbm>>
    %dma_start3A_463 = tpu.memref_squeeze %dma_start3A_462 : memref<1x8192xf32, #tpu.memory_space<hbm>> -> memref<8192xf32, #tpu.memory_space<hbm>>
    %dma_start3A_464 = arith.constant 24576 : i32
    %dma_start3A_465 = tpu.memref_slice %arg8[%dma_start3A_464] : memref<32768xf32, #tpu.memory_space<vmem>> -> memref<8192xf32, #tpu.memory_space<vmem>>
    tpu.enqueue_dma source(%dma_start3A_465 : memref<8192xf32, #tpu.memory_space<vmem>>) target(%dma_start3A_463 : memref<8192xf32, #tpu.memory_space<hbm>>) target_semaphore(%arg14 : memref<!tpu.dma_semaphore, #tpu.memory_space<semaphore_mem>>)
    %add3A_466 = arith.constant 3 : i32
    %add3A_467 = arith.addi %mul3A_2, %add3A_466 : i32
    %dma_start3A_468 = arith.constant 24576 : i32
    %dma_start3A_469 = tpu.memref_slice %arg9[%dma_start3A_468] : memref<32768xf32, #tpu.memory_space<vmem>> -> memref<8192xf32, #tpu.memory_space<vmem>>
    %dma_start3A_470 = arith.constant 0 : i32
    %dma_start3A_471 = tpu.memref_slice %arg5[%add3A_467, %dma_start3A_470] : memref<128x8192xf32, #tpu.memory_space<hbm>> -> memref<1x8192xf32, #tpu.memory_space<hbm>>
    %dma_start3A_472 = tpu.memref_squeeze %dma_start3A_471 : memref<1x8192xf32, #tpu.memory_space<hbm>> -> memref<8192xf32, #tpu.memory_space<hbm>>
    %dma_start3A_473 = arith.constant 0 : i32
    %dma_start3A_474 = tpu.memref_slice %arg5[%add3A_467, %dma_start3A_473] : memref<128x8192xf32, #tpu.memory_space<hbm>> -> memref<1x8192xf32, #tpu.memory_space<hbm>>
    %dma_start3A_475 = tpu.memref_squeeze %dma_start3A_474 : memref<1x8192xf32, #tpu.memory_space<hbm>> -> memref<8192xf32, #tpu.memory_space<hbm>>
    %dma_start3A_476 = arith.constant 24576 : i32
    %dma_start3A_477 = tpu.memref_slice %arg9[%dma_start3A_476] : memref<32768xf32, #tpu.memory_space<vmem>> -> memref<8192xf32, #tpu.memory_space<vmem>>
    tpu.enqueue_dma source(%dma_start3A_477 : memref<8192xf32, #tpu.memory_space<vmem>>) target(%dma_start3A_475 : memref<8192xf32, #tpu.memory_space<hbm>>) target_semaphore(%arg14 : memref<!tpu.dma_semaphore, #tpu.memory_space<semaphore_mem>>)
    %xor3A_478 = arith.constant 8 : i32
    %xor3A_479 = vector.broadcast %xor3A_478 : i32 to vector<16xi32>
    %xor3A_480 = arith.xori %iota3A, %xor3A_479 : vector<16xi32>
    %broadcast_in_dim3A_481 = vector.shape_cast %xor3A_480 : vector<16xi32> to vector<16x1xi32>
    %gather3A_482 = vector.shape_cast %broadcast_in_dim3A_481 : vector<16x1xi32> to vector<16xi32>
    %gather3A_483 = tpu.dynamic_gather %add3A_453[%gather3A_482] in [0] : vector<16xf32>, vector<16xi32> -> vector<16xf32>
    %add3A_484 = arith.addf %add3A_453, %gather3A_483 : vector<16xf32>
    %xor3A_485 = arith.constant 4 : i32
    %xor3A_486 = vector.broadcast %xor3A_485 : i32 to vector<16xi32>
    %xor3A_487 = arith.xori %iota3A, %xor3A_486 : vector<16xi32>
    %broadcast_in_dim3A_488 = vector.shape_cast %xor3A_487 : vector<16xi32> to vector<16x1xi32>
    %gather3A_489 = vector.shape_cast %broadcast_in_dim3A_488 : vector<16x1xi32> to vector<16xi32>
    %gather3A_490 = tpu.dynamic_gather %add3A_484[%gather3A_489] in [0] : vector<16xf32>, vector<16xi32> -> vector<16xf32>
    %add3A_491 = arith.addf %add3A_484, %gather3A_490 : vector<16xf32>
    %xor3A_492 = arith.constant 2 : i32
    %xor3A_493 = vector.broadcast %xor3A_492 : i32 to vector<16xi32>
    %xor3A_494 = arith.xori %iota3A, %xor3A_493 : vector<16xi32>
    %broadcast_in_dim3A_495 = vector.shape_cast %xor3A_494 : vector<16xi32> to vector<16x1xi32>
    %gather3A_496 = vector.shape_cast %broadcast_in_dim3A_495 : vector<16x1xi32> to vector<16xi32>
    %gather3A_497 = tpu.dynamic_gather %add3A_491[%gather3A_496] in [0] : vector<16xf32>, vector<16xi32> -> vector<16xf32>
    %add3A_498 = arith.addf %add3A_491, %gather3A_497 : vector<16xf32>
    %xor3A_499 = arith.constant 1 : i32
    %xor3A_500 = vector.broadcast %xor3A_499 : i32 to vector<16xi32>
    %xor3A_501 = arith.xori %iota3A, %xor3A_500 : vector<16xi32>
    %broadcast_in_dim3A_502 = vector.shape_cast %xor3A_501 : vector<16xi32> to vector<16x1xi32>
    %gather3A_503 = vector.shape_cast %broadcast_in_dim3A_502 : vector<16x1xi32> to vector<16xi32>
    %gather3A_504 = tpu.dynamic_gather %add3A_498[%gather3A_503] in [0] : vector<16xf32>, vector<16xi32> -> vector<16xf32>
    %add3A_505 = arith.addf %add3A_498, %gather3A_504 : vector<16xf32>
    %swap3A_506 = arith.constant 0 : index
    %swap3A_507 = tpu.vector_load %arg13[%swap3A_506] {strides = array<i32>} : memref<16xf32, #tpu.memory_space<vmem>>, vector<16xf32>,
    %swap3A_508 = vector.shape_cast %swap3A_507 : vector<16xf32> to vector<16xf32>
    %swap3A_509 = vector.shape_cast %add3A_505 : vector<16xf32> to vector<16xf32>
    tpu.vector_store %arg13[%swap3A_506], %swap3A_509 {strides = array<i32>} : memref<16xf32, #tpu.memory_space<vmem>>, vector<16xf32>,
    %mul3A_510 = arith.constant 16 : i32
    %mul3A_511 = arith.muli %mul3A_2, %mul3A_510 : i32
    %dma_start3A_512 = tpu.memref_slice %arg6[%mul3A_511] : memref<2048xf32, #tpu.memory_space<hbm>> -> memref<64xf32, #tpu.memory_space<hbm>>
    %dma_start3A_513 = tpu.memref_slice %arg6[%mul3A_511] : memref<2048xf32, #tpu.memory_space<hbm>> -> memref<64xf32, #tpu.memory_space<hbm>>
    tpu.enqueue_dma source(%arg12 : memref<64xf32, #tpu.memory_space<vmem>>) target(%dma_start3A_513 : memref<64xf32, #tpu.memory_space<hbm>>) target_semaphore(%arg14 : memref<!tpu.dma_semaphore, #tpu.memory_space<semaphore_mem>>)
    %mul3A_514 = arith.constant 16 : i32
    %mul3A_515 = arith.muli %add3A, %mul3A_514 : i32
    %dma_start3A_516 = tpu.memref_slice %arg7[%mul3A_515] : memref<512xf32, #tpu.memory_space<hbm>> -> memref<16xf32, #tpu.memory_space<hbm>>
    %dma_start3A_517 = tpu.memref_slice %arg7[%mul3A_515] : memref<512xf32, #tpu.memory_space<hbm>> -> memref<16xf32, #tpu.memory_space<hbm>>
    tpu.enqueue_dma source(%arg13 : memref<16xf32, #tpu.memory_space<vmem>>) target(%dma_start3A_517 : memref<16xf32, #tpu.memory_space<hbm>>) target_semaphore(%arg14 : memref<!tpu.dma_semaphore, #tpu.memory_space<semaphore_mem>>)
    %dma_wait3A_518 = arith.constant 0 : i32
    %dma_wait3A_519 = tpu.memref_slice %arg8[%dma_wait3A_518] : memref<32768xf32, #tpu.memory_space<vmem>> -> memref<8192xf32, #tpu.memory_space<vmem>>
    %dma_wait3A_520 = arith.constant 0 : i32
    %dma_wait3A_521 = tpu.memref_slice %arg4[%add3A_218, %dma_wait3A_520] : memref<128x8192xf32, #tpu.memory_space<hbm>> -> memref<1x8192xf32, #tpu.memory_space<hbm>>
    %dma_wait3A_522 = tpu.memref_squeeze %dma_wait3A_521 : memref<1x8192xf32, #tpu.memory_space<hbm>> -> memref<8192xf32, #tpu.memory_space<hbm>>
    %dma_wait3A_523 = arith.constant 0 : i32
    %dma_wait3A_524 = tpu.memref_slice %arg4[%add3A_218, %dma_wait3A_523] : memref<128x8192xf32, #tpu.memory_space<hbm>> -> memref<1x8192xf32, #tpu.memory_space<hbm>>
    %dma_wait3A_525 = tpu.memref_squeeze %dma_wait3A_524 : memref<1x8192xf32, #tpu.memory_space<hbm>> -> memref<8192xf32, #tpu.memory_space<hbm>>
    %dma_wait3A_526 = arith.constant 0 : i32
    %dma_wait3A_527 = tpu.memref_slice %arg8[%dma_wait3A_526] : memref<32768xf32, #tpu.memory_space<vmem>> -> memref<8192xf32, #tpu.memory_space<vmem>>
    tpu.wait_dma2 semaphore(%arg14 : memref<!tpu.dma_semaphore, #tpu.memory_space<semaphore_mem>>) src(%dma_wait3A_527 : memref<8192xf32, #tpu.memory_space<vmem>>) dst(%dma_wait3A_525 : memref<8192xf32, #tpu.memory_space<hbm>>)
    %dma_wait3A_528 = arith.constant 0 : i32
    %dma_wait3A_529 = tpu.memref_slice %arg9[%dma_wait3A_528] : memref<32768xf32, #tpu.memory_space<vmem>> -> memref<8192xf32, #tpu.memory_space<vmem>>
    %dma_wait3A_530 = arith.constant 0 : i32
    %dma_wait3A_531 = tpu.memref_slice %arg5[%add3A_230, %dma_wait3A_530] : memref<128x8192xf32, #tpu.memory_space<hbm>> -> memref<1x8192xf32, #tpu.memory_space<hbm>>
    %dma_wait3A_532 = tpu.memref_squeeze %dma_wait3A_531 : memref<1x8192xf32, #tpu.memory_space<hbm>> -> memref<8192xf32, #tpu.memory_space<hbm>>
    %dma_wait3A_533 = arith.constant 0 : i32
    %dma_wait3A_534 = tpu.memref_slice %arg5[%add3A_230, %dma_wait3A_533] : memref<128x8192xf32, #tpu.memory_space<hbm>> -> memref<1x8192xf32, #tpu.memory_space<hbm>>
    %dma_wait3A_535 = tpu.memref_squeeze %dma_wait3A_534 : memref<1x8192xf32, #tpu.memory_space<hbm>> -> memref<8192xf32, #tpu.memory_space<hbm>>
    %dma_wait3A_536 = arith.constant 0 : i32
    %dma_wait3A_537 = tpu.memref_slice %arg9[%dma_wait3A_536] : memref<32768xf32, #tpu.memory_space<vmem>> -> memref<8192xf32, #tpu.memory_space<vmem>>
    tpu.wait_dma2 semaphore(%arg14 : memref<!tpu.dma_semaphore, #tpu.memory_space<semaphore_mem>>) src(%dma_wait3A_537 : memref<8192xf32, #tpu.memory_space<vmem>>) dst(%dma_wait3A_535 : memref<8192xf32, #tpu.memory_space<hbm>>)
    %dma_wait3A_538 = arith.constant 8192 : i32
    %dma_wait3A_539 = tpu.memref_slice %arg8[%dma_wait3A_538] : memref<32768xf32, #tpu.memory_space<vmem>> -> memref<8192xf32, #tpu.memory_space<vmem>>
    %dma_wait3A_540 = arith.constant 0 : i32
    %dma_wait3A_541 = tpu.memref_slice %arg4[%add3A_297, %dma_wait3A_540] : memref<128x8192xf32, #tpu.memory_space<hbm>> -> memref<1x8192xf32, #tpu.memory_space<hbm>>
    %dma_wait3A_542 = tpu.memref_squeeze %dma_wait3A_541 : memref<1x8192xf32, #tpu.memory_space<hbm>> -> memref<8192xf32, #tpu.memory_space<hbm>>
    %dma_wait3A_543 = arith.constant 0 : i32
    %dma_wait3A_544 = tpu.memref_slice %arg4[%add3A_297, %dma_wait3A_543] : memref<128x8192xf32, #tpu.memory_space<hbm>> -> memref<1x8192xf32, #tpu.memory_space<hbm>>
    %dma_wait3A_545 = tpu.memref_squeeze %dma_wait3A_544 : memref<1x8192xf32, #tpu.memory_space<hbm>> -> memref<8192xf32, #tpu.memory_space<hbm>>
    %dma_wait3A_546 = arith.constant 8192 : i32
    %dma_wait3A_547 = tpu.memref_slice %arg8[%dma_wait3A_546] : memref<32768xf32, #tpu.memory_space<vmem>> -> memref<8192xf32, #tpu.memory_space<vmem>>
    tpu.wait_dma2 semaphore(%arg14 : memref<!tpu.dma_semaphore, #tpu.memory_space<semaphore_mem>>) src(%dma_wait3A_547 : memref<8192xf32, #tpu.memory_space<vmem>>) dst(%dma_wait3A_545 : memref<8192xf32, #tpu.memory_space<hbm>>)
    %dma_wait3A_548 = arith.constant 8192 : i32
    %dma_wait3A_549 = tpu.memref_slice %arg9[%dma_wait3A_548] : memref<32768xf32, #tpu.memory_space<vmem>> -> memref<8192xf32, #tpu.memory_space<vmem>>
    %dma_wait3A_550 = arith.constant 0 : i32
    %dma_wait3A_551 = tpu.memref_slice %arg5[%add3A_309, %dma_wait3A_550] : memref<128x8192xf32, #tpu.memory_space<hbm>> -> memref<1x8192xf32, #tpu.memory_space<hbm>>
    %dma_wait3A_552 = tpu.memref_squeeze %dma_wait3A_551 : memref<1x8192xf32, #tpu.memory_space<hbm>> -> memref<8192xf32, #tpu.memory_space<hbm>>
    %dma_wait3A_553 = arith.constant 0 : i32
    %dma_wait3A_554 = tpu.memref_slice %arg5[%add3A_309, %dma_wait3A_553] : memref<128x8192xf32, #tpu.memory_space<hbm>> -> memref<1x8192xf32, #tpu.memory_space<hbm>>
    %dma_wait3A_555 = tpu.memref_squeeze %dma_wait3A_554 : memref<1x8192xf32, #tpu.memory_space<hbm>> -> memref<8192xf32, #tpu.memory_space<hbm>>
    %dma_wait3A_556 = arith.constant 8192 : i32
    %dma_wait3A_557 = tpu.memref_slice %arg9[%dma_wait3A_556] : memref<32768xf32, #tpu.memory_space<vmem>> -> memref<8192xf32, #tpu.memory_space<vmem>>
    tpu.wait_dma2 semaphore(%arg14 : memref<!tpu.dma_semaphore, #tpu.memory_space<semaphore_mem>>) src(%dma_wait3A_557 : memref<8192xf32, #tpu.memory_space<vmem>>) dst(%dma_wait3A_555 : memref<8192xf32, #tpu.memory_space<hbm>>)
    %dma_wait3A_558 = arith.constant 16384 : i32
    %dma_wait3A_559 = tpu.memref_slice %arg8[%dma_wait3A_558] : memref<32768xf32, #tpu.memory_space<vmem>> -> memref<8192xf32, #tpu.memory_space<vmem>>
    %dma_wait3A_560 = arith.constant 0 : i32
    %dma_wait3A_561 = tpu.memref_slice %arg4[%add3A_376, %dma_wait3A_560] : memref<128x8192xf32, #tpu.memory_space<hbm>> -> memref<1x8192xf32, #tpu.memory_space<hbm>>
    %dma_wait3A_562 = tpu.memref_squeeze %dma_wait3A_561 : memref<1x8192xf32, #tpu.memory_space<hbm>> -> memref<8192xf32, #tpu.memory_space<hbm>>
    %dma_wait3A_563 = arith.constant 0 : i32
    %dma_wait3A_564 = tpu.memref_slice %arg4[%add3A_376, %dma_wait3A_563] : memref<128x8192xf32, #tpu.memory_space<hbm>> -> memref<1x8192xf32, #tpu.memory_space<hbm>>
    %dma_wait3A_565 = tpu.memref_squeeze %dma_wait3A_564 : memref<1x8192xf32, #tpu.memory_space<hbm>> -> memref<8192xf32, #tpu.memory_space<hbm>>
    %dma_wait3A_566 = arith.constant 16384 : i32
    %dma_wait3A_567 = tpu.memref_slice %arg8[%dma_wait3A_566] : memref<32768xf32, #tpu.memory_space<vmem>> -> memref<8192xf32, #tpu.memory_space<vmem>>
    tpu.wait_dma2 semaphore(%arg14 : memref<!tpu.dma_semaphore, #tpu.memory_space<semaphore_mem>>) src(%dma_wait3A_567 : memref<8192xf32, #tpu.memory_space<vmem>>) dst(%dma_wait3A_565 : memref<8192xf32, #tpu.memory_space<hbm>>)
    %dma_wait3A_568 = arith.constant 16384 : i32
    %dma_wait3A_569 = tpu.memref_slice %arg9[%dma_wait3A_568] : memref<32768xf32, #tpu.memory_space<vmem>> -> memref<8192xf32, #tpu.memory_space<vmem>>
    %dma_wait3A_570 = arith.constant 0 : i32
    %dma_wait3A_571 = tpu.memref_slice %arg5[%add3A_388, %dma_wait3A_570] : memref<128x8192xf32, #tpu.memory_space<hbm>> -> memref<1x8192xf32, #tpu.memory_space<hbm>>
    %dma_wait3A_572 = tpu.memref_squeeze %dma_wait3A_571 : memref<1x8192xf32, #tpu.memory_space<hbm>> -> memref<8192xf32, #tpu.memory_space<hbm>>
    %dma_wait3A_573 = arith.constant 0 : i32
    %dma_wait3A_574 = tpu.memref_slice %arg5[%add3A_388, %dma_wait3A_573] : memref<128x8192xf32, #tpu.memory_space<hbm>> -> memref<1x8192xf32, #tpu.memory_space<hbm>>
    %dma_wait3A_575 = tpu.memref_squeeze %dma_wait3A_574 : memref<1x8192xf32, #tpu.memory_space<hbm>> -> memref<8192xf32, #tpu.memory_space<hbm>>
    %dma_wait3A_576 = arith.constant 16384 : i32
    %dma_wait3A_577 = tpu.memref_slice %arg9[%dma_wait3A_576] : memref<32768xf32, #tpu.memory_space<vmem>> -> memref<8192xf32, #tpu.memory_space<vmem>>
    tpu.wait_dma2 semaphore(%arg14 : memref<!tpu.dma_semaphore, #tpu.memory_space<semaphore_mem>>) src(%dma_wait3A_577 : memref<8192xf32, #tpu.memory_space<vmem>>) dst(%dma_wait3A_575 : memref<8192xf32, #tpu.memory_space<hbm>>)
    %dma_wait3A_578 = arith.constant 24576 : i32
    %dma_wait3A_579 = tpu.memref_slice %arg8[%dma_wait3A_578] : memref<32768xf32, #tpu.memory_space<vmem>> -> memref<8192xf32, #tpu.memory_space<vmem>>
    %dma_wait3A_580 = arith.constant 0 : i32
    %dma_wait3A_581 = tpu.memref_slice %arg4[%add3A_455, %dma_wait3A_580] : memref<128x8192xf32, #tpu.memory_space<hbm>> -> memref<1x8192xf32, #tpu.memory_space<hbm>>
    %dma_wait3A_582 = tpu.memref_squeeze %dma_wait3A_581 : memref<1x8192xf32, #tpu.memory_space<hbm>> -> memref<8192xf32, #tpu.memory_space<hbm>>
    %dma_wait3A_583 = arith.constant 0 : i32
    %dma_wait3A_584 = tpu.memref_slice %arg4[%add3A_455, %dma_wait3A_583] : memref<128x8192xf32, #tpu.memory_space<hbm>> -> memref<1x8192xf32, #tpu.memory_space<hbm>>
    %dma_wait3A_585 = tpu.memref_squeeze %dma_wait3A_584 : memref<1x8192xf32, #tpu.memory_space<hbm>> -> memref<8192xf32, #tpu.memory_space<hbm>>
    %dma_wait3A_586 = arith.constant 24576 : i32
    %dma_wait3A_587 = tpu.memref_slice %arg8[%dma_wait3A_586] : memref<32768xf32, #tpu.memory_space<vmem>> -> memref<8192xf32, #tpu.memory_space<vmem>>
    tpu.wait_dma2 semaphore(%arg14 : memref<!tpu.dma_semaphore, #tpu.memory_space<semaphore_mem>>) src(%dma_wait3A_587 : memref<8192xf32, #tpu.memory_space<vmem>>) dst(%dma_wait3A_585 : memref<8192xf32, #tpu.memory_space<hbm>>)
    %dma_wait3A_588 = arith.constant 24576 : i32
    %dma_wait3A_589 = tpu.memref_slice %arg9[%dma_wait3A_588] : memref<32768xf32, #tpu.memory_space<vmem>> -> memref<8192xf32, #tpu.memory_space<vmem>>
    %dma_wait3A_590 = arith.constant 0 : i32
    %dma_wait3A_591 = tpu.memref_slice %arg5[%add3A_467, %dma_wait3A_590] : memref<128x8192xf32, #tpu.memory_space<hbm>> -> memref<1x8192xf32, #tpu.memory_space<hbm>>
    %dma_wait3A_592 = tpu.memref_squeeze %dma_wait3A_591 : memref<1x8192xf32, #tpu.memory_space<hbm>> -> memref<8192xf32, #tpu.memory_space<hbm>>
    %dma_wait3A_593 = arith.constant 0 : i32
    %dma_wait3A_594 = tpu.memref_slice %arg5[%add3A_467, %dma_wait3A_593] : memref<128x8192xf32, #tpu.memory_space<hbm>> -> memref<1x8192xf32, #tpu.memory_space<hbm>>
    %dma_wait3A_595 = tpu.memref_squeeze %dma_wait3A_594 : memref<1x8192xf32, #tpu.memory_space<hbm>> -> memref<8192xf32, #tpu.memory_space<hbm>>
    %dma_wait3A_596 = arith.constant 24576 : i32
    %dma_wait3A_597 = tpu.memref_slice %arg9[%dma_wait3A_596] : memref<32768xf32, #tpu.memory_space<vmem>> -> memref<8192xf32, #tpu.memory_space<vmem>>
    tpu.wait_dma2 semaphore(%arg14 : memref<!tpu.dma_semaphore, #tpu.memory_space<semaphore_mem>>) src(%dma_wait3A_597 : memref<8192xf32, #tpu.memory_space<vmem>>) dst(%dma_wait3A_595 : memref<8192xf32, #tpu.memory_space<hbm>>)
    %dma_wait3A_598 = tpu.memref_slice %arg6[%mul3A_511] : memref<2048xf32, #tpu.memory_space<hbm>> -> memref<64xf32, #tpu.memory_space<hbm>>
    %dma_wait3A_599 = tpu.memref_slice %arg6[%mul3A_511] : memref<2048xf32, #tpu.memory_space<hbm>> -> memref<64xf32, #tpu.memory_space<hbm>>
    tpu.wait_dma2 semaphore(%arg14 : memref<!tpu.dma_semaphore, #tpu.memory_space<semaphore_mem>>) src(%arg12 : memref<64xf32, #tpu.memory_space<vmem>>) dst(%dma_wait3A_599 : memref<64xf32, #tpu.memory_space<hbm>>)
    %dma_wait3A_600 = tpu.memref_slice %arg7[%mul3A_515] : memref<512xf32, #tpu.memory_space<hbm>> -> memref<16xf32, #tpu.memory_space<hbm>>
    %dma_wait3A_601 = tpu.memref_slice %arg7[%mul3A_515] : memref<512xf32, #tpu.memory_space<hbm>> -> memref<16xf32, #tpu.memory_space<hbm>>
    tpu.wait_dma2 semaphore(%arg14 : memref<!tpu.dma_semaphore, #tpu.memory_space<semaphore_mem>>) src(%arg13 : memref<16xf32, #tpu.memory_space<vmem>>) dst(%dma_wait3A_601 : memref<16xf32, #tpu.memory_space<hbm>>)
    return
  }
}

module attributes {stable_mosaic.version = 14 : i64} {
  func.func @_head_kernel(%arg0: i32, %arg1: memref<128x1024xf32, #tpu.memory_space<vmem>>, %arg2: memref<1024x2048xf32, #tpu.memory_space<vmem>>, %arg3: memref<1x2048xf32, #tpu.memory_space<vmem>>, %arg4: memref<2048x1xf32, #tpu.memory_space<vmem>>, %arg5: memref<1x1xf32, #tpu.memory_space<vmem>>, %arg6: memref<128x1xf32, #tpu.memory_space<vmem>>, %arg7: memref<128x16xf32, #tpu.memory_space<vmem>>, %arg8: memref<128x2048xf32, #tpu.memory_space<vmem>>) attributes {dimension_semantics = [#tpu.dimension_semantics<arbitrary>], iteration_bounds = array<i64: 8>, scalar_prefetch = 0 : i64, scratch_operands = 1 : i64, tpu.core_type = #tpu.core_type<tc>, window_params = [{transform_indices = @transform_0, window_bounds = array<i64: 128, 1024>}, {transform_indices = @transform_1, window_bounds = array<i64: 1024, 2048>}, {pipeline_mode = #tpu.pipeline_mode<synchronous>, transform_indices = @transform_2, window_bounds = array<i64: 1, 2048>}, {pipeline_mode = #tpu.pipeline_mode<synchronous>, transform_indices = @transform_3, window_bounds = array<i64: 2048, 1>}, {pipeline_mode = #tpu.pipeline_mode<synchronous>, transform_indices = @transform_4, window_bounds = array<i64: 1, 1>}, {pipeline_mode = #tpu.pipeline_mode<synchronous>, transform_indices = @transform_5, window_bounds = array<i64: 128, 1>}, {pipeline_mode = #tpu.pipeline_mode<synchronous>, transform_indices = @transform_6, window_bounds = array<i64: 128, 16>}]} {
    %eq3A = arith.constant 0 : i32
    %eq3A_0 = arith.cmpi eq, %arg0, %eq3A : i32
    %convert_element_type3A = arith.extui %eq3A_0 : i1 to i32
    %cond3A = arith.constant 0 : i32
    %cond3A_1 = arith.cmpi ne, %convert_element_type3A, %cond3A : i32
    scf.if %cond3A_1 {
      %broadcast_in_dim3A = arith.constant 0.000000e+00 : f32
      %broadcast_in_dim3A_18 = vector.broadcast %broadcast_in_dim3A : f32 to vector<128x2048xf32>
      %swap3A_19 = arith.constant 0 : index
      %swap3A_20 = arith.constant 0 : index
      %swap3A_21 = vector.load %arg8[%swap3A_19, %swap3A_20] : memref<128x2048xf32, #tpu.memory_space<vmem>>, vector<128x2048xf32>
      tpu.vector_store %arg8[%swap3A_19, %swap3A_20], %broadcast_in_dim3A_18 {strides = array<i32>} : memref<128x2048xf32, #tpu.memory_space<vmem>>, vector<128x2048xf32>,
    } else {
    }
    %get3A = arith.constant 0 : index
    %get3A_2 = arith.constant 0 : index
    %get3A_3 = vector.load %arg8[%get3A, %get3A_2] : memref<128x2048xf32, #tpu.memory_space<vmem>>, vector<128x2048xf32>
    %get3A_4 = arith.constant 0 : index
    %get3A_5 = arith.constant 0 : index
    %get3A_6 = vector.load %arg1[%get3A_4, %get3A_5] : memref<128x1024xf32, #tpu.memory_space<vmem>>, vector<128x1024xf32>
    %get3A_7 = arith.constant 0 : index
    %get3A_8 = arith.constant 0 : index
    %get3A_9 = vector.load %arg2[%get3A_7, %get3A_8] : memref<1024x2048xf32, #tpu.memory_space<vmem>>, vector<1024x2048xf32>
    %dot_general3A = arith.constant dense<0.000000e+00> : vector<128x2048xf32>
    %dot_general3A_10 = tpu.matmul %get3A_6, %get3A_9, %dot_general3A {dimension_numbers = #tpu.dot_dimension_numbers<[1], [0], [0], [1], [0, 0, 1, 1], [], []>, transpose_lhs_hint = false} : vector<128x1024xf32>, vector<1024x2048xf32>, vector<128x2048xf32> -> vector<128x2048xf32>
    %add3A = arith.addf %get3A_3, %dot_general3A_10 : vector<128x2048xf32>
    %swap3A = arith.constant 0 : index
    %swap3A_11 = arith.constant 0 : index
    %swap3A_12 = vector.load %arg8[%swap3A, %swap3A_11] : memref<128x2048xf32, #tpu.memory_space<vmem>>, vector<128x2048xf32>
    tpu.vector_store %arg8[%swap3A, %swap3A_11], %add3A {strides = array<i32>} : memref<128x2048xf32, #tpu.memory_space<vmem>>, vector<128x2048xf32>,
    %eq3A_13 = arith.constant 7 : i32
    %eq3A_14 = arith.cmpi eq, %arg0, %eq3A_13 : i32
    %convert_element_type3A_15 = arith.extui %eq3A_14 : i1 to i32
    %cond3A_16 = arith.constant 0 : i32
    %cond3A_17 = arith.cmpi ne, %convert_element_type3A_15, %cond3A_16 : i32
    scf.if %cond3A_17 {
      %get3A_18 = arith.constant 0 : index
      %get3A_19 = arith.constant 0 : index
      %get3A_20 = vector.load %arg8[%get3A_18, %get3A_19] : memref<128x2048xf32, #tpu.memory_space<vmem>>, vector<128x2048xf32>
      %get3A_21 = arith.constant 0 : index
      %get3A_22 = arith.constant 0 : index
      %get3A_23 = vector.load %arg3[%get3A_21, %get3A_22] : memref<1x2048xf32, #tpu.memory_space<vmem>>, vector<1x2048xf32>
      %add3A_24 = vector.broadcast %get3A_23 : vector<1x2048xf32> to vector<128x2048xf32>
      %add3A_25 = arith.addf %get3A_20, %add3A_24 : vector<128x2048xf32>
      %max3A = arith.constant 0.000000e+00 : f32
      %max3A_26 = vector.broadcast %max3A : f32 to vector<128x2048xf32>
      %max3A_27 = arith.maximumf %add3A_25, %max3A_26 : vector<128x2048xf32>
      %get3A_28 = arith.constant 0 : index
      %get3A_29 = arith.constant 0 : index
      %get3A_30 = vector.load %arg4[%get3A_28, %get3A_29] : memref<2048x1xf32, #tpu.memory_space<vmem>>, vector<2048x1xf32>
      %dot_general3A_31 = arith.constant dense<0.000000e+00> : vector<128x1xf32>
      %dot_general3A_32 = tpu.matmul %max3A_27, %get3A_30, %dot_general3A_31 {dimension_numbers = #tpu.dot_dimension_numbers<[1], [0], [0], [1], [0, 0, 1, 1], [], []>, transpose_lhs_hint = false} : vector<128x2048xf32>, vector<2048x1xf32>, vector<128x1xf32> -> vector<128x1xf32>
      %get3A_33 = arith.constant 0 : index
      %get3A_34 = arith.constant 0 : index
      %get3A_35 = vector.load %arg5[%get3A_33, %get3A_34] : memref<1x1xf32, #tpu.memory_space<vmem>>, vector<1x1xf32>
      %add3A_36 = vector.broadcast %get3A_35 : vector<1x1xf32> to vector<128x1xf32>
      %add3A_37 = arith.addf %dot_general3A_32, %add3A_36 : vector<128x1xf32>
      %logistic3A = arith.negf %add3A_37 : vector<128x1xf32>
      %logistic3A_38 = math.exp %logistic3A : vector<128x1xf32>
      %logistic3A_39 = arith.constant 1.000000e+00 : f32
      %logistic3A_40 = vector.broadcast %logistic3A_39 : f32 to vector<128x1xf32>
      %logistic3A_41 = arith.addf %logistic3A_40, %logistic3A_38 : vector<128x1xf32>
      %logistic3A_42 = arith.divf %logistic3A_40, %logistic3A_41 : vector<128x1xf32>
      %mul3A = arith.constant 2.500000e-01 : f32
      %mul3A_43 = vector.broadcast %mul3A : f32 to vector<128x1xf32>
      %mul3A_44 = arith.mulf %mul3A_43, %logistic3A_42 : vector<128x1xf32>
      %add3A_45 = arith.constant 5.000000e-02 : f32
      %add3A_46 = vector.broadcast %add3A_45 : f32 to vector<128x1xf32>
      %add3A_47 = arith.addf %add3A_46, %mul3A_44 : vector<128x1xf32>
      %sub3A = arith.constant 1.000000e+00 : f32
      %sub3A_48 = vector.broadcast %sub3A : f32 to vector<128x1xf32>
      %sub3A_49 = arith.subf %sub3A_48, %add3A_47 : vector<128x1xf32>
      %mul3A_50 = arith.constant 8.192000e+03 : f32
      %mul3A_51 = vector.broadcast %mul3A_50 : f32 to vector<128x1xf32>
      %mul3A_52 = arith.mulf %mul3A_51, %sub3A_49 : vector<128x1xf32>
      %round3A = math.roundeven %mul3A_52 : vector<128x1xf32>
      %jit3A = arith.constant 1.000000e+00 : f32
      %jit3A_53 = arith.constant 8.192000e+03 : f32
      %max3A_54 = vector.broadcast %jit3A : f32 to vector<128x1xf32>
      %max3A_55 = arith.maximumf %max3A_54, %round3A : vector<128x1xf32>
      %min3A = vector.broadcast %jit3A_53 : f32 to vector<128x1xf32>
      %min3A_56 = arith.minimumf %min3A, %max3A_55 : vector<128x1xf32>
      %swap3A_57 = arith.constant 0 : index
      %swap3A_58 = arith.constant 0 : index
      %swap3A_59 = vector.load %arg6[%swap3A_57, %swap3A_58] : memref<128x1xf32, #tpu.memory_space<vmem>>, vector<128x1xf32>
      tpu.vector_store %arg6[%swap3A_57, %swap3A_58], %add3A_47 {strides = array<i32>} : memref<128x1xf32, #tpu.memory_space<vmem>>, vector<128x1xf32>,
      %broadcast_in_dim3A = vector.shape_cast %min3A_56 : vector<128x1xf32> to vector<128x1xf32>
      %broadcast_in_dim3A_60 = vector.broadcast %broadcast_in_dim3A : vector<128x1xf32> to vector<128x16xf32>
      %swap3A_61 = arith.constant 0 : index
      %swap3A_62 = arith.constant 0 : index
      %swap3A_63 = vector.load %arg7[%swap3A_61, %swap3A_62] : memref<128x16xf32, #tpu.memory_space<vmem>>, vector<128x16xf32>
      tpu.vector_store %arg7[%swap3A_61, %swap3A_62], %broadcast_in_dim3A_60 {strides = array<i32>} : memref<128x16xf32, #tpu.memory_space<vmem>>, vector<128x16xf32>,
    } else {
    }
    return
  }
  func.func @transform_0(%arg0: i32) -> (i32, i32) {
    %c0_i32 = arith.constant 0 : i32
    %c0_i32_0 = arith.constant 0 : i32
    return %c0_i32, %arg0 : i32, i32
  }
  func.func @transform_1(%arg0: i32) -> (i32, i32) {
    %c0_i32 = arith.constant 0 : i32
    %c0_i32_0 = arith.constant 0 : i32
    return %arg0, %c0_i32 : i32, i32
  }
  func.func @transform_2(%arg0: i32) -> (i32, i32) {
    %c0_i32 = arith.constant 0 : i32
    %c0_i32_0 = arith.constant 0 : i32
    %c0_i32_1 = arith.constant 0 : i32
    return %c0_i32, %c0_i32_0 : i32, i32
  }
  func.func @transform_3(%arg0: i32) -> (i32, i32) {
    %c0_i32 = arith.constant 0 : i32
    %c0_i32_0 = arith.constant 0 : i32
    %c0_i32_1 = arith.constant 0 : i32
    return %c0_i32, %c0_i32_0 : i32, i32
  }
  func.func @transform_4(%arg0: i32) -> (i32, i32) {
    %c0_i32 = arith.constant 0 : i32
    %c0_i32_0 = arith.constant 0 : i32
    %c0_i32_1 = arith.constant 0 : i32
    return %c0_i32, %c0_i32_0 : i32, i32
  }
  func.func @transform_5(%arg0: i32) -> (i32, i32) {
    %c0_i32 = arith.constant 0 : i32
    %c0_i32_0 = arith.constant 0 : i32
    %c0_i32_1 = arith.constant 0 : i32
    return %c0_i32, %c0_i32_0 : i32, i32
  }
  func.func @transform_6(%arg0: i32) -> (i32, i32) {
    %c0_i32 = arith.constant 0 : i32
    %c0_i32_0 = arith.constant 0 : i32
    %c0_i32_1 = arith.constant 0 : i32
    return %c0_i32, %c0_i32_0 : i32, i32
  }
}

</mosaic_0001>

<sc_bundles>
// kernel: kernel.4.cloned.1.call-start
scs
__scs_entry_jumppad:
0x0: {  	(pc) =	sbr.rel $0x88, $3  }
0x1: {  	(tag) =	ssettag $0x0;
	lr =	simm.s32 $0x1  }
0x2: {  	[smem:$0x3F9C] =	sst lr;
	_ =	strace $0xD0000000  }
0x3: {  	_ = 	snop  }
0x4: {  	_ = 	snop  }
0x5: {  	_ = 	snop  }
0x6: {  	_ = 	snop  }
0x7: {  	_ = 	snop  }
__scs_overlays_trampoline_lowered:
0x8: {  	[smem:$0x3FAB] =	sst s0  }
0x9: {  	[smem:$0x3FAC] =	sst s1  }
0xa: {  	[smem:$0x3FAD] =	sst s2  }
0xb: {  	[smem:$0x3FAE] =	sst s3  }
0xc: {  	[smem:$0x3FAF] =	sst s4  }
0xd: {  	[smem:$0x3FB0] =	sst s5  }
0xe: {  	[smem:$0x3FB1] =	sst s6  }
0xf: {  	[smem:$0x3FB2] =	sst s7  }
0x10: {  	[smem:$0x3FB3] =	sst s8  }
0x11: {  	[smem:$0x3FB4] =	sst s9;
	s0 =	simm.s32 @!p0 $0x0  }
0x12: {  	s1 =	sld [smem:$0x3F9A];
	s0 =	simm.s32 @p0 $0x1  }
0x13: {  	[smem:$0x3FB5] =	sst s0;
	s0 =	simm.s32 @!p1 $0x0  }
0x14: {  	s2 =	sld [smem:$0x3F99];
	s0 =	simm.s32 @p1 $0x1  }
0x15: {  	[smem:$0x3FB6] =	sst s0;
	s0 =	simm.s32 @!p2 $0x0  }
0x16: {  	s3 =	sld [smem:$0x3FDB];
	s0 =	simm.s32 @p2 $0x1  }
0x17: {  	s4 =	simm.s32 $0x1BF5;
	[smem:$0x3FB8] =	sst s0  }
0x18: {  	s0 =	sld [smem:$0x3F9B];
	_ =	swait.ge [sflag:s4], $0x0  }
0x19: {  	s7 =	sld [smem:$0x3F9C]  }
0x1a: {  	s8 =	sadd.s32 $0xFFFFE003, lr  }
0x1b: {  	s9 =	sadd.s32 $0xFFFFFEF7, lr;
	s5 =	simm.s32 $0xFFFFFFFF;
	p2 =	slt.u32 s8, $0xFFFFF086  }
0x1c: {  	p1 =	slt.u32 s9, $0xF7A;
	s5 =	simm.s32 @!p2 $0x0  }
0x1d: {  	s5 =	simm.s32 @p1 $0x1;
	p0 =	seq.s32 s7, s2  }
0x1e: {  	s7 =	smul.u32 @!p0 $0xF7A, s2;
	p2 =	seq.s32 @!p0 s5, $0x0  }
0x1f: {  	s9 =	smul.u32 $0xF7A, s1;
	s8 =	simm.s32 @!p0 $0x1BF5;
	p2 =	por !p2, p0  }
0x20: {  	[sflag:s8] =	ssyncset.s32 @!p0 $0xFFFFF086;
	s6 =	sadd.s32 @!p0 s3, s7;
	s7 =	simm.s32 @!p0 $0x108  }
0x21: {  	s3 =	sadd.s32 s3, s9;
	s6 =	sadd.s32 @!p0 $0x88, s6;
	s7 =	simm.s32 @p2 $0x1082  }
0x22: {  	[simem:s7], [sflag:s8] =	dma.local @!p0 [hbm:s6], $0xF7A  }
0x23: {  	s9 =	sor.u32 $0xD0000000, s2;
	s6 =	simm.s32 $0x108;
	_ =	swait.ge @!p0 [sflag:s8], $0x0  }
0x24: {  	s3 =	sadd.s32 $0x88, s3;
	s6 =	simm.s32 @!p1 $0x1082;
	[sflag:s4] =	ssyncset.s32 $0xFFFFF086  }
0x25: {  	[simem:s6], [sflag:s4] =	dma.local [hbm:s3], $0xF7A  }
0x26: {  	[smem:$0x3F9C] =	sst s1;
	(tag) =	ssettag s2;
	_ =	strace s9  }
0x27: {  	s1 =	sld [smem:$0x3FAC]  }
0x28: {  	s2 =	sld [smem:$0x3FAD]  }
0x29: {  	s4 =	sld [smem:$0x3FAF]  }
0x2a: {  	p0 =	seq.s32 s5, $0x0;
	s5 =	sld [smem:$0x3FB0]  }
0x2b: {  	s6 =	sld [smem:$0x3FB1]  }
0x2c: {  	s7 =	sld [smem:$0x3FB2]  }
0x2d: {  	s3 =	simm.s32 $0x108;
	s8 =	sld [smem:$0x3FB3]  }
0x2e: {  	s3 =	simm.s32 @!p0 $0x1082;
	s9 =	sld [smem:$0x3FB4]  }
0x2f: {  	lr =	sadd.s32 s0, s3;
	s0 =	sld [smem:$0x3FAB]  }
0x30: {  	s3 =	sld [smem:$0x3FAE]  }
0x31: {  	[smem:$0x3FB7] =	sst s10  }
0x32: {  	s10 =	sld [smem:$0x3FB5];
	_ =	sdelay $0x3  }
0x33: {  	p0 =	seq.s32 s10, $0x1;
	s10 =	sld [smem:$0x3FB7];
	_ =	sdelay $0x3  }
0x34: {  	[smem:$0x3FB7] =	sst s10  }
0x35: {  	s10 =	sld [smem:$0x3FB6];
	_ =	sdelay $0x3  }
0x36: {  	p1 =	seq.s32 s10, $0x1;
	s10 =	sld [smem:$0x3FB7];
	_ =	sdelay $0x3  }
0x37: {  	[smem:$0x3FB7] =	sst s10  }
0x38: {  	s10 =	sld [smem:$0x3FB8]  }
0x39: {  	_ = 	snop;
	(pc) =	sbr.ind lr, $3  }
0x3a: {  	_ = 	snop  }
0x3b: {  	_ = 	snop  }
0x3c: {  	p2 =	seq.s32 s10, $0x1;
	s10 =	sld [smem:$0x3FB7]  }
0x3d: {  	_ =	shalt  }
0x3e: {  	_ =	shalt  }
0x3f: {  	_ =	shalt  }
0x40: {  	_ =	shalt  }
0x41: {  	_ =	shalt  }
0x42: {  	_ =	shalt  }
0x43: {  	_ =	shalt  }
0x44: {  	_ =	shalt  }
0x45: {  	_ =	shalt  }
0x46: {  	_ =	shalt  }
0x47: {  	_ =	shalt  }
0x48: {  	_ =	shalt  }
0x49: {  	_ =	shalt  }
0x4a: {  	_ =	shalt  }
0x4b: {  	_ =	shalt  }
0x4c: {  	_ =	shalt  }
0x4d: {  	_ =	shalt  }
0x4e: {  	_ =	shalt  }
0x4f: {  	_ =	shalt  }
0x50: {  	_ =	shalt  }
0x51: {  	_ =	shalt  }
0x52: {  	_ =	shalt  }
0x53: {  	_ =	shalt  }
0x54: {  	_ =	shalt  }
0x55: {  	_ =	shalt  }
0x56: {  	_ =	shalt  }
0x57: {  	_ =	shalt  }
0x58: {  	_ =	shalt  }
0x59: {  	_ =	shalt  }
0x5a: {  	_ =	shalt  }
0x5b: {  	_ =	shalt  }
0x5c: {  	_ =	shalt  }
0x5d: {  	_ =	shalt  }
0x5e: {  	_ =	shalt  }
0x5f: {  	_ =	shalt  }
0x60: {  	_ =	shalt  }
0x61: {  	_ =	shalt  }
0x62: {  	_ =	shalt  }
0x63: {  	_ =	shalt  }
0x64: {  	_ =	shalt  }
0x65: {  	_ =	shalt  }
0x66: {  	_ =	shalt  }
0x67: {  	_ =	shalt  }
0x68: {  	_ =	shalt  }
0x69: {  	_ =	shalt  }
0x6a: {  	_ =	shalt  }
0x6b: {  	_ =	shalt  }
0x6c: {  	_ =	shalt  }
0x6d: {  	_ =	shalt  }
0x6e: {  	_ =	shalt  }
0x6f: {  	_ =	shalt  }
0x70: {  	_ =	shalt  }
0x71: {  	_ =	shalt  }
0x72: {  	_ =	shalt  }
0x73: {  	_ =	shalt  }
0x74: {  	_ =	shalt  }
0x75: {  	_ =	shalt  }
0x76: {  	_ =	shalt  }
0x77: {  	_ =	shalt  }
0x78: {  	_ =	shalt  }
0x79: {  	_ =	shalt  }
0x7a: {  	_ =	shalt  }
0x7b: {  	_ =	shalt  }
0x7c: {  	_ =	shalt  }
0x7d: {  	_ =	shalt  }
0x7e: {  	_ =	shalt  }
0x7f: {  	_ =	shalt  }
0x80: {  	_ =	shalt  }
0x81: {  	_ =	shalt  }
0x82: {  	_ =	shalt  }
0x83: {  	_ =	shalt  }
0x84: {  	_ =	shalt  }
0x85: {  	_ =	shalt  }
0x86: {  	_ =	shalt  }
0x87: {  	_ =	shalt  }
.Lfunc_end0:
.L_simem_size_0:
called_computation_lowered:
.L_overlay_start_0:
0x88: {  	s2 =	sld [smem:$0x3FD9]  }
0x89: {  	s3 =	sld [smem:$0x3FFE];
	_ =	sdelay $0x1  }
0x8a: {  	s1 =	srdreg.scid  }
0x8b: {  	s0 =	sand.u32 $0x1, s1  }
0x8c: {  	s14 =	sshll.u32 s0, $0xA;
	s2 =	sadd.s32 s3, s2  }
0x8d: {  	s2 =	sadd.s32 s2, s14  }
0x8e: {  	[smem:$0x3FC3] =	sst s2  }
0x8f: {  	_ = 	snop  }
0x90: {  	s2 =	sld [smem:$0x3FD0];
	_ =	sdelay $0x2  }
0x91: {  	s4 =	simm.s32 $0xA;
	s5 =	simm.s32 $0x10;
	s15 =	sld [smem:$0x3FC9]  }
0x92: {  	[smem:s5], [sflag:s4] =	dma.local [hbm:s2], $0x1  }
0x93: {  	_ =	swait.eq [sflag:s4], $0x1  }
0x94: {  	[sflag:s4] =	ssyncset.done $0x0  }
0x95: {  	s16 =	sld [smem:$0x10];
	[sflag:s4] =	ssyncadd.s32 $0xFFFFFFFF  }
0x96: {  	s17 =	sld [smem:$0x11];
	(tm) =	ssettm $0x1  }
0x97: {  	s18 =	sld [smem:$0x3FFB];
	_ =	sdelay $0x3  }
0x98: {  	_ =	strace s18  }
0x99: {  	s5 =	sld [smem:$0x3FFC];
	_ =	sdelay $0x3  }
0x9a: {  	_ =	strace s5  }
0x9b: {  	s5 =	sld [smem:$0x3FFD];
	_ =	sdelay $0x3  }
0x9c: {  	_ =	strace s5  }
0x9d: {  	_ =	strace $0x8FFFFFFF  }
0x9e: {  	s19 =	sld [smem:$0x3FDB];
	_ =	sdelay $0x1  }
0x9f: {  	s6 =	simm.s32 $_scs_section_size  }
0xa0: {  	s7 =	simm.s32 $_size__tile_overlayer_lowered;
	s8 =	simm.s32 $_tile_overlayer_lowered  }
0xa1: {  	s22 =	simm.s32 $0x1BFF;
	s21 =	sshll.u32 s8, $0x1;
	s5 =	sadd.s32 s6, s19  }
0xa2: {  	s9 =	simm.s32 $0x0;
	s20 =	sshll.u32 s7, $0x1;
	s7 =	sadd.s32 s21, s5  }
0xa3: {  	[timem:s9], [sflag:s22] =	dma.local [hbm:s7], s20  }
0xa4: {  	_ =	swait.ge [sflag:s22], s20  }
0xa5: {  	s6 =	ssub.s32 $0x0, s20;
	[sflag:s22] =	ssyncset.done $0x0  }
0xa6: {  	[sflag:s22] =	ssyncadd.s32 s6;
	_ =	sdelay $0x1  }
0xa7: {  	s23 =	simm.s32 $0x1B8B  }
0xa8: {  	_ =	swait.ge [sflag:s23], $0x1  }
0xa9: {  	[sflag:s23] =	ssyncset.done $0x0  }
0xaa: {  	s25 =	simm.s32 $0x1B8E;
	s24 =	sld [smem:$0x3FFE];
	[sflag:s23] =	ssyncadd.s32 $0xFFFFFFFF  }
0xab: {  	s26 =	simm.s32 $execute0_lowered;
	[smem:$0x3FD2] =	sst s25  }
0xac: {  	s7 =	sshll.u32 s26, $0x1;
	_ =	strace $0x80000046;
	[dreg:$0x1] =	wrdreg $0xFFFFFFFF  }
0xad: {  	s28 =	simm.s32 $_size_execute0_lowered;
	s5 =	sadd.s32 s5, s7;
	[dreg:$0x0] =	wrdreg $0x0  }
0xae: {  	s7 =	sshll.u32 s28, $0x1;
	[dreg:$0x2] =	wrdreg s5  }
0xaf: {  	[dreg:$0x3] =	wrdreg s7  }
0xb0: {  	[dreg:$0x4] =	wrdreg $0xC0  }
0xb1: {  	_ =	task [dreg:s9], $0x5FFFF  }
0xb2: {  	[dreg:$0x1] =	wrdreg $0xFFFFFFFF  }
0xb3: {  	[dreg:$0x0] =	wrdreg $0x60  }
0xb4: {  	[dreg:$0x2] =	wrdreg s15  }
0xb5: {  	[dreg:$0x3] =	wrdreg s24  }
0xb6: {  	[dreg:$0x4] =	wrdreg s16  }
0xb7: {  	[dreg:$0x5] =	wrdreg s17  }
0xb8: {  	[dreg:$0x6] =	wrdreg $0x9  }
0xb9: {  	_ =	task.clear_ibuf [dreg:s9], $0x7FFFF;
	_ =	strace $0x90000046  }
0xba: {  	s29 =	simm.s32 $0x9;
	_ =	strace $0x80000048  }
0xbb: {  	_ =	swait.ge [sflag:s29], $0x1  }
0xbc: {  	[sflag:s29] =	ssyncadd.s32 $0xFFFFFFFF  }
0xbd: {  	_ =	strace $0x90000048  }
0xbe: {  	_ =	sfence  }
0xbf: {  	s30 =	sld [smem:$0x0];
	_ =	sdelay $0x2  }
0xc0: {  	s31 =	sshll.u32 s1, $0xD;
	s1 =	sshrl.u32 s1, $0x2  }
0xc1: {  	s3 =	sand.u32 $0x4000, s31;
	s1 =	sadd.s32 s1, s30  }
0xc2: {  	s0 =	sor.u32 s3, s0;
	s1 =	sshll.u32 s1, $0x11  }
0xc3: {  	s0 =	sor.u32 s1, s0  }
0xc4: {  	s0 =	sadd.s32 $0x8F2B, s0  }
0xc5: {  	[sflag:s0] =	ssyncadd.remote.s32 $0x1  }
0xc6: {  	_ =	sfence.sel $0xFFFF  }
0xc7: {  	[dreg:$0x0] =	wrdreg $0xFFFFFFFF;
	(pc) =	sbr.abs _section_cstart, $3  }
0xc8: {  	[dreg:$0x1] =	wrdreg $0xFFFFFFFF  }
0xc9: {  	_ =	task.clear_ibuf [dreg:s9], $0x2FFFF;
	_ =	strace $0x9FFFFFFF  }
0xca: {  	(tm) =	ssettm $0x7FFFFFFF  }
0xcb: {  	_ =	shalt  }
tec
execute0_lowered:
.L_overlay_start_1:
0x0: {  	(tag) =	ssettag $0x1  }
0x1: {  	s9 =	rddreg [dreg:$0x0]  }
0x2: {  	s3 =	rddreg [dreg:$0x1]  }
0x3: {  	s1 =	rddreg [dreg:$0x2]  }
0x4: {  	s0 =	rddreg [dreg:$0x3];
	s4 =	srdreg.scid  }
0x5: {  	s8 =	stileid.u32;
	s2 =	simm.s32 $0x0;
	s28 =	simm.s32 $0x4000  }
0x6: {  	s30 =	simm.s32 $0x6000;
	s29 =	simm.s32 $0x0;
	s4 =	sand.u32 $0x1, s4  }
0x7: {  	s5 =	sshll.u32 s8, $0x1;
	[smem:$0x7FF] =	sst s2;
	s10 =	sadd.s32 $0x400, s3  }
0x8: {  	s8 =	sshll.u32 s8, $0x10;
	s5 =	sor.u32 s4, s5;
	_ =	strace $0x80000047  }
0x9: {  	s17 =	sshll.u32 s4, $0x9;
	s4 =	ssub.s32 $0x2, s4;
	s6 =	sshll.u32 s5, $0x3  }
0xa: {  	s7 =	sshll.u32 s5, $0x1;
	s16 =	sshll.u32 s5, $0x2;
	s12 =	sshrl.u32 s4, $0x1  }
0xb: {  	s15 =	sadd.s32 s6, s3;
	s19 =	sadd.s32 s7, s3;
	s3 =	sor.u32 s17, s8  }
0xc: {  	s11 =	sor.u32 $0x1, s16;
	s21 =	ssub.s32 s4, s12;
	s4 =	sadd.s32 s10, s6  }
0xd: {  	s22 =	sor.u32 $0x2, s16;
	s16 =	sshllo.u32 s5, $0x2;
	s13 =	sshrl.u32 s3, $0x3  }
0xe: {  	s14 =	sshll.u32 s11, $0x7;
	s24 =	sshll.u32 s22, $0x7;
	s25 =	sshll.u32 s16, $0x7  }
0xf: {  	v0 =	vimm.s32 $0xFEDCBA98;
	v1 =	vimm.s32 $0x76543210;
	s11 =	sshll.u32 s11, $0x1;
	s26 =	sshll.u32 s22, $0x1;
	s31 =	sshll.u32 s16, $0x1  }
0x10: {  	v2 =	vimm.s32 $0xBA98FEDC;
	v3 =	vimm.s32 $0x32107654;
	s15 =	sadd.s32 $0x800, s15;
	s19 =	sadd.s32 $0x600, s19;
	s3 =	sadd.s32 s9, s13  }
0x11: {  	v4 =	vimm.s32 $0xDCFE98BA;
	s18 =	sand.u32 $0x280, s14;
	s6 =	sand.u32 $0x300, s24;
	s7 =	sand.u32 $0x380, s25  }
0x12: {  	v5 =	vimm.s32 $0x54761032;
	v6 =	vimm.s32 $0xEFCDAB89;
	s12 =	sadd.s32 s0, s13;
	s24 =	simm.s32 $0x80;
	s25 =	simm.s32 $0x2000  }
0x13: {  	v7 =	vimm.s32 $0x67452301;
	v0 =	vunpack.c.l.s4.s8 v0;
	v1 =	vunpack.c.l.s4.s8 v1;
	[dreg:$0x5] =	wrdreg s3;
	s20 =	sor.u32 s8, s18;
	s17 =	sor.u32 s8, s6  }
0x14: {  	v2 =	vunpack.c.l.s4.s8 v2;
	v3 =	vunpack.c.l.s4.s8 v3;
	v4 =	vunpack.c.l.s4.s8 v4;
	s6 =	sadd.s32 s10, s11;
	s8 =	sor.u32 s8, s7;
	s11 =	sadd.s32 s1, s13  }
0x15: {  	v5 =	vunpack.c.l.s4.s8 v5;
	v6 =	vunpack.c.l.s4.s8 v6;
	v7 =	vunpack.c.l.s4.s8 v7;
	s23 =	sshrl.u32 s20, $0x3;
	s17 =	sshrl.u32 s17, $0x3;
	s22 =	sshrl.u32 s8, $0x3  }
0x16: {  	v0 =	vunpack.c.0.s8.s32 v0;
	v1 =	vunpack.c.0.s8.s32 v1;
	v2 =	vunpack.c.0.s8.s32 v2;
	s8 =	sadd.s32 s10, s26;
	s10 =	sadd.s32 s10, s31;
	s20 =	simm.s32 $0x400  }
0x17: {  	v3 =	vunpack.c.0.s8.s32 v3;
	v4 =	vunpack.c.0.s8.s32 v4;
	v5 =	vunpack.c.0.s8.s32 v5;
	s5 =	sadd.s32 s9, s23;
	s7 =	sadd.s32 s9, s17;
	s9 =	sadd.s32 s9, s22  }
0x18: {  	v6 =	vunpack.c.0.s8.s32 v6;
	v7 =	vunpack.c.0.s8.s32 v7;
	v0 =	vand.u32 $0xF, v0;
	s13 =	sadd.s32 s1, s23;
	s14 =	sadd.s32 s0, s23;
	s16 =	sadd.s32 s1, s17  }
0x19: {  	v0 =	vcombine.low v0, v1;
	v1 =	vcombine.low v3, v2;
	s17 =	sadd.s32 s0, s17;
	s18 =	sadd.s32 s1, s22;
	s22 =	sadd.s32 s0, s22  }
0x1a: {  	v2 =	vcombine.low v5, v4;
	v3 =	vcombine.low v7, v6;
	v4 =	vimm.f32 $0.0e+00;
	s23 =	smax.u32 s21, $0x1;
	s0 =	simm.s32 $0x1;
	s1 =	simm.s32 $0x40000000  }
.LBB2_1:
0x1b: {  	s3 =	rddreg [dreg:$0x5]  }
0x1c: {  	[tilespmem:s2], [sflag:$0x1] =	stream.strided.gather [hbm4b:s3+s24], $0x2000, s20, s24, $0x38;
	[tilespmem:$0x18180] =	vst v63  }
0x1d: {  	s21 =	simm.s32 $0x18000  }
0x1e: {  	[tilespmem:s21], [sflag:$0x1] =	stream.linear.gather [hbm4b:s4+s2], $0x10, $0x38;
	[tilespmem:$0x18180] =	vst v63  }
0x1f: {  	_ = 	snop  }
0x20: {  	[tilespmem:s25], [sflag:$0x1] =	stream.strided.gather [hbm4b:s5+s24], $0x2000, s20, s24, $0x38;
	[tilespmem:$0x18180] =	vst v63  }
0x21: {  	s26 =	simm.s32 $0x18010  }
0x22: {  	[tilespmem:s26], [sflag:$0x1] =	stream.linear.gather [hbm4b:s6+s2], $0x10, $0x38;
	[tilespmem:$0x18180] =	vst v63  }
0x23: {  	_ = 	snop  }
0x24: {  	[tilespmem:s28], [sflag:$0x1] =	stream.strided.gather [hbm4b:s7+s24], $0x2000, s20, s24, $0x38;
	[tilespmem:$0x18180] =	vst v63  }
0x25: {  	s21 =	simm.s32 $0x18020  }
0x26: {  	[tilespmem:s21], [sflag:$0x1] =	stream.linear.gather [hbm4b:s8+s2], $0x10, $0x38;
	[tilespmem:$0x18180] =	vst v63  }
0x27: {  	_ = 	snop  }
0x28: {  	[tilespmem:s30], [sflag:$0x1] =	stream.strided.gather [hbm4b:s9+s24], $0x2000, s20, s24, $0x38;
	[tilespmem:$0x18180] =	vst v63  }
0x29: {  	s26 =	simm.s32 $0x18030  }
0x2a: {  	[tilespmem:s26], [sflag:$0x1] =	stream.linear.gather [hbm4b:s10+s2], $0x10, $0x38;
	[tilespmem:$0x18180] =	vst v63  }
0x2b: {  	_ =	swait.ge [sflag:s0], $0x2000  }
0x2c: {  	[sflag:s0] =	ssyncset.done $0x0  }
0x2d: {  	[sflag:s0] =	ssyncadd.s32 $0xFFFFE000  }
0x2e: {  	_ =	swait.ge [sflag:s0], $0x10  }
0x2f: {  	[sflag:s0] =	ssyncset.done $0x0  }
0x30: {  	[sflag:s0] =	ssyncadd.s32 $0xFFFFFFF0  }
0x31: {  	_ =	swait.ge [sflag:s0], $0x2000  }
0x32: {  	[sflag:s0] =	ssyncset.done $0x0  }
0x33: {  	[sflag:s0] =	ssyncadd.s32 $0xFFFFE000  }
0x34: {  	_ =	swait.ge [sflag:s0], $0x10  }
0x35: {  	[sflag:s0] =	ssyncset.done $0x0  }
0x36: {  	[sflag:s0] =	ssyncadd.s32 $0xFFFFFFF0  }
0x37: {  	_ =	swait.ge [sflag:s0], $0x2000  }
0x38: {  	[sflag:s0] =	ssyncset.done $0x0  }
0x39: {  	[sflag:s0] =	ssyncadd.s32 $0xFFFFE000  }
0x3a: {  	_ =	swait.ge [sflag:s0], $0x10  }
0x3b: {  	[sflag:s0] =	ssyncset.done $0x0  }
0x3c: {  	[sflag:s0] =	ssyncadd.s32 $0xFFFFFFF0  }
0x3d: {  	_ =	swait.ge [sflag:s0], $0x2000  }
0x3e: {  	[sflag:s0] =	ssyncset.done $0x0  }
0x3f: {  	[sflag:s0] =	ssyncadd.s32 $0xFFFFE000  }
0x40: {  	_ =	swait.ge [sflag:s0], $0x10  }
0x41: {  	[sflag:s0] =	ssyncset.done $0x0  }
0x42: {  	s21 =	simm.s32 $0x0;
	[sflag:s0] =	ssyncadd.s32 $0xFFFFFFF0  }
0x43: {  	v5 =	vld [tilespmem:s21+$0xF0]  }
0x44: {  	v6 =	vld [tilespmem:s21+$0x0]  }
0x45: {  	v7 =	vld [tilespmem:s21+$0x10]  }
0x46: {  	v8 =	vld [tilespmem:s21+$0x20]  }
0x47: {  	v9 =	vld [tilespmem:s21+$0x30]  }
0x48: {  	v10 =	vld [tilespmem:s21+$0x40];
	v5 =	vand.u32 $0x7FFFFFFF, v5  }
0x49: {  	v11 =	vld [tilespmem:s21+$0x50];
	v6 =	vand.u32 $0x7FFFFFFF, v6;
	[tilespmem:s21+$0x100F0] =	vst v5  }
0x4a: {  	[tilespmem:s21+$0x10000] =	vst v6;
	v5 =	vand.u32 $0x7FFFFFFF, v7;
	v6 =	vld [tilespmem:s21+$0x60]  }
0x4b: {  	v7 =	vld [tilespmem:s21+$0x70];
	[tilespmem:s21+$0x10010] =	vst v5;
	v5 =	vand.u32 $0x7FFFFFFF, v8  }
0x4c: {  	v8 =	vld [tilespmem:s21+$0x80];
	[tilespmem:s21+$0x10020] =	vst v5;
	v5 =	vand.u32 $0x7FFFFFFF, v9  }
0x4d: {  	v9 =	vld [tilespmem:s21+$0x90];
	[tilespmem:s21+$0x10030] =	vst v5;
	v5 =	vand.u32 $0x7FFFFFFF, v10  }
0x4e: {  	v10 =	vand.u32 $0x7FFFFFFF, v11;
	[tilespmem:s21+$0x10040] =	vst v5;
	v5 =	vld [tilespmem:s21+$0xA0]  }
0x4f: {  	[tilespmem:s21+$0x10050] =	vst v10;
	v10 =	vand.u32 $0x7FFFFFFF, v6;
	v6 =	vld [tilespmem:s21+$0xB0]  }
0x50: {  	[tilespmem:s21+$0x10060] =	vst v10;
	v10 =	vand.u32 $0x7FFFFFFF, v7;
	v7 =	vld [tilespmem:s21+$0xC0]  }
0x51: {  	[tilespmem:s21+$0x10070] =	vst v10;
	v10 =	vand.u32 $0x7FFFFFFF, v8;
	v8 =	vld [tilespmem:s21+$0xD0]  }
0x52: {  	s31 =	simm.s32 $0x100;
	s26 =	simm.s32 $0x800;
	[tilespmem:s21+$0x10080] =	vst v10;
	v10 =	vand.u32 $0x7FFFFFFF, v9;
	v9 =	vld [tilespmem:s21+$0xE0]  }
.LBB2_2:
0x53: {  	p0 =	sne.s32 s26, $0x1FC00;
	v11 =	vld [tilespmem:s31+$0xF0];
	[tilespmem:s21+$0x10090] =	vst v10;
	v5 =	vand.u32 $0x7FFFFFFF, v5  }
0x54: {  	v10 =	vld [tilespmem:s31+$0x0];
	[tilespmem:s21+$0x100A0] =	vst v5;
	v5 =	vand.u32 $0x7FFFFFFF, v6  }
0x55: {  	v6 =	vld [tilespmem:s31+$0x10];
	[tilespmem:s21+$0x100B0] =	vst v5;
	v5 =	vand.u32 $0x7FFFFFFF, v7  }
0x56: {  	v7 =	vld [tilespmem:s31+$0x20];
	[tilespmem:s21+$0x100C0] =	vst v5;
	v5 =	vand.u32 $0x7FFFFFFF, v8  }
0x57: {  	v8 =	vld [tilespmem:s31+$0x30];
	[tilespmem:s21+$0x100D0] =	vst v5;
	v5 =	vand.u32 $0x7FFFFFFF, v9  }
0x58: {  	v9 =	vld [tilespmem:s31+$0x40];
	v11 =	vand.u32 $0x7FFFFFFF, v11;
	[tilespmem:s21+$0x100E0] =	vst v5;
	s21 =	smov.u32 s31  }
0x59: {  	v5 =	vand.u32 $0x7FFFFFFF, v10;
	v10 =	vld [tilespmem:s21+$0x50];
	[tilespmem:s21+$0x100F0] =	vst v11  }
0x5a: {  	[tilespmem:s21+$0x10000] =	vst v5;
	v5 =	vand.u32 $0x7FFFFFFF, v6;
	v6 =	vld [tilespmem:s21+$0x60]  }
0x5b: {  	[tilespmem:s21+$0x10010] =	vst v5;
	v5 =	vand.u32 $0x7FFFFFFF, v7;
	v7 =	vld [tilespmem:s21+$0x70]  }
0x5c: {  	[tilespmem:s21+$0x10020] =	vst v5;
	v5 =	vand.u32 $0x7FFFFFFF, v8;
	v8 =	vld [tilespmem:s21+$0x80]  }
0x5d: {  	[tilespmem:s21+$0x10030] =	vst v5;
	v5 =	vand.u32 $0x7FFFFFFF, v9;
	v9 =	vld [tilespmem:s21+$0x90]  }
.Ltmp0:
0x5e: {  	[tilespmem:s21+$0x10040] =	vst v5;
	v10 =	vand.u32 $0x7FFFFFFF, v10;
	v5 =	vld [tilespmem:s21+$0xA0];
	(pc) =	sbr.rel @p0 .LBB2_2-.Ltmp0, $4  }
0x5f: {  	[tilespmem:s21+$0x10050] =	vst v10;
	v10 =	vand.u32 $0x7FFFFFFF, v6;
	v6 =	vld [tilespmem:s21+$0xB0]  }
0x60: {  	[tilespmem:s21+$0x10060] =	vst v10;
	v10 =	vand.u32 $0x7FFFFFFF, v7;
	v7 =	vld [tilespmem:s21+$0xC0]  }
0x61: {  	[tilespmem:s21+$0x10070] =	vst v10;
	v10 =	vand.u32 $0x7FFFFFFF, v8;
	v8 =	vld [tilespmem:s21+$0xD0]  }
0x62: {  	s31 =	sshra.s32 s26, $0x2;
	s26 =	sadd.s32 $0x400, s26;
	[tilespmem:s21+$0x10080] =	vst v10;
	v10 =	vand.u32 $0x7FFFFFFF, v9;
	v9 =	vld [tilespmem:s21+$0xE0]  }
0x63: {  	v11 =	vld [tilespmem:s31+$0xF0];
	[tilespmem:s21+$0x10090] =	vst v10;
	v5 =	vand.u32 $0x7FFFFFFF, v5  }
0x64: {  	v10 =	vld [tilespmem:s31+$0x0];
	[tilespmem:s21+$0x100A0] =	vst v5;
	v5 =	vand.u32 $0x7FFFFFFF, v6  }
0x65: {  	v6 =	vld [tilespmem:s31+$0x10];
	[tilespmem:s21+$0x100B0] =	vst v5;
	v5 =	vand.u32 $0x7FFFFFFF, v7  }
0x66: {  	v7 =	vld [tilespmem:s31+$0x20];
	[tilespmem:s21+$0x100C0] =	vst v5;
	v5 =	vand.u32 $0x7FFFFFFF, v8  }
0x67: {  	v8 =	vld [tilespmem:s31+$0x30];
	[tilespmem:s21+$0x100D0] =	vst v5;
	v5 =	vand.u32 $0x7FFFFFFF, v9  }
0x68: {  	v59 =	vld [tilespmem:s31+$0x40];
	[tilespmem:s21+$0x100E0] =	vst v5;
	v5 =	vand.u32 $0x7FFFFFFF, v11  }
0x69: {  	v60 =	vld [tilespmem:s31+$0x50];
	v10 =	vand.u32 $0x7FFFFFFF, v10;
	[tilespmem:s31+$0x100F0] =	vst v5  }
0x6a: {  	[tilespmem:s31+$0x10000] =	vst v10;
	v5 =	vand.u32 $0x7FFFFFFF, v6;
	v6 =	vld [tilespmem:s31+$0x60]  }
0x6b: {  	[tilespmem:s31+$0x10010] =	vst v5;
	v5 =	vand.u32 $0x7FFFFFFF, v7;
	v7 =	vld [tilespmem:s31+$0x70]  }
0x6c: {  	[tilespmem:s31+$0x10020] =	vst v5;
	v5 =	vand.u32 $0x7FFFFFFF, v8;
	v8 =	vld [tilespmem:s31+$0x80]  }
0x6d: {  	v61 =	vld [tilespmem:s31+$0x90];
	[tilespmem:s31+$0x10030] =	vst v5;
	v5 =	vand.u32 $0x7FFFFFFF, v59  }
0x6e: {  	v62 =	vld [tilespmem:s31+$0xA0];
	[tilespmem:s31+$0x10040] =	vst v5;
	v5 =	vand.u32 $0x7FFFFFFF, v60  }
0x6f: {  	[tilespmem:s31+$0x10050] =	vst v5;
	v5 =	vand.u32 $0x7FFFFFFF, v6;
	v6 =	vld [tilespmem:s31+$0xB0]  }
0x70: {  	[tilespmem:s31+$0x10060] =	vst v5;
	v5 =	vand.u32 $0x7FFFFFFF, v7;
	v7 =	vld [tilespmem:s31+$0xC0]  }
0x71: {  	[tilespmem:s31+$0x10070] =	vst v5;
	v5 =	vand.u32 $0x7FFFFFFF, v8;
	v8 =	vld [tilespmem:s31+$0xD0]  }
0x72: {  	v63 =	vld [tilespmem:s31+$0xE0];
	[tilespmem:s31+$0x10080] =	vst v5;
	v5 =	vand.u32 $0x7FFFFFFF, v61  }
0x73: {  	[tilespmem:s31+$0x10090] =	vst v5;
	v5 =	vand.u32 $0x7FFFFFFF, v62  }
0x74: {  	[tilespmem:s31+$0x100A0] =	vst v5;
	v5 =	vand.u32 $0x7FFFFFFF, v6  }
0x75: {  	[tilespmem:s31+$0x100B0] =	vst v5;
	v5 =	vand.u32 $0x7FFFFFFF, v7  }
0x76: {  	[tilespmem:s31+$0x100C0] =	vst v5;
	v5 =	vand.u32 $0x7FFFFFFF, v8  }
0x77: {  	[tilespmem:s31+$0x100D0] =	vst v5;
	v5 =	vand.u32 $0x7FFFFFFF, v63  }
0x78: {  	[tilespmem:s31+$0x100E0] =	vst v5  }
0x79: {  	v6 =	vimm.s32 $0x0;
	s31 =	simm.s32 $0x0;
	v5 =	vimm.s32 $0x0;
	v7 =	vld [tilespmem:$0x18000]  }
.LBB2_4:
0x7a: {  	s21 =	simm.s32 $0x0  }
0x7b: {  	v9 =	vld [tilespmem:s21+$0x100F0]  }
0x7c: {  	v10 =	vld [tilespmem:s21+$0x100E0]  }
0x7d: {  	v11 =	vld [tilespmem:s21+$0x10050]  }
0x7e: {  	v12 =	vld [tilespmem:s21+$0x10070]  }
0x7f: {  	v13 =	vld [tilespmem:s21+$0x10060]  }
0x80: {  	v14 =	vld [tilespmem:s21+$0x10000]  }
0x81: {  	v15 =	vld [tilespmem:s21+$0x100B0]  }
0x82: {  	v17 =	vld [tilespmem:s21+$0x10040]  }
0x83: {  	s26 =	sshrl.u32 s1, s31;
	v25 =	vld [tilespmem:s21+$0x100D0]  }
0x84: {  	v8 =	vor.u32 s26, v5  }
0x85: {  	v9 =	vsub.s32 v9, v8;
	v10 =	vsub.s32 v10, v8  }
0x86: {  	v11 =	vsub.s32 v11, v8;
	v12 =	vsub.s32 v12, v8;
	v23 =	vsub.s32 v13, v8  }
0x87: {  	v20 =	vld [tilespmem:s21+$0x10030];
	v13 =	vsub.s32 v14, v8;
	v22 =	vsub.s32 v15, v8;
	v27 =	vsub.s32 v17, v8  }
0x88: {  	v19 =	vld [tilespmem:s21+$0x10020];
	v25 =	vsub.s32 v25, v8;
	v17 =	vimm.s32 $0x0;
	v15 =	vimm.s32 $0x0  }
0x89: {  	v16 =	vld [tilespmem:s21+$0x100A0];
	v10 =	vshra.s32 v10, $0x1F;
	v11 =	vshra.s32 v11, $0x1F;
	v12 =	vshra.s32 v12, $0x1F  }
0x8a: {  	v21 =	vld [tilespmem:s21+$0x10010];
	v9 =	vshra.s32 v9, $0x1F;
	v18 =	vadd.s32 v6, v11;
	v11 =	vadd.s32 v6, v12  }
0x8b: {  	v24 =	vld [tilespmem:s21+$0x100C0];
	v12 =	vshra.s32 v13, $0x1F;
	v13 =	vimm.s32 $0x0;
	v9 =	vadd.s32 v9, v11  }
0x8c: {  	s26 =	simm.s32 $0x400;
	v26 =	vld [tilespmem:s21+$0x10080];
	v14 =	vadd.s32 v6, v12;
	v11 =	vimm.s32 $0x0;
	v12 =	vimm.s32 $0x0  }
.LBB2_5:
0x8d: {  	p0 =	sne.s32 s26, $0x7C00;
	v20 =	vsub.s32 v20, v8;
	v23 =	vshra.s32 v23, $0x1F;
	v28 =	vld [tilespmem:s21+$0x10090];
	s21 =	sshra.s32 s26, $0x2;
	s26 =	sadd.s32 $0x400, s26;
	v25 =	vshra.s32 v25, $0x1F  }
0x8e: {  	v19 =	vsub.s32 v19, v8;
	v29 =	vld [tilespmem:s21+$0x100D0];
	v11 =	vadd.s32 v11, v23;
	v18 =	vadd.s32 v25, v18  }
0x8f: {  	v22 =	vshra.s32 v22, $0x1F;
	v19 =	vshra.s32 v19, $0x1F;
	v25 =	vshra.s32 v27, $0x1F;
	v23 =	vld [tilespmem:s21+$0x100F0]  }
0x90: {  	v21 =	vsub.s32 v21, v8;
	v11 =	vadd.s32 v10, v11;
	v27 =	vld [tilespmem:s21+$0x10000];
	v24 =	vsub.s32 v24, v8  }
0x91: {  	v17 =	vadd.s32 v17, v25;
	v21 =	vshra.s32 v21, $0x1F;
	v10 =	vld [tilespmem:s21+$0x100E0];
	v25 =	vsub.s32 v26, v8  }
0x92: {  	v20 =	vshra.s32 v20, $0x1F;
	v24 =	vshra.s32 v24, $0x1F;
	v26 =	vld [tilespmem:s21+$0x10050];
	v28 =	vsub.s32 v28, v8  }
0x93: {  	v16 =	vsub.s32 v16, v8;
	v12 =	vadd.s32 v12, v20;
	v25 =	vshra.s32 v25, $0x1F;
	v30 =	vld [tilespmem:s21+$0x10070]  }
0x94: {  	v12 =	vadd.s32 v22, v12;
	v20 =	vshra.s32 v28, $0x1F;
	v31 =	vld [tilespmem:s21+$0x10060];
	v23 =	vsub.s32 v23, v8  }
0x95: {  	v15 =	vadd.s32 v15, v19;
	v13 =	vadd.s32 v13, v21;
	v17 =	vadd.s32 v24, v17;
	v22 =	vld [tilespmem:s21+$0x100B0]  }
0x96: {  	v16 =	vshra.s32 v16, $0x1F;
	v13 =	vadd.s32 v20, v13;
	v28 =	vld [tilespmem:s21+$0x10040];
	v10 =	vsub.s32 v10, v8  }
0x97: {  	v15 =	vadd.s32 v16, v15;
	v14 =	vadd.s32 v25, v14;
	v20 =	vld [tilespmem:s21+$0x10030];
	v10 =	vshra.s32 v10, $0x1F  }
.Ltmp1:
0x98: {  	v25 =	vshra.s32 v23, $0x1F;
	v16 =	vsub.s32 v26, v8;
	v19 =	vld [tilespmem:s21+$0x10020];
	v21 =	vsub.s32 v30, v8;
	(pc) =	sbr.rel @p0 .LBB2_5-.Ltmp1, $4  }
0x99: {  	v24 =	vshra.s32 v16, $0x1F;
	v23 =	vsub.s32 v31, v8;
	v26 =	vshra.s32 v21, $0x1F;
	v16 =	vld [tilespmem:s21+$0x100A0]  }
0x9a: {  	v27 =	vsub.s32 v27, v8;
	v18 =	vadd.s32 v18, v24;
	v21 =	vld [tilespmem:s21+$0x10010];
	v9 =	vadd.s32 v9, v26  }
0x9b: {  	v26 =	vshra.s32 v27, $0x1F;
	v22 =	vsub.s32 v22, v8;
	v24 =	vld [tilespmem:s21+$0x100C0];
	v9 =	vadd.s32 v25, v9  }
0x9c: {  	v14 =	vadd.s32 v14, v26;
	v27 =	vsub.s32 v28, v8;
	v25 =	vsub.s32 v29, v8;
	v26 =	vld [tilespmem:s21+$0x10080]  }
0x9d: {  	v28 =	vld [tilespmem:s21+$0x10090]  }
0x9e: {  	v20 =	vsub.s32 v20, v8;
	v23 =	vshra.s32 v23, $0x1F;
	v19 =	vsub.s32 v19, v8  }
0x9f: {  	v27 =	vshra.s32 v27, $0x1F;
	v22 =	vshra.s32 v22, $0x1F;
	v19 =	vshra.s32 v19, $0x1F  }
0xa0: {  	v17 =	vadd.s32 v17, v27;
	v20 =	vshra.s32 v20, $0x1F;
	v16 =	vsub.s32 v16, v8  }
0xa1: {  	v21 =	vsub.s32 v21, v8;
	v15 =	vadd.s32 v15, v19;
	v16 =	vshra.s32 v16, $0x1F  }
0xa2: {  	v21 =	vshra.s32 v21, $0x1F;
	v26 =	vsub.s32 v26, v8;
	v58 =	vsub.s32 v28, v8  }
0xa3: {  	v13 =	vadd.s32 v13, v21;
	v26 =	vshra.s32 v26, $0x1F;
	v27 =	vshra.s32 v58, $0x1F  }
0xa4: {  	v12 =	vadd.s32 v12, v20;
	v14 =	vadd.s32 v26, v14;
	v13 =	vadd.s32 v27, v13  }
0xa5: {  	v24 =	vsub.s32 v24, v8;
	v15 =	vadd.s32 v16, v15;
	v13 =	vadd.s32 v13, v14  }
0xa6: {  	v12 =	vadd.s32 v22, v12;
	v59 =	vshra.s32 v24, $0x1F;
	v13 =	vadd.s32 v15, v13  }
0xa7: {  	v60 =	vshra.s32 v25, $0x1F;
	v14 =	vadd.s32 v59, v17;
	v12 =	vadd.s32 v12, v13  }
0xa8: {  	v11 =	vadd.s32 v11, v23;
	v61 =	vadd.s32 v60, v18;
	v12 =	vadd.s32 v14, v12  }
0xa9: {  	v10 =	vadd.s32 v10, v11;
	v62 =	vadd.s32 v61, v12  }
0xaa: {  	v10 =	vadd.s32 v10, v62  }
0xab: {  	v9 =	vadd.s32 v9, v10  }
0xac: {  	v9 =	vsub.s32 $0x0, v9  }
0xad: {  	v9 =	vcvt.s32.f32 v9;
	_ =	sdelay $0x1  }
0xae: {  	v63 =	vperm.xlane v9, v0;
	_ =	sdelay $0x1  }
0xaf: {  	v9 =	vadd.f32 v9, v63;
	_ =	sdelay $0x1  }
0xb0: {  	v10 =	vperm.xlane v9, v1;
	_ =	sdelay $0x1  }
0xb1: {  	v9 =	vadd.f32 v10, v9;
	_ =	sdelay $0x1  }
0xb2: {  	v10 =	vperm.xlane v9, v2;
	_ =	sdelay $0x1  }
0xb3: {  	v9 =	vadd.f32 v10, v9  }
0xb4: {  	s31 =	sadd.s32 $0x1, s31  }
0xb5: {  	p0 =	sne.s32 s31, $0x1F;
	v10 =	vperm.xlane v9, v3  }
.Ltmp2:
0xb6: {  	_ = 	snop;
	(pc) =	sbr.rel @p0 .LBB2_4-.Ltmp2, $3  }
0xb7: {  	v9 =	vadd.f32 v10, v9;
	_ =	sdelay $0x1  }
0xb8: {  	vm0 =	vlt.f32 v9, v7  }
0xb9: {  	v5 =	vsel vm0, v8, v5  }
0xba: {  	s31 =	simm.s32 $0x0  }
0xbb: {  	v6 =	vld [tilespmem:s31+$0x10020]  }
0xbc: {  	v9 =	vld [tilespmem:s31+$0x10000]  }
0xbd: {  	v15 =	vld [tilespmem:s31+$0x10010]  }
0xbe: {  	v7 =	vld [tilespmem:s31+$0x10030]  }
0xbf: {  	v11 =	vld [tilespmem:s31+$0x0]  }
0xc0: {  	v10 =	vld [tilespmem:s31+$0x20]  }
0xc1: {  	v14 =	vimm.f32 $0.0e+00;
	v16 =	vimm.f32 $0.0e+00;
	v8 =	vld [tilespmem:s31+$0x10]  }
0xc2: {  	s21 =	simm.s32 $0x40;
	vm0 =	vgt.s32 v9, v5;
	v9 =	vld [tilespmem:s31+$0x30];
	vm2 =	vgt.s32 v6, v5;
	vm1 =	vgt.s32 v15, v5  }
0xc3: {  	v12 =	vld [tilespmem:s21+$0x10020];
	v6 =	vimm.f32 $0.0e+00;
	v17 =	vsel vm0, $0x3F800000, v4;
	vm0 =	vgt.s32 v7, v5  }
0xc4: {  	s26 =	simm.s32 $0x200;
	v13 =	vld [tilespmem:s21+$0x10030];
	v15 =	vsel vm2, $0x3F800000, v4;
	v7 =	vimm.f32 $0.0e+00;
	v11 =	vmul.f32 v17, v11;
	[tilespmem:s31+$0x8000] =	vst v17  }
.LBB2_8:
0xc5: {  	p0 =	sne.s32 s26, $0x7F00;
	v18 =	vld [tilespmem:s21+$0x10000];
	v19 =	vsel vm1, $0x3F800000, v4;
	v20 =	vmul.f32 v15, v10;
	[tilespmem:s31+$0x8020] =	vst v15;
	v21 =	vsel vm0, $0x3F800000, v4  }
0xc6: {  	v22 =	vld [tilespmem:s21+$0x10010];
	[tilespmem:s31+$0x0] =	vst v11;
	v10 =	vand.u32 $0x7FFFFFFF, v11;
	v11 =	vadd.f32 v17, v14;
	v8 =	vmul.f32 v19, v8  }
0xc7: {  	v16 =	vadd.f32 v19, v16;
	v23 =	vld [tilespmem:s21+$0x0];
	v7 =	vadd.f32 v10, v7;
	[tilespmem:s31+$0x20] =	vst v20;
	v9 =	vmul.f32 v21, v9  }
.Ltmp3:
0xc8: {  	v20 =	vand.u32 $0x7FFFFFFF, v20;
	v10 =	vld [tilespmem:s21+$0x20];
	[tilespmem:s31+$0x10] =	vst v8;
	v17 =	vand.u32 $0x7FFFFFFF, v8;
	v14 =	vadd.f32 v15, v11;
	(pc) =	sbr.rel @p0 .LBB2_8-.Ltmp3, $4  }
0xc9: {  	v16 =	vadd.f32 v21, v16;
	v8 =	vld [tilespmem:s21+$0x10];
	v6 =	vadd.f32 v17, v6;
	[tilespmem:s31+$0x30] =	vst v9;
	v11 =	vand.u32 $0x7FFFFFFF, v9  }
0xca: {  	s3 =	sshra.s32 s26, $0x2;
	vm2 =	vgt.s32 v12, v5;
	v7 =	vadd.f32 v20, v7;
	vm0 =	vgt.s32 v18, v5;
	v9 =	vld [tilespmem:s21+$0x30];
	[tilespmem:s31+$0x8010] =	vst v19  }
0xcb: {  	v12 =	vld [tilespmem:s3+$0x10020];
	v17 =	vsel vm0, $0x3F800000, v4;
	vm0 =	vgt.s32 v13, v5;
	[tilespmem:s31+$0x8030] =	vst v21;
	v6 =	vadd.f32 v11, v6;
	s31 =	smov.u32 s21;
	s21 =	smov.u32 s3  }
0xcc: {  	s26 =	sadd.s32 $0x100, s26;
	v15 =	vsel vm2, $0x3F800000, v4;
	vm1 =	vgt.s32 v22, v5;
	v13 =	vld [tilespmem:s21+$0x10030];
	v11 =	vmul.f32 v17, v23;
	[tilespmem:s31+$0x8000] =	vst v17  }
0xcd: {  	v18 =	vld [tilespmem:s21+$0x10000];
	[tilespmem:s31+$0x8020] =	vst v15  }
0xce: {  	v19 =	vld [tilespmem:s21+$0x10010];
	_ =	sdelay $0x1  }
0xcf: {  	v20 =	vsel vm1, $0x3F800000, v4;
	v14 =	vadd.f32 v17, v14  }
0xd0: {  	v16 =	vadd.f32 v20, v16  }
0xd1: {  	v49 =	vsel vm0, $0x3F800000, v4;
	v14 =	vadd.f32 v15, v14  }
0xd2: {  	v16 =	vadd.f32 v49, v16;
	vm13 =	vgt.s32 v18, v5;
	vm14 =	vgt.s32 v19, v5  }
0xd3: {  	vm2 =	vgt.s32 v12, v5;
	v50 =	vsel vm13, $0x3F800000, v4;
	v51 =	vsel vm14, $0x3F800000, v4  }
0xd4: {  	vm15 =	vgt.s32 v13, v5;
	v5 =	vadd.f32 v50, v14;
	v52 =	vadd.f32 v51, v16  }
0xd5: {  	v53 =	vsel vm2, $0x3F800000, v4;
	v54 =	vsel vm15, $0x3F800000, v4  }
0xd6: {  	v5 =	vadd.f32 v53, v5;
	v13 =	vadd.f32 v54, v52;
	_ =	sdelay $0x1  }
0xd7: {  	v5 =	vadd.f32 v13, v5;
	_ =	sdelay $0x1  }
0xd8: {  	v13 =	vperm.xlane v5, v0;
	_ =	sdelay $0x1  }
0xd9: {  	v5 =	vadd.f32 v13, v5  }
0xda: {  	v10 =	vmul.f32 v15, v10  }
0xdb: {  	[tilespmem:s31+$0x0] =	vst v11;
	v8 =	vmul.f32 v20, v8;
	v57 =	vperm.xlane v5, v1  }
0xdc: {  	v55 =	vld [tilespmem:s21+$0x0];
	[tilespmem:s31+$0x20] =	vst v10;
	v9 =	vmul.f32 v49, v9  }
0xdd: {  	v56 =	vld [tilespmem:s21+$0x20];
	[tilespmem:s31+$0x10] =	vst v8;
	v5 =	vadd.f32 v57, v5  }
0xde: {  	v21 =	vld [tilespmem:s21+$0x10];
	[tilespmem:s31+$0x30] =	vst v9  }
0xdf: {  	v58 =	vld [tilespmem:s21+$0x30];
	[tilespmem:s31+$0x8010] =	vst v20;
	v59 =	vperm.xlane v5, v2  }
0xe0: {  	[tilespmem:s31+$0x8030] =	vst v49  }
0xe1: {  	[tilespmem:s21+$0x8020] =	vst v53;
	v5 =	vadd.f32 v59, v5  }
0xe2: {  	[tilespmem:s21+$0x8030] =	vst v54  }
0xe3: {  	v15 =	vmul.f32 v50, v55;
	[tilespmem:s21+$0x8000] =	vst v50;
	v62 =	vperm.xlane v5, v3  }
0xe4: {  	v60 =	vmul.f32 v53, v56;
	[tilespmem:s21+$0x8010] =	vst v51  }
0xe5: {  	v11 =	vand.u32 $0x7FFFFFFF, v11;
	[tilespmem:s21+$0x0] =	vst v15;
	v61 =	vmul.f32 v51, v21;
	v5 =	vadd.f32 v62, v5  }
0xe6: {  	v7 =	vadd.f32 v11, v7;
	v8 =	vand.u32 $0x7FFFFFFF, v8;
	[tilespmem:s21+$0x20] =	vst v60;
	v63 =	vmul.f32 v54, v58  }
0xe7: {  	v10 =	vand.u32 $0x7FFFFFFF, v10;
	v6 =	vadd.f32 v8, v6;
	[tilespmem:s21+$0x10] =	vst v61;
	v5 =	vmul.f32 $1.220703130e-04, v5  }
0xe8: {  	v8 =	vand.u32 $0x7FFFFFFF, v9;
	v7 =	vadd.f32 v10, v7;
	[tilespmem:s21+$0x30] =	vst v63  }
0xe9: {  	s31 =	simm.s32 $0x0;
	[tilespmem:$0x18080] =	vst v5;
	v5 =	vadd.f32 v8, v6;
	v6 =	vand.u32 $0x7FFFFFFF, v15  }
0xea: {  	[hbm4b:s11+s24] =	stream.strided.scatter [tilespmem:s31], [sflag:$0x1], $0x2000, s20, s24, $0x38;
	v6 =	vadd.f32 v6, v7;
	v7 =	vand.u32 $0x7FFFFFFF, v61;
	[tilespmem:$0x18180] =	vst v63  }
0xeb: {  	s3 =	simm.s32 $0x8000;
	v8 =	vand.u32 $0x7FFFFFFF, v60;
	v7 =	vadd.f32 v7, v5  }
0xec: {  	v9 =	vand.u32 $0x7FFFFFFF, v63;
	[hbm4b:s12+s24] =	stream.strided.scatter [tilespmem:s3], [sflag:$0x1], $0x2000, s20, s24, $0x38;
	v5 =	vadd.f32 v8, v6;
	[tilespmem:$0x18180] =	vst v63  }
0xed: {  	v8 =	vimm.s32 $0x0;
	v6 =	vadd.f32 v9, v7;
	v9 =	vld [tilespmem:$0x18010];
	v7 =	vimm.s32 $0x0  }
.LBB2_10:
0xee: {  	s21 =	simm.s32 $0x0  }
0xef: {  	v11 =	vld [tilespmem:s21+$0x120F0]  }
0xf0: {  	v12 =	vld [tilespmem:s21+$0x120E0]  }
0xf1: {  	v13 =	vld [tilespmem:s21+$0x12050]  }
0xf2: {  	v14 =	vld [tilespmem:s21+$0x12070]  }
0xf3: {  	v15 =	vld [tilespmem:s21+$0x12060]  }
0xf4: {  	v16 =	vld [tilespmem:s21+$0x12000]  }
0xf5: {  	v17 =	vld [tilespmem:s21+$0x120B0]  }
0xf6: {  	v19 =	vld [tilespmem:s21+$0x12040]  }
0xf7: {  	s3 =	sshrl.u32 s1, s31;
	v27 =	vld [tilespmem:s21+$0x120D0]  }
0xf8: {  	v10 =	vor.u32 s3, v7  }
0xf9: {  	v11 =	vsub.s32 v11, v10;
	v12 =	vsub.s32 v12, v10  }
0xfa: {  	v13 =	vsub.s32 v13, v10;
	v14 =	vsub.s32 v14, v10;
	v25 =	vsub.s32 v15, v10  }
0xfb: {  	v22 =	vld [tilespmem:s21+$0x12030];
	v15 =	vsub.s32 v16, v10;
	v24 =	vsub.s32 v17, v10;
	v29 =	vsub.s32 v19, v10  }
0xfc: {  	v21 =	vld [tilespmem:s21+$0x12020];
	v27 =	vsub.s32 v27, v10;
	v19 =	vimm.s32 $0x0;
	v17 =	vimm.s32 $0x0  }
0xfd: {  	v18 =	vld [tilespmem:s21+$0x120A0];
	v12 =	vshra.s32 v12, $0x1F;
	v13 =	vshra.s32 v13, $0x1F;
	v14 =	vshra.s32 v14, $0x1F  }
0xfe: {  	v23 =	vld [tilespmem:s21+$0x12010];
	v11 =	vshra.s32 v11, $0x1F;
	v20 =	vadd.s32 v8, v13;
	v13 =	vadd.s32 v8, v14  }
0xff: {  	v26 =	vld [tilespmem:s21+$0x120C0];
	v14 =	vshra.s32 v15, $0x1F;
	v15 =	vimm.s32 $0x0;
	v11 =	vadd.s32 v11, v13  }
0x100: {  	s26 =	simm.s32 $0x400;
	v28 =	vld [tilespmem:s21+$0x12080];
	v16 =	vadd.s32 v8, v14;
	v13 =	vimm.s32 $0x0;
	v14 =	vimm.s32 $0x0  }
.LBB2_11:
0x101: {  	p0 =	sne.s32 s26, $0x7C00;
	v22 =	vsub.s32 v22, v10;
	v25 =	vshra.s32 v25, $0x1F;
	v30 =	vld [tilespmem:s21+$0x12090];
	s21 =	sshra.s32 s26, $0x2;
	s26 =	sadd.s32 $0x400, s26;
	v27 =	vshra.s32 v27, $0x1F  }
0x102: {  	v21 =	vsub.s32 v21, v10;
	v31 =	vld [tilespmem:s21+$0x120D0];
	v13 =	vadd.s32 v13, v25;
	v20 =	vadd.s32 v27, v20  }
0x103: {  	v24 =	vshra.s32 v24, $0x1F;
	v21 =	vshra.s32 v21, $0x1F;
	v27 =	vshra.s32 v29, $0x1F;
	v25 =	vld [tilespmem:s21+$0x120F0]  }
0x104: {  	v23 =	vsub.s32 v23, v10;
	v13 =	vadd.s32 v12, v13;
	v29 =	vld [tilespmem:s21+$0x12000];
	v26 =	vsub.s32 v26, v10  }
0x105: {  	v19 =	vadd.s32 v19, v27;
	v23 =	vshra.s32 v23, $0x1F;
	v12 =	vld [tilespmem:s21+$0x120E0];
	v27 =	vsub.s32 v28, v10  }
0x106: {  	v22 =	vshra.s32 v22, $0x1F;
	v26 =	vshra.s32 v26, $0x1F;
	v28 =	vld [tilespmem:s21+$0x12050];
	v30 =	vsub.s32 v30, v10  }
0x107: {  	v18 =	vsub.s32 v18, v10;
	v14 =	vadd.s32 v14, v22;
	v27 =	vshra.s32 v27, $0x1F;
	v32 =	vld [tilespmem:s21+$0x12070]  }
0x108: {  	v14 =	vadd.s32 v24, v14;
	v22 =	vshra.s32 v30, $0x1F;
	v33 =	vld [tilespmem:s21+$0x12060];
	v25 =	vsub.s32 v25, v10  }
0x109: {  	v17 =	vadd.s32 v17, v21;
	v15 =	vadd.s32 v15, v23;
	v19 =	vadd.s32 v26, v19;
	v24 =	vld [tilespmem:s21+$0x120B0]  }
0x10a: {  	v18 =	vshra.s32 v18, $0x1F;
	v15 =	vadd.s32 v22, v15;
	v30 =	vld [tilespmem:s21+$0x12040];
	v12 =	vsub.s32 v12, v10  }
0x10b: {  	v17 =	vadd.s32 v18, v17;
	v16 =	vadd.s32 v27, v16;
	v22 =	vld [tilespmem:s21+$0x12030];
	v12 =	vshra.s32 v12, $0x1F  }
.Ltmp4:
0x10c: {  	v27 =	vshra.s32 v25, $0x1F;
	v18 =	vsub.s32 v28, v10;
	v21 =	vld [tilespmem:s21+$0x12020];
	v23 =	vsub.s32 v32, v10;
	(pc) =	sbr.rel @p0 .LBB2_11-.Ltmp4, $4  }
0x10d: {  	v26 =	vshra.s32 v18, $0x1F;
	v25 =	vsub.s32 v33, v10;
	v28 =	vshra.s32 v23, $0x1F;
	v18 =	vld [tilespmem:s21+$0x120A0]  }
0x10e: {  	v29 =	vsub.s32 v29, v10;
	v20 =	vadd.s32 v20, v26;
	v23 =	vld [tilespmem:s21+$0x12010];
	v11 =	vadd.s32 v11, v28  }
0x10f: {  	v28 =	vshra.s32 v29, $0x1F;
	v24 =	vsub.s32 v24, v10;
	v26 =	vld [tilespmem:s21+$0x120C0];
	v11 =	vadd.s32 v27, v11  }
0x110: {  	v16 =	vadd.s32 v16, v28;
	v29 =	vsub.s32 v30, v10;
	v27 =	vsub.s32 v31, v10;
	v28 =	vld [tilespmem:s21+$0x12080]  }
0x111: {  	v30 =	vld [tilespmem:s21+$0x12090]  }
0x112: {  	v22 =	vsub.s32 v22, v10;
	v25 =	vshra.s32 v25, $0x1F;
	v21 =	vsub.s32 v21, v10  }
0x113: {  	v29 =	vshra.s32 v29, $0x1F;
	v24 =	vshra.s32 v24, $0x1F;
	v21 =	vshra.s32 v21, $0x1F  }
0x114: {  	v19 =	vadd.s32 v19, v29;
	v22 =	vshra.s32 v22, $0x1F;
	v18 =	vsub.s32 v18, v10  }
0x115: {  	v23 =	vsub.s32 v23, v10;
	v17 =	vadd.s32 v17, v21;
	v18 =	vshra.s32 v18, $0x1F  }
0x116: {  	v23 =	vshra.s32 v23, $0x1F;
	v28 =	vsub.s32 v28, v10;
	v58 =	vsub.s32 v30, v10  }
0x117: {  	v15 =	vadd.s32 v15, v23;
	v28 =	vshra.s32 v28, $0x1F;
	v29 =	vshra.s32 v58, $0x1F  }
0x118: {  	v14 =	vadd.s32 v14, v22;
	v16 =	vadd.s32 v28, v16;
	v15 =	vadd.s32 v29, v15  }
0x119: {  	v26 =	vsub.s32 v26, v10;
	v17 =	vadd.s32 v18, v17;
	v15 =	vadd.s32 v15, v16  }
0x11a: {  	v14 =	vadd.s32 v24, v14;
	v59 =	vshra.s32 v26, $0x1F;
	v15 =	vadd.s32 v17, v15  }
0x11b: {  	v60 =	vshra.s32 v27, $0x1F;
	v16 =	vadd.s32 v59, v19;
	v14 =	vadd.s32 v14, v15  }
0x11c: {  	v13 =	vadd.s32 v13, v25;
	v61 =	vadd.s32 v60, v20;
	v14 =	vadd.s32 v16, v14  }
0x11d: {  	v12 =	vadd.s32 v12, v13;
	v62 =	vadd.s32 v61, v14  }
0x11e: {  	v12 =	vadd.s32 v12, v62  }
0x11f: {  	v11 =	vadd.s32 v11, v12  }
0x120: {  	v11 =	vsub.s32 $0x0, v11  }
0x121: {  	v11 =	vcvt.s32.f32 v11;
	_ =	sdelay $0x1  }
0x122: {  	v63 =	vperm.xlane v11, v0;
	_ =	sdelay $0x1  }
0x123: {  	v11 =	vadd.f32 v11, v63;
	_ =	sdelay $0x1  }
0x124: {  	v12 =	vperm.xlane v11, v1;
	_ =	sdelay $0x1  }
0x125: {  	v11 =	vadd.f32 v12, v11;
	_ =	sdelay $0x1  }
0x126: {  	v12 =	vperm.xlane v11, v2;
	_ =	sdelay $0x1  }
0x127: {  	v11 =	vadd.f32 v12, v11  }
0x128: {  	s31 =	sadd.s32 $0x1, s31  }
0x129: {  	p0 =	sne.s32 s31, $0x1F;
	v12 =	vperm.xlane v11, v3  }
.Ltmp5:
0x12a: {  	_ = 	snop;
	(pc) =	sbr.rel @p0 .LBB2_10-.Ltmp5, $3  }
0x12b: {  	v11 =	vadd.f32 v12, v11;
	_ =	sdelay $0x1  }
0x12c: {  	vm0 =	vlt.f32 v11, v9  }
0x12d: {  	v7 =	vsel vm0, v10, v7  }
0x12e: {  	s31 =	simm.s32 $0x0  }
0x12f: {  	v8 =	vld [tilespmem:s31+$0x12020]  }
0x130: {  	v11 =	vld [tilespmem:s31+$0x12000]  }
0x131: {  	v17 =	vld [tilespmem:s31+$0x12010]  }
0x132: {  	v9 =	vld [tilespmem:s31+$0x12030]  }
0x133: {  	v13 =	vld [tilespmem:s31+$0x2000]  }
0x134: {  	v12 =	vld [tilespmem:s31+$0x2020]  }
0x135: {  	v16 =	vimm.f32 $0.0e+00;
	v18 =	vimm.f32 $0.0e+00;
	v10 =	vld [tilespmem:s31+$0x2010]  }
0x136: {  	s21 =	simm.s32 $0x40;
	vm0 =	vgt.s32 v11, v7;
	v11 =	vld [tilespmem:s31+$0x2030];
	vm2 =	vgt.s32 v8, v7;
	vm1 =	vgt.s32 v17, v7  }
0x137: {  	v14 =	vld [tilespmem:s21+$0x12020];
	v8 =	vimm.f32 $0.0e+00;
	v19 =	vsel vm0, $0x3F800000, v4;
	vm0 =	vgt.s32 v9, v7  }
0x138: {  	s26 =	simm.s32 $0x200;
	v15 =	vld [tilespmem:s21+$0x12030];
	v17 =	vsel vm2, $0x3F800000, v4;
	v9 =	vimm.f32 $0.0e+00;
	v13 =	vmul.f32 v19, v13;
	[tilespmem:s31+$0xA000] =	vst v19  }
.LBB2_14:
0x139: {  	p0 =	sne.s32 s26, $0x7F00;
	v20 =	vld [tilespmem:s21+$0x12000];
	v21 =	vsel vm1, $0x3F800000, v4;
	v22 =	vmul.f32 v17, v12;
	[tilespmem:s31+$0xA020] =	vst v17;
	v23 =	vsel vm0, $0x3F800000, v4  }
0x13a: {  	v24 =	vld [tilespmem:s21+$0x12010];
	[tilespmem:s31+$0x2000] =	vst v13;
	v12 =	vand.u32 $0x7FFFFFFF, v13;
	v13 =	vadd.f32 v19, v16;
	v10 =	vmul.f32 v21, v10  }
0x13b: {  	v18 =	vadd.f32 v21, v18;
	v25 =	vld [tilespmem:s21+$0x2000];
	v9 =	vadd.f32 v12, v9;
	[tilespmem:s31+$0x2020] =	vst v22;
	v11 =	vmul.f32 v23, v11  }
.Ltmp6:
0x13c: {  	v22 =	vand.u32 $0x7FFFFFFF, v22;
	v12 =	vld [tilespmem:s21+$0x2020];
	[tilespmem:s31+$0x2010] =	vst v10;
	v19 =	vand.u32 $0x7FFFFFFF, v10;
	v16 =	vadd.f32 v17, v13;
	(pc) =	sbr.rel @p0 .LBB2_14-.Ltmp6, $4  }
0x13d: {  	v18 =	vadd.f32 v23, v18;
	v10 =	vld [tilespmem:s21+$0x2010];
	v8 =	vadd.f32 v19, v8;
	[tilespmem:s31+$0x2030] =	vst v11;
	v13 =	vand.u32 $0x7FFFFFFF, v11  }
0x13e: {  	s3 =	sshra.s32 s26, $0x2;
	vm2 =	vgt.s32 v14, v7;
	v9 =	vadd.f32 v22, v9;
	vm0 =	vgt.s32 v20, v7;
	v11 =	vld [tilespmem:s21+$0x2030];
	[tilespmem:s31+$0xA010] =	vst v21  }
0x13f: {  	v14 =	vld [tilespmem:s3+$0x12020];
	v19 =	vsel vm0, $0x3F800000, v4;
	vm0 =	vgt.s32 v15, v7;
	[tilespmem:s31+$0xA030] =	vst v23;
	v8 =	vadd.f32 v13, v8;
	s31 =	smov.u32 s21;
	s21 =	smov.u32 s3  }
0x140: {  	s26 =	sadd.s32 $0x100, s26;
	v17 =	vsel vm2, $0x3F800000, v4;
	vm1 =	vgt.s32 v24, v7;
	v15 =	vld [tilespmem:s21+$0x12030];
	v13 =	vmul.f32 v19, v25;
	[tilespmem:s31+$0xA000] =	vst v19  }
0x141: {  	v20 =	vld [tilespmem:s21+$0x12000];
	[tilespmem:s31+$0xA020] =	vst v17  }
0x142: {  	v21 =	vld [tilespmem:s21+$0x12010];
	_ =	sdelay $0x1  }
0x143: {  	v22 =	vsel vm1, $0x3F800000, v4;
	v16 =	vadd.f32 v19, v16  }
0x144: {  	v18 =	vadd.f32 v22, v18  }
0x145: {  	v48 =	vsel vm0, $0x3F800000, v4;
	v16 =	vadd.f32 v17, v16  }
0x146: {  	v18 =	vadd.f32 v48, v18;
	vm13 =	vgt.s32 v20, v7;
	vm14 =	vgt.s32 v21, v7  }
0x147: {  	vm2 =	vgt.s32 v14, v7;
	v49 =	vsel vm13, $0x3F800000, v4;
	v50 =	vsel vm14, $0x3F800000, v4  }
0x148: {  	vm15 =	vgt.s32 v15, v7;
	v7 =	vadd.f32 v49, v16;
	v51 =	vadd.f32 v50, v18  }
0x149: {  	v52 =	vsel vm2, $0x3F800000, v4;
	v53 =	vsel vm15, $0x3F800000, v4  }
0x14a: {  	v7 =	vadd.f32 v52, v7;
	v15 =	vadd.f32 v53, v51;
	_ =	sdelay $0x1  }
0x14b: {  	v7 =	vadd.f32 v15, v7;
	_ =	sdelay $0x1  }
0x14c: {  	v15 =	vperm.xlane v7, v0;
	_ =	sdelay $0x1  }
0x14d: {  	v7 =	vadd.f32 v15, v7  }
0x14e: {  	v12 =	vmul.f32 v17, v12  }
0x14f: {  	[tilespmem:s31+$0x2000] =	vst v13;
	v10 =	vmul.f32 v22, v10;
	v56 =	vperm.xlane v7, v1  }
0x150: {  	v54 =	vld [tilespmem:s21+$0x2000];
	[tilespmem:s31+$0x2020] =	vst v12;
	v11 =	vmul.f32 v48, v11  }
0x151: {  	v55 =	vld [tilespmem:s21+$0x2020];
	[tilespmem:s31+$0x2010] =	vst v10;
	v7 =	vadd.f32 v56, v7  }
0x152: {  	v23 =	vld [tilespmem:s21+$0x2010];
	[tilespmem:s31+$0x2030] =	vst v11  }
0x153: {  	v57 =	vld [tilespmem:s21+$0x2030];
	[tilespmem:s31+$0xA010] =	vst v22;
	v58 =	vperm.xlane v7, v2  }
0x154: {  	[tilespmem:s31+$0xA030] =	vst v48  }
0x155: {  	[tilespmem:s21+$0xA020] =	vst v52;
	v7 =	vadd.f32 v58, v7  }
0x156: {  	[tilespmem:s21+$0xA030] =	vst v53  }
0x157: {  	v17 =	vmul.f32 v49, v54;
	[tilespmem:s21+$0xA000] =	vst v49;
	v61 =	vperm.xlane v7, v3  }
0x158: {  	v59 =	vmul.f32 v52, v55;
	[tilespmem:s21+$0xA010] =	vst v50  }
0x159: {  	v63 =	vand.u32 $0x7FFFFFFF, v13;
	[tilespmem:s21+$0x2000] =	vst v17;
	v60 =	vmul.f32 v50, v23;
	v7 =	vadd.f32 v61, v7  }
0x15a: {  	v9 =	vadd.f32 v63, v9;
	v10 =	vand.u32 $0x7FFFFFFF, v10;
	[tilespmem:s21+$0x2020] =	vst v59;
	v62 =	vmul.f32 v53, v57  }
0x15b: {  	v12 =	vand.u32 $0x7FFFFFFF, v12;
	v8 =	vadd.f32 v10, v8;
	[tilespmem:s21+$0x2010] =	vst v60;
	v7 =	vmul.f32 $1.220703130e-04, v7  }
0x15c: {  	v10 =	vand.u32 $0x7FFFFFFF, v11;
	v9 =	vadd.f32 v12, v9;
	[tilespmem:s21+$0x2030] =	vst v62  }
0x15d: {  	[tilespmem:$0x18090] =	vst v7;
	v7 =	vadd.f32 v10, v8;
	v8 =	vand.u32 $0x7FFFFFFF, v17  }
0x15e: {  	[hbm4b:s13+s24] =	stream.strided.scatter [tilespmem:s25], [sflag:$0x1], $0x2000, s20, s24, $0x38;
	v8 =	vadd.f32 v8, v9;
	v9 =	vand.u32 $0x7FFFFFFF, v60;
	[tilespmem:$0x18180] =	vst v63  }
0x15f: {  	s3 =	simm.s32 $0xA000;
	v10 =	vand.u32 $0x7FFFFFFF, v59;
	v7 =	vadd.f32 v9, v7  }
0x160: {  	v9 =	vand.u32 $0x7FFFFFFF, v62;
	[hbm4b:s14+s24] =	stream.strided.scatter [tilespmem:s3], [sflag:$0x1], $0x2000, s20, s24, $0x38;
	v8 =	vadd.f32 v10, v8;
	[tilespmem:$0x18180] =	vst v63  }
0x161: {  	s31 =	simm.s32 $0x0;
	v10 =	vimm.s32 $0x0;
	v7 =	vadd.f32 v9, v7;
	v11 =	vld [tilespmem:$0x18020];
	v9 =	vimm.s32 $0x0  }
.LBB2_16:
0x162: {  	s21 =	simm.s32 $0x0  }
0x163: {  	v13 =	vld [tilespmem:s21+$0x140F0]  }
0x164: {  	v14 =	vld [tilespmem:s21+$0x140E0]  }
0x165: {  	v15 =	vld [tilespmem:s21+$0x14050]  }
0x166: {  	v16 =	vld [tilespmem:s21+$0x14070]  }
0x167: {  	v17 =	vld [tilespmem:s21+$0x14060]  }
0x168: {  	v18 =	vld [tilespmem:s21+$0x14000]  }
0x169: {  	v19 =	vld [tilespmem:s21+$0x140B0]  }
0x16a: {  	v21 =	vld [tilespmem:s21+$0x14040]  }
0x16b: {  	s3 =	sshrl.u32 s1, s31;
	v29 =	vld [tilespmem:s21+$0x140D0]  }
0x16c: {  	v12 =	vor.u32 s3, v9  }
0x16d: {  	v13 =	vsub.s32 v13, v12;
	v14 =	vsub.s32 v14, v12  }
0x16e: {  	v15 =	vsub.s32 v15, v12;
	v16 =	vsub.s32 v16, v12;
	v27 =	vsub.s32 v17, v12  }
0x16f: {  	v24 =	vld [tilespmem:s21+$0x14030];
	v17 =	vsub.s32 v18, v12;
	v26 =	vsub.s32 v19, v12;
	v31 =	vsub.s32 v21, v12  }
0x170: {  	v23 =	vld [tilespmem:s21+$0x14020];
	v29 =	vsub.s32 v29, v12;
	v21 =	vimm.s32 $0x0;
	v19 =	vimm.s32 $0x0  }
0x171: {  	v20 =	vld [tilespmem:s21+$0x140A0];
	v14 =	vshra.s32 v14, $0x1F;
	v15 =	vshra.s32 v15, $0x1F;
	v16 =	vshra.s32 v16, $0x1F  }
0x172: {  	v25 =	vld [tilespmem:s21+$0x14010];
	v13 =	vshra.s32 v13, $0x1F;
	v22 =	vadd.s32 v10, v15;
	v15 =	vadd.s32 v10, v16  }
0x173: {  	v28 =	vld [tilespmem:s21+$0x140C0];
	v16 =	vshra.s32 v17, $0x1F;
	v17 =	vimm.s32 $0x0;
	v13 =	vadd.s32 v13, v15  }
0x174: {  	s26 =	simm.s32 $0x400;
	v30 =	vld [tilespmem:s21+$0x14080];
	v18 =	vadd.s32 v10, v16;
	v15 =	vimm.s32 $0x0;
	v16 =	vimm.s32 $0x0  }
.LBB2_17:
0x175: {  	p0 =	sne.s32 s26, $0x7C00;
	v24 =	vsub.s32 v24, v12;
	v27 =	vshra.s32 v27, $0x1F;
	v32 =	vld [tilespmem:s21+$0x14090];
	s21 =	sshra.s32 s26, $0x2;
	s26 =	sadd.s32 $0x400, s26;
	v29 =	vshra.s32 v29, $0x1F  }
0x176: {  	v23 =	vsub.s32 v23, v12;
	v33 =	vld [tilespmem:s21+$0x140D0];
	v15 =	vadd.s32 v15, v27;
	v22 =	vadd.s32 v29, v22  }
0x177: {  	v26 =	vshra.s32 v26, $0x1F;
	v23 =	vshra.s32 v23, $0x1F;
	v29 =	vshra.s32 v31, $0x1F;
	v27 =	vld [tilespmem:s21+$0x140F0]  }
0x178: {  	v25 =	vsub.s32 v25, v12;
	v15 =	vadd.s32 v14, v15;
	v31 =	vld [tilespmem:s21+$0x14000];
	v28 =	vsub.s32 v28, v12  }
0x179: {  	v21 =	vadd.s32 v21, v29;
	v25 =	vshra.s32 v25, $0x1F;
	v14 =	vld [tilespmem:s21+$0x140E0];
	v29 =	vsub.s32 v30, v12  }
0x17a: {  	v24 =	vshra.s32 v24, $0x1F;
	v28 =	vshra.s32 v28, $0x1F;
	v30 =	vld [tilespmem:s21+$0x14050];
	v32 =	vsub.s32 v32, v12  }
0x17b: {  	v20 =	vsub.s32 v20, v12;
	v16 =	vadd.s32 v16, v24;
	v29 =	vshra.s32 v29, $0x1F;
	v34 =	vld [tilespmem:s21+$0x14070]  }
0x17c: {  	v16 =	vadd.s32 v26, v16;
	v24 =	vshra.s32 v32, $0x1F;
	v35 =	vld [tilespmem:s21+$0x14060];
	v27 =	vsub.s32 v27, v12  }
0x17d: {  	v19 =	vadd.s32 v19, v23;
	v17 =	vadd.s32 v17, v25;
	v21 =	vadd.s32 v28, v21;
	v26 =	vld [tilespmem:s21+$0x140B0]  }
0x17e: {  	v20 =	vshra.s32 v20, $0x1F;
	v17 =	vadd.s32 v24, v17;
	v32 =	vld [tilespmem:s21+$0x14040];
	v14 =	vsub.s32 v14, v12  }
0x17f: {  	v19 =	vadd.s32 v20, v19;
	v18 =	vadd.s32 v29, v18;
	v24 =	vld [tilespmem:s21+$0x14030];
	v14 =	vshra.s32 v14, $0x1F  }
.Ltmp7:
0x180: {  	v29 =	vshra.s32 v27, $0x1F;
	v20 =	vsub.s32 v30, v12;
	v23 =	vld [tilespmem:s21+$0x14020];
	v25 =	vsub.s32 v34, v12;
	(pc) =	sbr.rel @p0 .LBB2_17-.Ltmp7, $4  }
0x181: {  	v28 =	vshra.s32 v20, $0x1F;
	v27 =	vsub.s32 v35, v12;
	v30 =	vshra.s32 v25, $0x1F;
	v20 =	vld [tilespmem:s21+$0x140A0]  }
0x182: {  	v31 =	vsub.s32 v31, v12;
	v22 =	vadd.s32 v22, v28;
	v25 =	vld [tilespmem:s21+$0x14010];
	v13 =	vadd.s32 v13, v30  }
0x183: {  	v30 =	vshra.s32 v31, $0x1F;
	v26 =	vsub.s32 v26, v12;
	v28 =	vld [tilespmem:s21+$0x140C0];
	v13 =	vadd.s32 v29, v13  }
0x184: {  	v18 =	vadd.s32 v18, v30;
	v31 =	vsub.s32 v32, v12;
	v29 =	vsub.s32 v33, v12;
	v30 =	vld [tilespmem:s21+$0x14080]  }
0x185: {  	v32 =	vld [tilespmem:s21+$0x14090]  }
0x186: {  	v24 =	vsub.s32 v24, v12;
	v27 =	vshra.s32 v27, $0x1F;
	v23 =	vsub.s32 v23, v12  }
0x187: {  	v31 =	vshra.s32 v31, $0x1F;
	v26 =	vshra.s32 v26, $0x1F;
	v23 =	vshra.s32 v23, $0x1F  }
0x188: {  	v21 =	vadd.s32 v21, v31;
	v24 =	vshra.s32 v24, $0x1F;
	v20 =	vsub.s32 v20, v12  }
0x189: {  	v25 =	vsub.s32 v25, v12;
	v19 =	vadd.s32 v19, v23;
	v20 =	vshra.s32 v20, $0x1F  }
0x18a: {  	v25 =	vshra.s32 v25, $0x1F;
	v30 =	vsub.s32 v30, v12;
	v58 =	vsub.s32 v32, v12  }
0x18b: {  	v17 =	vadd.s32 v17, v25;
	v30 =	vshra.s32 v30, $0x1F;
	v31 =	vshra.s32 v58, $0x1F  }
0x18c: {  	v16 =	vadd.s32 v16, v24;
	v18 =	vadd.s32 v30, v18;
	v17 =	vadd.s32 v31, v17  }
0x18d: {  	v28 =	vsub.s32 v28, v12;
	v19 =	vadd.s32 v20, v19;
	v17 =	vadd.s32 v17, v18  }
0x18e: {  	v16 =	vadd.s32 v26, v16;
	v59 =	vshra.s32 v28, $0x1F;
	v17 =	vadd.s32 v19, v17  }
0x18f: {  	v60 =	vshra.s32 v29, $0x1F;
	v18 =	vadd.s32 v59, v21;
	v16 =	vadd.s32 v16, v17  }
0x190: {  	v15 =	vadd.s32 v15, v27;
	v61 =	vadd.s32 v60, v22;
	v16 =	vadd.s32 v18, v16  }
0x191: {  	v14 =	vadd.s32 v14, v15;
	v62 =	vadd.s32 v61, v16  }
0x192: {  	v14 =	vadd.s32 v14, v62  }
0x193: {  	v13 =	vadd.s32 v13, v14  }
0x194: {  	v13 =	vsub.s32 $0x0, v13  }
0x195: {  	v13 =	vcvt.s32.f32 v13;
	_ =	sdelay $0x1  }
0x196: {  	v63 =	vperm.xlane v13, v0;
	_ =	sdelay $0x1  }
0x197: {  	v13 =	vadd.f32 v13, v63;
	_ =	sdelay $0x1  }
0x198: {  	v14 =	vperm.xlane v13, v1;
	_ =	sdelay $0x1  }
0x199: {  	v13 =	vadd.f32 v14, v13;
	_ =	sdelay $0x1  }
0x19a: {  	v14 =	vperm.xlane v13, v2;
	_ =	sdelay $0x1  }
0x19b: {  	v13 =	vadd.f32 v14, v13  }
0x19c: {  	s31 =	sadd.s32 $0x1, s31  }
0x19d: {  	p0 =	sne.s32 s31, $0x1F;
	v14 =	vperm.xlane v13, v3  }
.Ltmp8:
0x19e: {  	_ = 	snop;
	(pc) =	sbr.rel @p0 .LBB2_16-.Ltmp8, $3  }
0x19f: {  	v13 =	vadd.f32 v14, v13;
	_ =	sdelay $0x1  }
0x1a0: {  	vm0 =	vlt.f32 v13, v11  }
0x1a1: {  	v9 =	vsel vm0, v12, v9  }
0x1a2: {  	s31 =	simm.s32 $0x0  }
0x1a3: {  	v10 =	vld [tilespmem:s31+$0x14020]  }
0x1a4: {  	v13 =	vld [tilespmem:s31+$0x14000]  }
0x1a5: {  	v19 =	vld [tilespmem:s31+$0x14010]  }
0x1a6: {  	v11 =	vld [tilespmem:s31+$0x14030]  }
0x1a7: {  	v15 =	vld [tilespmem:s31+$0x4000]  }
0x1a8: {  	v14 =	vld [tilespmem:s31+$0x4020]  }
0x1a9: {  	v18 =	vimm.f32 $0.0e+00;
	v20 =	vimm.f32 $0.0e+00;
	v12 =	vld [tilespmem:s31+$0x4010]  }
0x1aa: {  	s21 =	simm.s32 $0x40;
	vm0 =	vgt.s32 v13, v9;
	v13 =	vld [tilespmem:s31+$0x4030];
	vm2 =	vgt.s32 v10, v9;
	vm1 =	vgt.s32 v19, v9  }
0x1ab: {  	v16 =	vld [tilespmem:s21+$0x14020];
	v10 =	vimm.f32 $0.0e+00;
	v21 =	vsel vm0, $0x3F800000, v4;
	vm0 =	vgt.s32 v11, v9  }
0x1ac: {  	s26 =	simm.s32 $0x200;
	v17 =	vld [tilespmem:s21+$0x14030];
	v19 =	vsel vm2, $0x3F800000, v4;
	v11 =	vimm.f32 $0.0e+00;
	v15 =	vmul.f32 v21, v15;
	[tilespmem:s31+$0xC000] =	vst v21  }
.LBB2_20:
0x1ad: {  	p0 =	sne.s32 s26, $0x7F00;
	v22 =	vld [tilespmem:s21+$0x14000];
	v23 =	vsel vm1, $0x3F800000, v4;
	v24 =	vmul.f32 v19, v14;
	[tilespmem:s31+$0xC020] =	vst v19;
	v25 =	vsel vm0, $0x3F800000, v4  }
0x1ae: {  	v26 =	vld [tilespmem:s21+$0x14010];
	[tilespmem:s31+$0x4000] =	vst v15;
	v14 =	vand.u32 $0x7FFFFFFF, v15;
	v15 =	vadd.f32 v21, v18;
	v12 =	vmul.f32 v23, v12  }
0x1af: {  	v20 =	vadd.f32 v23, v20;
	v27 =	vld [tilespmem:s21+$0x4000];
	v11 =	vadd.f32 v14, v11;
	[tilespmem:s31+$0x4020] =	vst v24;
	v13 =	vmul.f32 v25, v13  }
.Ltmp9:
0x1b0: {  	v24 =	vand.u32 $0x7FFFFFFF, v24;
	v14 =	vld [tilespmem:s21+$0x4020];
	[tilespmem:s31+$0x4010] =	vst v12;
	v21 =	vand.u32 $0x7FFFFFFF, v12;
	v18 =	vadd.f32 v19, v15;
	(pc) =	sbr.rel @p0 .LBB2_20-.Ltmp9, $4  }
0x1b1: {  	v20 =	vadd.f32 v25, v20;
	v12 =	vld [tilespmem:s21+$0x4010];
	v10 =	vadd.f32 v21, v10;
	[tilespmem:s31+$0x4030] =	vst v13;
	v15 =	vand.u32 $0x7FFFFFFF, v13  }
0x1b2: {  	s3 =	sshra.s32 s26, $0x2;
	vm2 =	vgt.s32 v16, v9;
	v11 =	vadd.f32 v24, v11;
	vm0 =	vgt.s32 v22, v9;
	v13 =	vld [tilespmem:s21+$0x4030];
	[tilespmem:s31+$0xC010] =	vst v23  }
0x1b3: {  	v16 =	vld [tilespmem:s3+$0x14020];
	v21 =	vsel vm0, $0x3F800000, v4;
	vm0 =	vgt.s32 v17, v9;
	[tilespmem:s31+$0xC030] =	vst v25;
	v10 =	vadd.f32 v15, v10;
	s31 =	smov.u32 s21;
	s21 =	smov.u32 s3  }
0x1b4: {  	s26 =	sadd.s32 $0x100, s26;
	v19 =	vsel vm2, $0x3F800000, v4;
	vm1 =	vgt.s32 v26, v9;
	v17 =	vld [tilespmem:s21+$0x14030];
	v15 =	vmul.f32 v21, v27;
	[tilespmem:s31+$0xC000] =	vst v21  }
0x1b5: {  	v22 =	vld [tilespmem:s21+$0x14000];
	[tilespmem:s31+$0xC020] =	vst v19  }
0x1b6: {  	v23 =	vld [tilespmem:s21+$0x14010];
	_ =	sdelay $0x1  }
0x1b7: {  	v24 =	vsel vm1, $0x3F800000, v4;
	v18 =	vadd.f32 v21, v18  }
0x1b8: {  	v20 =	vadd.f32 v24, v20  }
0x1b9: {  	v49 =	vsel vm0, $0x3F800000, v4;
	v18 =	vadd.f32 v19, v18  }
0x1ba: {  	v20 =	vadd.f32 v49, v20;
	vm13 =	vgt.s32 v22, v9;
	vm14 =	vgt.s32 v23, v9  }
0x1bb: {  	vm2 =	vgt.s32 v16, v9;
	v50 =	vsel vm13, $0x3F800000, v4;
	v51 =	vsel vm14, $0x3F800000, v4  }
0x1bc: {  	vm15 =	vgt.s32 v17, v9;
	v9 =	vadd.f32 v50, v18;
	v52 =	vadd.f32 v51, v20  }
0x1bd: {  	v53 =	vsel vm2, $0x3F800000, v4;
	v54 =	vsel vm15, $0x3F800000, v4  }
0x1be: {  	v9 =	vadd.f32 v53, v9;
	v17 =	vadd.f32 v54, v52;
	_ =	sdelay $0x1  }
0x1bf: {  	v9 =	vadd.f32 v17, v9;
	_ =	sdelay $0x1  }
0x1c0: {  	v17 =	vperm.xlane v9, v0;
	_ =	sdelay $0x1  }
0x1c1: {  	v9 =	vadd.f32 v17, v9  }
0x1c2: {  	v14 =	vmul.f32 v19, v14  }
0x1c3: {  	[tilespmem:s31+$0x4000] =	vst v15;
	v12 =	vmul.f32 v24, v12;
	v57 =	vperm.xlane v9, v1  }
0x1c4: {  	v55 =	vld [tilespmem:s21+$0x4000];
	[tilespmem:s31+$0x4020] =	vst v14;
	v13 =	vmul.f32 v49, v13  }
0x1c5: {  	v56 =	vld [tilespmem:s21+$0x4020];
	[tilespmem:s31+$0x4010] =	vst v12;
	v9 =	vadd.f32 v57, v9  }
0x1c6: {  	v25 =	vld [tilespmem:s21+$0x4010];
	[tilespmem:s31+$0x4030] =	vst v13  }
0x1c7: {  	v58 =	vld [tilespmem:s21+$0x4030];
	[tilespmem:s31+$0xC010] =	vst v24;
	v59 =	vperm.xlane v9, v2  }
0x1c8: {  	[tilespmem:s31+$0xC030] =	vst v49  }
0x1c9: {  	[tilespmem:s21+$0xC020] =	vst v53;
	v9 =	vadd.f32 v59, v9  }
0x1ca: {  	[tilespmem:s21+$0xC030] =	vst v54  }
0x1cb: {  	v19 =	vmul.f32 v50, v55;
	[tilespmem:s21+$0xC000] =	vst v50;
	v62 =	vperm.xlane v9, v3  }
0x1cc: {  	v60 =	vmul.f32 v53, v56;
	[tilespmem:s21+$0xC010] =	vst v51  }
0x1cd: {  	v15 =	vand.u32 $0x7FFFFFFF, v15;
	[tilespmem:s21+$0x4000] =	vst v19;
	v61 =	vmul.f32 v51, v25;
	v9 =	vadd.f32 v62, v9  }
0x1ce: {  	v11 =	vadd.f32 v15, v11;
	v12 =	vand.u32 $0x7FFFFFFF, v12;
	[tilespmem:s21+$0x4020] =	vst v60;
	v63 =	vmul.f32 v54, v58  }
0x1cf: {  	v14 =	vand.u32 $0x7FFFFFFF, v14;
	v10 =	vadd.f32 v12, v10;
	[tilespmem:s21+$0x4010] =	vst v61;
	v9 =	vmul.f32 $1.220703130e-04, v9  }
0x1d0: {  	v12 =	vand.u32 $0x7FFFFFFF, v13;
	v11 =	vadd.f32 v14, v11;
	[tilespmem:s21+$0x4030] =	vst v63  }
0x1d1: {  	[tilespmem:$0x180A0] =	vst v9;
	v9 =	vadd.f32 v12, v10;
	v10 =	vand.u32 $0x7FFFFFFF, v19  }
0x1d2: {  	[hbm4b:s16+s24] =	stream.strided.scatter [tilespmem:s28], [sflag:$0x1], $0x2000, s20, s24, $0x38;
	v10 =	vadd.f32 v10, v11;
	v11 =	vand.u32 $0x7FFFFFFF, v61;
	[tilespmem:$0x18180] =	vst v63  }
0x1d3: {  	s3 =	simm.s32 $0xC000;
	v12 =	vand.u32 $0x7FFFFFFF, v60;
	v9 =	vadd.f32 v11, v9  }
0x1d4: {  	v11 =	vand.u32 $0x7FFFFFFF, v63;
	[hbm4b:s17+s24] =	stream.strided.scatter [tilespmem:s3], [sflag:$0x1], $0x2000, s20, s24, $0x38;
	v10 =	vadd.f32 v12, v10;
	[tilespmem:$0x18180] =	vst v63  }
0x1d5: {  	s31 =	simm.s32 $0x0;
	v12 =	vimm.s32 $0x0;
	v9 =	vadd.f32 v11, v9;
	v13 =	vld [tilespmem:$0x18030];
	v11 =	vimm.s32 $0x0  }
.LBB2_22:
0x1d6: {  	s21 =	simm.s32 $0x0  }
0x1d7: {  	v15 =	vld [tilespmem:s21+$0x160F0]  }
0x1d8: {  	v16 =	vld [tilespmem:s21+$0x160E0]  }
0x1d9: {  	v17 =	vld [tilespmem:s21+$0x16050]  }
0x1da: {  	v18 =	vld [tilespmem:s21+$0x16070]  }
0x1db: {  	v19 =	vld [tilespmem:s21+$0x16060]  }
0x1dc: {  	v20 =	vld [tilespmem:s21+$0x16000]  }
0x1dd: {  	v21 =	vld [tilespmem:s21+$0x160B0]  }
0x1de: {  	v23 =	vld [tilespmem:s21+$0x16040]  }
0x1df: {  	s3 =	sshrl.u32 s1, s31;
	v31 =	vld [tilespmem:s21+$0x160D0]  }
0x1e0: {  	v14 =	vor.u32 s3, v11  }
0x1e1: {  	v15 =	vsub.s32 v15, v14;
	v16 =	vsub.s32 v16, v14  }
0x1e2: {  	v17 =	vsub.s32 v17, v14;
	v18 =	vsub.s32 v18, v14;
	v29 =	vsub.s32 v19, v14  }
0x1e3: {  	v26 =	vld [tilespmem:s21+$0x16030];
	v19 =	vsub.s32 v20, v14;
	v28 =	vsub.s32 v21, v14;
	v33 =	vsub.s32 v23, v14  }
0x1e4: {  	v25 =	vld [tilespmem:s21+$0x16020];
	v31 =	vsub.s32 v31, v14;
	v23 =	vimm.s32 $0x0;
	v21 =	vimm.s32 $0x0  }
0x1e5: {  	v22 =	vld [tilespmem:s21+$0x160A0];
	v16 =	vshra.s32 v16, $0x1F;
	v17 =	vshra.s32 v17, $0x1F;
	v18 =	vshra.s32 v18, $0x1F  }
0x1e6: {  	v27 =	vld [tilespmem:s21+$0x16010];
	v15 =	vshra.s32 v15, $0x1F;
	v24 =	vadd.s32 v12, v17;
	v17 =	vadd.s32 v12, v18  }
0x1e7: {  	v30 =	vld [tilespmem:s21+$0x160C0];
	v18 =	vshra.s32 v19, $0x1F;
	v19 =	vimm.s32 $0x0;
	v15 =	vadd.s32 v15, v17  }
0x1e8: {  	s26 =	simm.s32 $0x400;
	v32 =	vld [tilespmem:s21+$0x16080];
	v20 =	vadd.s32 v12, v18;
	v17 =	vimm.s32 $0x0;
	v18 =	vimm.s32 $0x0  }
.LBB2_23:
0x1e9: {  	p0 =	sne.s32 s26, $0x7C00;
	v26 =	vsub.s32 v26, v14;
	v29 =	vshra.s32 v29, $0x1F;
	v34 =	vld [tilespmem:s21+$0x16090];
	s21 =	sshra.s32 s26, $0x2;
	s26 =	sadd.s32 $0x400, s26;
	v31 =	vshra.s32 v31, $0x1F  }
0x1ea: {  	v25 =	vsub.s32 v25, v14;
	v35 =	vld [tilespmem:s21+$0x160D0];
	v17 =	vadd.s32 v17, v29;
	v24 =	vadd.s32 v31, v24  }
0x1eb: {  	v28 =	vshra.s32 v28, $0x1F;
	v25 =	vshra.s32 v25, $0x1F;
	v31 =	vshra.s32 v33, $0x1F;
	v29 =	vld [tilespmem:s21+$0x160F0]  }
0x1ec: {  	v27 =	vsub.s32 v27, v14;
	v17 =	vadd.s32 v16, v17;
	v33 =	vld [tilespmem:s21+$0x16000];
	v30 =	vsub.s32 v30, v14  }
0x1ed: {  	v23 =	vadd.s32 v23, v31;
	v27 =	vshra.s32 v27, $0x1F;
	v16 =	vld [tilespmem:s21+$0x160E0];
	v31 =	vsub.s32 v32, v14  }
0x1ee: {  	v26 =	vshra.s32 v26, $0x1F;
	v30 =	vshra.s32 v30, $0x1F;
	v32 =	vld [tilespmem:s21+$0x16050];
	v34 =	vsub.s32 v34, v14  }
0x1ef: {  	v22 =	vsub.s32 v22, v14;
	v18 =	vadd.s32 v18, v26;
	v31 =	vshra.s32 v31, $0x1F;
	v36 =	vld [tilespmem:s21+$0x16070]  }
0x1f0: {  	v18 =	vadd.s32 v28, v18;
	v26 =	vshra.s32 v34, $0x1F;
	v37 =	vld [tilespmem:s21+$0x16060];
	v29 =	vsub.s32 v29, v14  }
0x1f1: {  	v21 =	vadd.s32 v21, v25;
	v19 =	vadd.s32 v19, v27;
	v23 =	vadd.s32 v30, v23;
	v28 =	vld [tilespmem:s21+$0x160B0]  }
0x1f2: {  	v22 =	vshra.s32 v22, $0x1F;
	v19 =	vadd.s32 v26, v19;
	v34 =	vld [tilespmem:s21+$0x16040];
	v16 =	vsub.s32 v16, v14  }
0x1f3: {  	v21 =	vadd.s32 v22, v21;
	v20 =	vadd.s32 v31, v20;
	v26 =	vld [tilespmem:s21+$0x16030];
	v16 =	vshra.s32 v16, $0x1F  }
.Ltmp10:
0x1f4: {  	v31 =	vshra.s32 v29, $0x1F;
	v22 =	vsub.s32 v32, v14;
	v25 =	vld [tilespmem:s21+$0x16020];
	v27 =	vsub.s32 v36, v14;
	(pc) =	sbr.rel @p0 .LBB2_23-.Ltmp10, $4  }
0x1f5: {  	v30 =	vshra.s32 v22, $0x1F;
	v29 =	vsub.s32 v37, v14;
	v32 =	vshra.s32 v27, $0x1F;
	v22 =	vld [tilespmem:s21+$0x160A0]  }
0x1f6: {  	v33 =	vsub.s32 v33, v14;
	v24 =	vadd.s32 v24, v30;
	v27 =	vld [tilespmem:s21+$0x16010];
	v15 =	vadd.s32 v15, v32  }
0x1f7: {  	v32 =	vshra.s32 v33, $0x1F;
	v28 =	vsub.s32 v28, v14;
	v30 =	vld [tilespmem:s21+$0x160C0];
	v15 =	vadd.s32 v31, v15  }
0x1f8: {  	v20 =	vadd.s32 v20, v32;
	v33 =	vsub.s32 v34, v14;
	v31 =	vsub.s32 v35, v14;
	v32 =	vld [tilespmem:s21+$0x16080]  }
0x1f9: {  	v34 =	vld [tilespmem:s21+$0x16090]  }
0x1fa: {  	v26 =	vsub.s32 v26, v14;
	v29 =	vshra.s32 v29, $0x1F;
	v25 =	vsub.s32 v25, v14  }
0x1fb: {  	v33 =	vshra.s32 v33, $0x1F;
	v28 =	vshra.s32 v28, $0x1F;
	v25 =	vshra.s32 v25, $0x1F  }
0x1fc: {  	v23 =	vadd.s32 v23, v33;
	v26 =	vshra.s32 v26, $0x1F;
	v22 =	vsub.s32 v22, v14  }
0x1fd: {  	v27 =	vsub.s32 v27, v14;
	v21 =	vadd.s32 v21, v25;
	v22 =	vshra.s32 v22, $0x1F  }
0x1fe: {  	v27 =	vshra.s32 v27, $0x1F;
	v32 =	vsub.s32 v32, v14;
	v58 =	vsub.s32 v34, v14  }
0x1ff: {  	v19 =	vadd.s32 v19, v27;
	v32 =	vshra.s32 v32, $0x1F;
	v33 =	vshra.s32 v58, $0x1F  }
0x200: {  	v18 =	vadd.s32 v18, v26;
	v20 =	vadd.s32 v32, v20;
	v19 =	vadd.s32 v33, v19  }
0x201: {  	v30 =	vsub.s32 v30, v14;
	v21 =	vadd.s32 v22, v21;
	v19 =	vadd.s32 v19, v20  }
0x202: {  	v18 =	vadd.s32 v28, v18;
	v59 =	vshra.s32 v30, $0x1F;
	v19 =	vadd.s32 v21, v19  }
0x203: {  	v60 =	vshra.s32 v31, $0x1F;
	v20 =	vadd.s32 v59, v23;
	v18 =	vadd.s32 v18, v19  }
0x204: {  	v17 =	vadd.s32 v17, v29;
	v61 =	vadd.s32 v60, v24;
	v18 =	vadd.s32 v20, v18  }
0x205: {  	v16 =	vadd.s32 v16, v17;
	v62 =	vadd.s32 v61, v18  }
0x206: {  	v16 =	vadd.s32 v16, v62  }
0x207: {  	v15 =	vadd.s32 v15, v16  }
0x208: {  	v15 =	vsub.s32 $0x0, v15  }
0x209: {  	v15 =	vcvt.s32.f32 v15;
	_ =	sdelay $0x1  }
0x20a: {  	v63 =	vperm.xlane v15, v0;
	_ =	sdelay $0x1  }
0x20b: {  	v15 =	vadd.f32 v15, v63;
	_ =	sdelay $0x1  }
0x20c: {  	v16 =	vperm.xlane v15, v1;
	_ =	sdelay $0x1  }
0x20d: {  	v15 =	vadd.f32 v16, v15;
	_ =	sdelay $0x1  }
0x20e: {  	v16 =	vperm.xlane v15, v2;
	_ =	sdelay $0x1  }
0x20f: {  	v15 =	vadd.f32 v16, v15  }
0x210: {  	s31 =	sadd.s32 $0x1, s31  }
0x211: {  	p0 =	sne.s32 s31, $0x1F;
	v16 =	vperm.xlane v15, v3  }
.Ltmp11:
0x212: {  	_ = 	snop;
	(pc) =	sbr.rel @p0 .LBB2_22-.Ltmp11, $3  }
0x213: {  	v15 =	vadd.f32 v16, v15;
	_ =	sdelay $0x1  }
0x214: {  	vm0 =	vlt.f32 v15, v13  }
0x215: {  	v11 =	vsel vm0, v14, v11  }
0x216: {  	s21 =	simm.s32 $0x0  }
0x217: {  	v12 =	vld [tilespmem:s21+$0x16020]  }
0x218: {  	v16 =	vld [tilespmem:s21+$0x16000]  }
0x219: {  	v18 =	vld [tilespmem:s21+$0x16010]  }
0x21a: {  	v13 =	vld [tilespmem:s21+$0x16030]  }
0x21b: {  	v19 =	vld [tilespmem:s21+$0x6000]  }
0x21c: {  	v17 =	vld [tilespmem:s21+$0x6020]  }
0x21d: {  	v14 =	vimm.f32 $0.0e+00;
	v22 =	vimm.f32 $0.0e+00;
	v15 =	vld [tilespmem:s21+$0x6010]  }
0x21e: {  	s31 =	simm.s32 $0x40;
	vm0 =	vgt.s32 v16, v11;
	v16 =	vld [tilespmem:s21+$0x6030];
	vm2 =	vgt.s32 v12, v11;
	vm1 =	vgt.s32 v18, v11  }
0x21f: {  	v12 =	vld [tilespmem:s31+$0x16020];
	v18 =	vimm.f32 $0.0e+00;
	v21 =	vsel vm0, $0x3F800000, v4;
	vm0 =	vgt.s32 v13, v11  }
0x220: {  	s26 =	simm.s32 $0x200;
	v13 =	vld [tilespmem:s31+$0x16030];
	v20 =	vsel vm2, $0x3F800000, v4;
	v23 =	vmul.f32 v21, v19;
	[tilespmem:s21+$0xE000] =	vst v21;
	v19 =	vimm.f32 $0.0e+00  }
.LBB2_26:
0x221: {  	p0 =	sne.s32 s26, $0x7F00;
	v24 =	vld [tilespmem:s31+$0x16000];
	v25 =	vsel vm1, $0x3F800000, v4;
	v26 =	vmul.f32 v20, v17;
	[tilespmem:s21+$0xE020] =	vst v20;
	v27 =	vsel vm0, $0x3F800000, v4  }
0x222: {  	v14 =	vadd.f32 v21, v14;
	v28 =	vld [tilespmem:s31+$0x16010];
	[tilespmem:s21+$0x6000] =	vst v23;
	v17 =	vand.u32 $0x7FFFFFFF, v23;
	v15 =	vmul.f32 v25, v15  }
0x223: {  	v19 =	vadd.f32 v25, v19;
	v23 =	vld [tilespmem:s31+$0x6000];
	v21 =	vadd.f32 v17, v22;
	[tilespmem:s21+$0x6020] =	vst v26;
	v16 =	vmul.f32 v27, v16  }
.Ltmp12:
0x224: {  	v26 =	vand.u32 $0x7FFFFFFF, v26;
	v14 =	vadd.f32 v20, v14;
	v17 =	vld [tilespmem:s31+$0x6020];
	[tilespmem:s21+$0x6010] =	vst v15;
	v22 =	vand.u32 $0x7FFFFFFF, v15;
	(pc) =	sbr.rel @p0 .LBB2_26-.Ltmp12, $4  }
0x225: {  	v19 =	vadd.f32 v27, v19;
	v15 =	vld [tilespmem:s31+$0x6010];
	v18 =	vadd.f32 v22, v18;
	[tilespmem:s21+$0x6030] =	vst v16;
	v20 =	vand.u32 $0x7FFFFFFF, v16  }
0x226: {  	s3 =	sshra.s32 s26, $0x2;
	vm2 =	vgt.s32 v12, v11;
	v22 =	vadd.f32 v26, v21;
	vm0 =	vgt.s32 v24, v11;
	v16 =	vld [tilespmem:s31+$0x6030];
	[tilespmem:s21+$0xE010] =	vst v25  }
0x227: {  	v12 =	vld [tilespmem:s3+$0x16020];
	v21 =	vsel vm0, $0x3F800000, v4;
	vm0 =	vgt.s32 v13, v11;
	[tilespmem:s21+$0xE030] =	vst v27;
	v18 =	vadd.f32 v20, v18;
	s21 =	smov.u32 s31;
	s31 =	smov.u32 s3  }
0x228: {  	s26 =	sadd.s32 $0x100, s26;
	vm1 =	vgt.s32 v28, v11;
	v20 =	vsel vm2, $0x3F800000, v4;
	v13 =	vld [tilespmem:s31+$0x16030];
	v23 =	vmul.f32 v21, v23;
	[tilespmem:s21+$0xE000] =	vst v21  }
0x229: {  	v26 =	vsel vm1, $0x3F800000, v4;
	v17 =	vmul.f32 v20, v17  }
0x22a: {  	v24 =	vld [tilespmem:s31+$0x16000];
	[tilespmem:s21+$0xE020] =	vst v20;
	v27 =	vsel vm0, $0x3F800000, v4;
	v14 =	vadd.f32 v21, v14;
	v5 =	vadd.f32 v6, v5  }
0x22b: {  	v25 =	vld [tilespmem:s31+$0x16010];
	[tilespmem:s21+$0x6000] =	vst v23;
	v38 =	vand.u32 $0x7FFFFFFF, v23;
	v15 =	vmul.f32 v26, v15;
	v19 =	vadd.f32 v26, v19  }
0x22c: {  	v28 =	vld [tilespmem:s31+$0x6000];
	v39 =	vadd.f32 v38, v22;
	[tilespmem:s21+$0x6020] =	vst v17;
	v16 =	vmul.f32 v27, v16;
	v17 =	vand.u32 $0x7FFFFFFF, v17  }
0x22d: {  	v14 =	vadd.f32 v20, v14;
	v5 =	vadd.f32 v8, v5;
	v41 =	vand.u32 $0x7FFFFFFF, v15  }
0x22e: {  	v40 =	vld [tilespmem:s31+$0x6020];
	[tilespmem:s21+$0x6010] =	vst v15;
	v19 =	vadd.f32 v27, v19;
	vm14 =	vgt.s32 v12, v11;
	v42 =	vadd.f32 v41, v18  }
0x22f: {  	v43 =	vand.u32 $0x7FFFFFFF, v16;
	v44 =	vld [tilespmem:s31+$0x6010];
	v45 =	vadd.f32 v17, v39;
	vm13 =	vgt.s32 v24, v11  }
0x230: {  	[tilespmem:s21+$0x6030] =	vst v16;
	vm15 =	vgt.s32 v13, v11;
	v46 =	vsel vm13, $0x3F800000, v4;
	vm2 =	vgt.s32 v25, v11  }
0x231: {  	v5 =	vadd.f32 v7, v5;
	v47 =	vld [tilespmem:s31+$0x6030];
	v6 =	vmul.f32 v46, v28;
	v11 =	vsel vm2, $0x3F800000, v4  }
0x232: {  	v48 =	vsel vm14, $0x3F800000, v4;
	v14 =	vadd.f32 v46, v14;
	v49 =	vadd.f32 v11, v19  }
0x233: {  	v50 =	vsel vm15, $0x3F800000, v4;
	v15 =	vadd.f32 v43, v42;
	v51 =	vand.u32 $0x7FFFFFFF, v6  }
0x234: {  	v14 =	vadd.f32 v48, v14;
	v20 =	vmul.f32 v11, v44;
	v18 =	vadd.f32 v50, v49  }
0x235: {  	v5 =	vadd.f32 v10, v5;
	v7 =	vmul.f32 v48, v40;
	v12 =	vadd.f32 v51, v45  }
0x236: {  	v13 =	vmul.f32 v50, v47;
	v52 =	vand.u32 $0x7FFFFFFF, v20;
	v53 =	vadd.f32 v18, v14  }
0x237: {  	v5 =	vadd.f32 v9, v5;
	v54 =	vand.u32 $0x7FFFFFFF, v7;
	v15 =	vadd.f32 v52, v15  }
0x238: {  	v55 =	vand.u32 $0x7FFFFFFF, v13;
	v12 =	vadd.f32 v54, v12;
	v56 =	vperm.xlane v53, v0  }
0x239: {  	v57 =	vadd.f32 v55, v15  }
0x23a: {  	v5 =	vadd.f32 v12, v5;
	v9 =	vadd.f32 v56, v53  }
0x23b: {  	v58 =	vand.u32 $0xF, v1  }
0x23c: {  	v5 =	vadd.f32 v57, v5;
	v59 =	vperm.xlane v9, v58;
	_ =	sdelay $0x1  }
0x23d: {  	v60 =	vperm.xlane v5, v0;
	v9 =	vadd.f32 v59, v9  }
0x23e: {  	v61 =	vand.u32 $0xF, v2  }
0x23f: {  	[tilespmem:s21+$0xE010] =	vst v26;
	v5 =	vadd.f32 v60, v5;
	v62 =	vperm.xlane v9, v61  }
0x240: {  	[tilespmem:s21+$0xE030] =	vst v27  }
0x241: {  	[tilespmem:s31+$0xE020] =	vst v48;
	v10 =	vperm.xlane v5, v58;
	v9 =	vadd.f32 v62, v9  }
0x242: {  	v63 =	vand.u32 $0xF, v3;
	[tilespmem:s31+$0xE030] =	vst v50  }
0x243: {  	[tilespmem:s31+$0x6000] =	vst v6;
	v5 =	vadd.f32 v10, v5;
	v6 =	vperm.xlane v9, v63  }
0x244: {  	[tilespmem:s31+$0xE000] =	vst v46  }
0x245: {  	[tilespmem:s31+$0x6020] =	vst v7;
	v7 =	vperm.xlane v5, v61;
	v6 =	vadd.f32 v6, v9  }
0x246: {  	[tilespmem:s31+$0xE010] =	vst v11  }
0x247: {  	[tilespmem:s31+$0x6010] =	vst v20;
	v5 =	vadd.f32 v7, v5;
	v6 =	vmul.f32 $1.220703130e-04, v6  }
0x248: {  	[tilespmem:s31+$0x6030] =	vst v13  }
0x249: {  	[tilespmem:$0x180B0] =	vst v6;
	v6 =	vperm.xlane v5, v63  }
0x24a: {  	[hbm4b:s18+s24] =	stream.strided.scatter [tilespmem:s30], [sflag:$0x1], $0x2000, s20, s24, $0x38;
	[tilespmem:$0x18180] =	vst v63  }
0x24b: {  	s3 =	simm.s32 $0xE000;
	v5 =	vadd.f32 v6, v5  }
0x24c: {  	[hbm4b:s22+s24] =	stream.strided.scatter [tilespmem:s3], [sflag:$0x1], $0x2000, s20, s24, $0x38;
	[tilespmem:$0x18180] =	vst v63  }
0x24d: {  	s26 =	simm.s32 $0x18080;
	[tilespmem:$0x18100] =	vst v5  }
0x24e: {  	[hbm4b:s15+s2] =	stream.linear.scatter [tilespmem:s26], [sflag:$0x1], $0x40, $0x38;
	[tilespmem:$0x18180] =	vst v63  }
0x24f: {  	s31 =	simm.s32 $0x18100  }
0x250: {  	[hbm4b:s19+s2] =	stream.linear.scatter [tilespmem:s31], [sflag:$0x1], $0x10, $0x38;
	[tilespmem:$0x18180] =	vst v63  }
0x251: {  	_ =	swait.ge [sflag:s0], $0x2000  }
0x252: {  	[sflag:s0] =	ssyncset.done $0x0  }
0x253: {  	[sflag:s0] =	ssyncadd.s32 $0xFFFFE000  }
0x254: {  	_ =	swait.ge [sflag:s0], $0x2000  }
0x255: {  	[sflag:s0] =	ssyncset.done $0x0  }
0x256: {  	[sflag:s0] =	ssyncadd.s32 $0xFFFFE000  }
0x257: {  	_ =	swait.ge [sflag:s0], $0x2000  }
0x258: {  	[sflag:s0] =	ssyncset.done $0x0  }
0x259: {  	[sflag:s0] =	ssyncadd.s32 $0xFFFFE000  }
0x25a: {  	_ =	swait.ge [sflag:s0], $0x2000  }
0x25b: {  	[sflag:s0] =	ssyncset.done $0x0  }
0x25c: {  	[sflag:s0] =	ssyncadd.s32 $0xFFFFE000  }
0x25d: {  	_ =	swait.ge [sflag:s0], $0x2000  }
0x25e: {  	[sflag:s0] =	ssyncset.done $0x0  }
0x25f: {  	[sflag:s0] =	ssyncadd.s32 $0xFFFFE000  }
0x260: {  	_ =	swait.ge [sflag:s0], $0x2000  }
0x261: {  	[sflag:s0] =	ssyncset.done $0x0  }
0x262: {  	[sflag:s0] =	ssyncadd.s32 $0xFFFFE000  }
0x263: {  	_ =	swait.ge [sflag:s0], $0x2000  }
0x264: {  	[sflag:s0] =	ssyncset.done $0x0  }
0x265: {  	[sflag:s0] =	ssyncadd.s32 $0xFFFFE000  }
0x266: {  	_ =	swait.ge [sflag:s0], $0x2000  }
0x267: {  	[sflag:s0] =	ssyncset.done $0x0  }
0x268: {  	s29 =	sadd.s32 $0x1, s29;
	[sflag:s0] =	ssyncadd.s32 $0xFFFFE000  }
0x269: {  	p0 =	sne.s32 s29, s23;
	_ =	swait.ge [sflag:s0], $0x40  }
.Ltmp13:
0x26a: {  	[sflag:s0] =	ssyncset.done $0x0;
	(pc) =	sbr.rel @p0 .LBB2_1-.Ltmp13, $4  }
0x26b: {  	[sflag:s0] =	ssyncadd.s32 $0xFFFFFFC0  }
0x26c: {  	_ =	swait.ge [sflag:s0], $0x10  }
0x26d: {  	[sflag:s0] =	ssyncset.done $0x0  }
0x26e: {  	[sflag:s0] =	ssyncadd.s32 $0xFFFFFFF0  }
0x26f: {  	_ =	sfence.sel $0x180000  }
0x270: {  	[bflag:$0x0] =	sbarrier.arrive $0xFFFF  }
0x271: {  	_ =	strace $0x90000047  }
0x272: {  	s0 =	stileid.u32;
	[bflag:$0x2] =	sbarrier.arrive $0xFFFF  }
0x273: {  	p0 =	sne.s32 s0, $0x0;
	s0 =	rddreg [dreg:$0x4]  }
0x274: {  	s0 =	sadd.s32 @!p0 $0x100000, s0  }
0x275: {  	[sflag:s0] =	ssyncadd.tile.s32 @!p0 $0x1;
	_ =	shalt  }
.Lfunc_end2:
_tile_overlayer_lowered:
.L_overlay_start_2:
0x276: {  	(tag) =	ssettag $0x2  }
0x277: {  	s0 =	rddreg [dreg:$0x0];
	s2 =	stileid.u32  }
0x278: {  	s1 =	rddreg [dreg:$0x1];
	p0 =	sne.s32 s2, $0x0  }
0x279: {  	s3 =	rddreg [dreg:$0x2];
	[bflag:$0x3] =	sbarrier.arrive $0xFFFF;
	s2 =	simm.s32 @!p0 $0x1C02  }
0x27a: {  	[timem:s3], [sflag:s2] =	dma.local @!p0 [hbm:s0], s1  }
0x27b: {  	s0 =	simm.s32 @!p0 $0x2  }
0x27c: {  	_ =	swait.ge @!p0 [sflag:s0], s1  }
0x27d: {  	s1 =	ssub.s32 @!p0 $0x0, s1;
	[sflag:s0] =	ssyncset.done @!p0 $0x0  }
0x27e: {  	[sflag:s0] =	ssyncadd.s32 @!p0 s1  }
0x27f: {  	[bflag:$0x3] =	sbarrier.arrive $0xFFFF  }
0x280: {  	_ =	shalt  }

</sc_bundles>
